<compile_context>
chip_gen: v7x
topology: tpu7x:2x2x1
jax: 0.10.2.dev20260603
libtpu: 0.0.44.dev20260713+nightly
codegen_flags: <defaults>
</compile_context>

<pallas_src>
import jax
import jax.numpy as jnp
from jax import lax
from jax.experimental import pallas as pl
from jax.experimental.pallas import tpu as pltpu
from jax.experimental.pallas import tpu_sc as plsc

N_NEURONS = 8192
D_STATE = 256
B = 4096

NC = 2
NS = 16
L = 16
NW = NC * NS
BPW = B // NW
G = 4
NSLOT = 2
NG = BPW // G

_mesh = plsc.VectorSubcoreMesh(
    core_axis_name="c", subcore_axis_name="s", num_cores=NC, num_subcores=NS
)


def _body(idx_hbm, sig_hbm, conn_hbm, sig_out, conn_out,
          idx_all, my_idx, rows_buf, out_buf, sig_buf,
          gsem0, gsem1, osem0, osem1, ssem, osig):
  gsems = [gsem0, gsem1]
  osems = [osem0, osem1]
  cid = lax.axis_index("c")
  sid = lax.axis_index("s")
  wid = sid * NC + cid
  base = wid * BPW

  pltpu.sync_copy(idx_hbm, idx_all)
  pltpu.sync_copy(idx_hbm.at[pl.ds(base, BPW)], my_idx.at[pl.ds(0, BPW)])

  SIGC = BPW // 2
  sig_cp = pltpu.async_copy(
      sig_hbm.at[my_idx.at[pl.ds(0, SIGC)]], sig_buf, ssem
  )

  def _row_src(r):
    vec = my_idx[pl.ds(r, L)]
    return conn_hbm.at[vec[0]]

  dummy_row = conn_hbm.at[0]

  def _rslot(slot, g):
    return rows_buf.at[pl.ds((slot * G + g) * N_NEURONS, N_NEURONS)]

  def _oslot(slot, g):
    return out_buf.at[pl.ds((slot * G + g) * B, B)]

  def _start_group(gi, slot):
    for g in range(G):
      pltpu.async_copy(_row_src(gi * G + g), _rslot(slot, g), gsems[slot])

  for slot in range(NSLOT):
    _start_group(slot, slot)

  @pl.loop(0, NG // NSLOT)
  def _grp(rr):
    for slot in range(NSLOT):
      gi = rr * NSLOT + slot
      for g in range(G):
        pltpu.make_async_copy(dummy_row, _rslot(slot, g), gsems[slot]).wait()

      @pl.when(rr > 0)
      def _():
        for g in range(G):
          pltpu.make_async_copy(
              _oslot(slot, g), conn_out.at[base], osems[slot]
          ).wait()

      @pl.loop(0, B // L, unroll=8)
      def _cols(j):
        cvec = idx_all[pl.ds(j * L, L)]
        for g in range(G):
          out_buf[pl.ds((slot * G + g) * B + j * L, L)] = plsc.load_gather(
              rows_buf, [cvec + jnp.int32((slot * G + g) * N_NEURONS)]
          )

      @pl.when(gi + NSLOT < NG)
      def _():
        _start_group(gi + NSLOT, slot)

      for g in range(G):
        pltpu.async_copy(
            _oslot(slot, g), conn_out.at[base + gi * G + g], osems[slot]
        )

  for slot in range(NSLOT):
    for g in range(G):
      pltpu.make_async_copy(
          _oslot(slot, g), conn_out.at[base], osems[slot]
      ).wait()

  sig_cp.wait()
  pltpu.async_copy(sig_buf, sig_out.at[pl.ds(base, SIGC)], osig).wait()
  pltpu.async_copy(
      sig_hbm.at[my_idx.at[pl.ds(SIGC, SIGC)]], sig_buf, ssem
  ).wait()
  pltpu.sync_copy(sig_buf, sig_out.at[pl.ds(base + SIGC, SIGC)])


@jax.jit
def _pool(indices, neuron_signatures, connection_strength):
  run = pl.kernel(
      _body,
      out_type=[
          jax.ShapeDtypeStruct((B, D_STATE), jnp.float32),
          jax.ShapeDtypeStruct((B, B), jnp.float32),
      ],
      mesh=_mesh,
      compiler_params=pltpu.CompilerParams(needs_layout_passes=False),
      scratch_types=[
          pltpu.VMEM((B,), jnp.int32),
          pltpu.VMEM((BPW + L,), jnp.int32),
          pltpu.VMEM((NSLOT * G * N_NEURONS,), jnp.float32),
          pltpu.VMEM((NSLOT * G * B,), jnp.float32),
          pltpu.VMEM((BPW // 2, D_STATE), jnp.float32),
          pltpu.SemaphoreType.DMA,
          pltpu.SemaphoreType.DMA,
          pltpu.SemaphoreType.DMA,
          pltpu.SemaphoreType.DMA,
          pltpu.SemaphoreType.DMA,
          pltpu.SemaphoreType.DMA,
      ],
  )
  sigs, conns = run(indices, neuron_signatures, connection_strength)
  return sigs, conns


def kernel(indices, neuron_signatures, connection_strength):
  idx = indices.astype(jnp.int32)
  return _pool(idx, neuron_signatures, connection_strength)

# --- scband reference (transcript-rebuilt; emitter-appended) ---
"""Pipeline reference for scband-global-neuron-pool-30571577213819 (READ-ONLY COPY).

The authoritative reference and input builder live on the scoring server;
editing this copy changes nothing except your own understanding.
"""

import jax, jax.numpy as jnp
import numpy as np
import math

N_NEURONS = 8192
D_STATE = 256
B = 4096

def setup_inputs(seed: int = 0) -> dict:
    key = jax.random.key(seed)
    k1, k2, k3 = jax.random.split(key, 3)
    indices = jax.random.randint(k1, (B,), 0, N_NEURONS, dtype=jnp.int64 if jax.config.jax_enable_x64 else jnp.int32)
    neuron_signatures = jax.random.normal(k2, (N_NEURONS, D_STATE), dtype=jnp.float32) / math.sqrt(D_STATE)
    connection_strength = jax.random.normal(k3, (N_NEURONS, N_NEURONS), dtype=jnp.float32) * 0.01
    return {"indices": indices, "neuron_signatures": neuron_signatures, "connection_strength": connection_strength}

def reference(indices, neuron_signatures, connection_strength):
    # get_signatures: gather rows of the signature table
    sigs = jnp.take(neuron_signatures, indices, axis=0)
    # get_connections: double gather -> [B, B] submatrix of connection strengths
    rows = jnp.take(connection_strength, indices, axis=0)
    conns = jnp.take(rows, indices, axis=1)
    return (sigs, conns)

if __name__ == "__main__":
    import jax
    _d = setup_inputs()
    print(jax.jit(kernel)(*tuple(_d.values())))

</pallas_src>

<mosaic_0001>
#map = affine_map<(d0, d1) -> (0)>
#map1 = affine_map<(d0, d1) -> (0, 0)>
module attributes {stable_mosaic.version = 14 : i64} {
  func.func @_body(%arg0: i32, %arg1: i32, %arg2: memref<4096xi32, #tpu.memory_space<hbm>>, %arg3: memref<8192x256xf32, #tpu.memory_space<hbm>>, %arg4: memref<8192x8192xf32, #tpu.memory_space<hbm>>, %arg5: memref<4096x256xf32, #tpu.memory_space<hbm>>, %arg6: memref<4096x4096xf32, #tpu.memory_space<hbm>>, %arg7: memref<4096xi32, #tpu.memory_space<vmem>>, %arg8: memref<144xi32, #tpu.memory_space<vmem>>, %arg9: memref<65536xf32, #tpu.memory_space<vmem>>, %arg10: memref<32768xf32, #tpu.memory_space<vmem>>, %arg11: memref<64x256xf32, #tpu.memory_space<vmem>>, %arg12: memref<!tpu.dma_semaphore, #tpu.memory_space<semaphore_mem>>, %arg13: memref<!tpu.dma_semaphore, #tpu.memory_space<semaphore_mem>>, %arg14: memref<!tpu.dma_semaphore, #tpu.memory_space<semaphore_mem>>, %arg15: memref<!tpu.dma_semaphore, #tpu.memory_space<semaphore_mem>>, %arg16: memref<!tpu.dma_semaphore, #tpu.memory_space<semaphore_mem>>, %arg17: memref<!tpu.dma_semaphore, #tpu.memory_space<semaphore_mem>>) attributes {dimension_semantics = [#tpu.dimension_semantics<core_parallel>, #tpu.dimension_semantics<subcore_parallel>], iteration_bounds = array<i64: 2, 16>, scalar_prefetch = 0 : i64, scratch_operands = 11 : i64, tpu.core_type = #tpu.core_type<sc_vector_subcore>, window_params = [{transform_indices = #map}, {transform_indices = #map1}, {transform_indices = #map1}, {transform_indices = #map1}, {transform_indices = #map1}]} {
    %mul3A = arith.constant 2 : i32
    %mul3A_0 = arith.muli %arg1, %mul3A : i32
    %add3A = arith.addi %mul3A_0, %arg0 : i32
    %mul3A_1 = arith.constant 128 : i32
    %mul3A_2 = arith.muli %add3A, %mul3A_1 : i32
    "tpu.region"() ({
      %run_scoped3A = tpu.sem_alloc : memref<!tpu.dma_semaphore, #tpu.memory_space<semaphore_mem>>
      tpu.enqueue_dma source(%arg2 : memref<4096xi32, #tpu.memory_space<hbm>>) target(%arg7 : memref<4096xi32, #tpu.memory_space<vmem>>) target_semaphore(%run_scoped3A : memref<!tpu.dma_semaphore, #tpu.memory_space<semaphore_mem>>)
      tpu.wait_dma2 semaphore(%run_scoped3A : memref<!tpu.dma_semaphore, #tpu.memory_space<semaphore_mem>>) src(%arg2 : memref<4096xi32, #tpu.memory_space<hbm>>) dst(%arg7 : memref<4096xi32, #tpu.memory_space<vmem>>)
      tpu.yield
    }) : () -> ()
    "tpu.region"() ({
      %run_scoped3A = tpu.sem_alloc : memref<!tpu.dma_semaphore, #tpu.memory_space<semaphore_mem>>
      %dma_start3A_225 = arith.constant 0 : i32
      %dma_start3A_226 = tpu.memref_slice %arg8[%dma_start3A_225] : memref<144xi32, #tpu.memory_space<vmem>> -> memref<128xi32, #tpu.memory_space<vmem>>
      %dma_start3A_227 = tpu.memref_slice %arg2[%mul3A_2] : memref<4096xi32, #tpu.memory_space<hbm>> -> memref<128xi32, #tpu.memory_space<hbm>>
      %dma_start3A_228 = arith.constant 0 : i32
      %dma_start3A_229 = tpu.memref_slice %arg8[%dma_start3A_228] : memref<144xi32, #tpu.memory_space<vmem>> -> memref<128xi32, #tpu.memory_space<vmem>>
      %dma_start3A_230 = tpu.memref_slice %arg2[%mul3A_2] : memref<4096xi32, #tpu.memory_space<hbm>> -> memref<128xi32, #tpu.memory_space<hbm>>
      tpu.enqueue_dma source(%dma_start3A_230 : memref<128xi32, #tpu.memory_space<hbm>>) target(%dma_start3A_229 : memref<128xi32, #tpu.memory_space<vmem>>) target_semaphore(%run_scoped3A : memref<!tpu.dma_semaphore, #tpu.memory_space<semaphore_mem>>)
      %dma_wait3A_231 = arith.constant 0 : i32
      %dma_wait3A_232 = tpu.memref_slice %arg8[%dma_wait3A_231] : memref<144xi32, #tpu.memory_space<vmem>> -> memref<128xi32, #tpu.memory_space<vmem>>
      %dma_wait3A_233 = tpu.memref_slice %arg2[%mul3A_2] : memref<4096xi32, #tpu.memory_space<hbm>> -> memref<128xi32, #tpu.memory_space<hbm>>
      %dma_wait3A_234 = arith.constant 0 : i32
      %dma_wait3A_235 = tpu.memref_slice %arg8[%dma_wait3A_234] : memref<144xi32, #tpu.memory_space<vmem>> -> memref<128xi32, #tpu.memory_space<vmem>>
      %dma_wait3A_236 = tpu.memref_slice %arg2[%mul3A_2] : memref<4096xi32, #tpu.memory_space<hbm>> -> memref<128xi32, #tpu.memory_space<hbm>>
      tpu.wait_dma2 semaphore(%run_scoped3A : memref<!tpu.dma_semaphore, #tpu.memory_space<semaphore_mem>>) src(%dma_wait3A_236 : memref<128xi32, #tpu.memory_space<hbm>>) dst(%dma_wait3A_235 : memref<128xi32, #tpu.memory_space<vmem>>)
      tpu.yield
    }) : () -> ()
    %dma_start3A = arith.constant 0 : i32
    %dma_start3A_3 = tpu.memref_slice %arg8[%dma_start3A] : memref<144xi32, #tpu.memory_space<vmem>> -> memref<64xi32, #tpu.memory_space<vmem>>
    %dma_start3A_4 = arith.constant 0 : i32
    %dma_start3A_5 = arith.constant 0 : i32
    %dma_start3A_6 = tpu.memref_slice %arg3[%dma_start3A_4, %dma_start3A_5] : memref<8192x256xf32, #tpu.memory_space<hbm>> -> memref<8192x256xf32, #tpu.memory_space<hbm>>
    tpu.enqueue_indirect_dma source(%dma_start3A_6 : memref<8192x256xf32, #tpu.memory_space<hbm>>) target(%arg11 : memref<64x256xf32, #tpu.memory_space<vmem>>) offsets(%dma_start3A_3 : memref<64xi32, #tpu.memory_space<vmem>>) semaphore(%arg16 : memref<!tpu.dma_semaphore, #tpu.memory_space<semaphore_mem>>)
    %get3A = arith.constant 0 : index
    %get3A_7 = tpu.vector_load %arg8[%get3A] {strides = array<i32>} : memref<144xi32, #tpu.memory_space<vmem>>, vector<16xi32>,
    %slice3A = vector.extract_strided_slice %get3A_7 {offsets = [0], sizes = [1], strides = [1]} : vector<16xi32> to vector<1xi32>
    %squeeze3A = vector.extract %slice3A[0] : i32 from vector<1xi32>
    %dma_start3A_8 = arith.constant 0 : i32
    %dma_start3A_9 = tpu.memref_slice %arg9[%dma_start3A_8] : memref<65536xf32, #tpu.memory_space<vmem>> -> memref<8192xf32, #tpu.memory_space<vmem>>
    %dma_start3A_10 = arith.constant 0 : i32
    %dma_start3A_11 = tpu.memref_slice %arg4[%squeeze3A, %dma_start3A_10] : memref<8192x8192xf32, #tpu.memory_space<hbm>> -> memref<1x8192xf32, #tpu.memory_space<hbm>>
    %dma_start3A_12 = tpu.memref_squeeze %dma_start3A_11 : memref<1x8192xf32, #tpu.memory_space<hbm>> -> memref<8192xf32, #tpu.memory_space<hbm>>
    %dma_start3A_13 = arith.constant 0 : i32
    %dma_start3A_14 = tpu.memref_slice %arg9[%dma_start3A_13] : memref<65536xf32, #tpu.memory_space<vmem>> -> memref<8192xf32, #tpu.memory_space<vmem>>
    %dma_start3A_15 = arith.constant 0 : i32
    %dma_start3A_16 = tpu.memref_slice %arg4[%squeeze3A, %dma_start3A_15] : memref<8192x8192xf32, #tpu.memory_space<hbm>> -> memref<1x8192xf32, #tpu.memory_space<hbm>>
    %dma_start3A_17 = tpu.memref_squeeze %dma_start3A_16 : memref<1x8192xf32, #tpu.memory_space<hbm>> -> memref<8192xf32, #tpu.memory_space<hbm>>
    tpu.enqueue_dma source(%dma_start3A_17 : memref<8192xf32, #tpu.memory_space<hbm>>) target(%dma_start3A_14 : memref<8192xf32, #tpu.memory_space<vmem>>) target_semaphore(%arg12 : memref<!tpu.dma_semaphore, #tpu.memory_space<semaphore_mem>>)
    %get3A_18 = arith.constant 1 : index
    %get3A_19 = tpu.vector_load %arg8[%get3A_18] {strides = array<i32>} : memref<144xi32, #tpu.memory_space<vmem>>, vector<16xi32>,
    %slice3A_20 = vector.extract_strided_slice %get3A_19 {offsets = [0], sizes = [1], strides = [1]} : vector<16xi32> to vector<1xi32>
    %squeeze3A_21 = vector.extract %slice3A_20[0] : i32 from vector<1xi32>
    %dma_start3A_22 = arith.constant 8192 : i32
    %dma_start3A_23 = tpu.memref_slice %arg9[%dma_start3A_22] : memref<65536xf32, #tpu.memory_space<vmem>> -> memref<8192xf32, #tpu.memory_space<vmem>>
    %dma_start3A_24 = arith.constant 0 : i32
    %dma_start3A_25 = tpu.memref_slice %arg4[%squeeze3A_21, %dma_start3A_24] : memref<8192x8192xf32, #tpu.memory_space<hbm>> -> memref<1x8192xf32, #tpu.memory_space<hbm>>
    %dma_start3A_26 = tpu.memref_squeeze %dma_start3A_25 : memref<1x8192xf32, #tpu.memory_space<hbm>> -> memref<8192xf32, #tpu.memory_space<hbm>>
    %dma_start3A_27 = arith.constant 8192 : i32
    %dma_start3A_28 = tpu.memref_slice %arg9[%dma_start3A_27] : memref<65536xf32, #tpu.memory_space<vmem>> -> memref<8192xf32, #tpu.memory_space<vmem>>
    %dma_start3A_29 = arith.constant 0 : i32
    %dma_start3A_30 = tpu.memref_slice %arg4[%squeeze3A_21, %dma_start3A_29] : memref<8192x8192xf32, #tpu.memory_space<hbm>> -> memref<1x8192xf32, #tpu.memory_space<hbm>>
    %dma_start3A_31 = tpu.memref_squeeze %dma_start3A_30 : memref<1x8192xf32, #tpu.memory_space<hbm>> -> memref<8192xf32, #tpu.memory_space<hbm>>
    tpu.enqueue_dma source(%dma_start3A_31 : memref<8192xf32, #tpu.memory_space<hbm>>) target(%dma_start3A_28 : memref<8192xf32, #tpu.memory_space<vmem>>) target_semaphore(%arg12 : memref<!tpu.dma_semaphore, #tpu.memory_space<semaphore_mem>>)
    %get3A_32 = arith.constant 2 : index
    %get3A_33 = tpu.vector_load %arg8[%get3A_32] {strides = array<i32>} : memref<144xi32, #tpu.memory_space<vmem>>, vector<16xi32>,
    %slice3A_34 = vector.extract_strided_slice %get3A_33 {offsets = [0], sizes = [1], strides = [1]} : vector<16xi32> to vector<1xi32>
    %squeeze3A_35 = vector.extract %slice3A_34[0] : i32 from vector<1xi32>
    %dma_start3A_36 = arith.constant 16384 : i32
    %dma_start3A_37 = tpu.memref_slice %arg9[%dma_start3A_36] : memref<65536xf32, #tpu.memory_space<vmem>> -> memref<8192xf32, #tpu.memory_space<vmem>>
    %dma_start3A_38 = arith.constant 0 : i32
    %dma_start3A_39 = tpu.memref_slice %arg4[%squeeze3A_35, %dma_start3A_38] : memref<8192x8192xf32, #tpu.memory_space<hbm>> -> memref<1x8192xf32, #tpu.memory_space<hbm>>
    %dma_start3A_40 = tpu.memref_squeeze %dma_start3A_39 : memref<1x8192xf32, #tpu.memory_space<hbm>> -> memref<8192xf32, #tpu.memory_space<hbm>>
    %dma_start3A_41 = arith.constant 16384 : i32
    %dma_start3A_42 = tpu.memref_slice %arg9[%dma_start3A_41] : memref<65536xf32, #tpu.memory_space<vmem>> -> memref<8192xf32, #tpu.memory_space<vmem>>
    %dma_start3A_43 = arith.constant 0 : i32
    %dma_start3A_44 = tpu.memref_slice %arg4[%squeeze3A_35, %dma_start3A_43] : memref<8192x8192xf32, #tpu.memory_space<hbm>> -> memref<1x8192xf32, #tpu.memory_space<hbm>>
    %dma_start3A_45 = tpu.memref_squeeze %dma_start3A_44 : memref<1x8192xf32, #tpu.memory_space<hbm>> -> memref<8192xf32, #tpu.memory_space<hbm>>
    tpu.enqueue_dma source(%dma_start3A_45 : memref<8192xf32, #tpu.memory_space<hbm>>) target(%dma_start3A_42 : memref<8192xf32, #tpu.memory_space<vmem>>) target_semaphore(%arg12 : memref<!tpu.dma_semaphore, #tpu.memory_space<semaphore_mem>>)
    %get3A_46 = arith.constant 3 : index
    %get3A_47 = tpu.vector_load %arg8[%get3A_46] {strides = array<i32>} : memref<144xi32, #tpu.memory_space<vmem>>, vector<16xi32>,
    %slice3A_48 = vector.extract_strided_slice %get3A_47 {offsets = [0], sizes = [1], strides = [1]} : vector<16xi32> to vector<1xi32>
    %squeeze3A_49 = vector.extract %slice3A_48[0] : i32 from vector<1xi32>
    %dma_start3A_50 = arith.constant 24576 : i32
    %dma_start3A_51 = tpu.memref_slice %arg9[%dma_start3A_50] : memref<65536xf32, #tpu.memory_space<vmem>> -> memref<8192xf32, #tpu.memory_space<vmem>>
    %dma_start3A_52 = arith.constant 0 : i32
    %dma_start3A_53 = tpu.memref_slice %arg4[%squeeze3A_49, %dma_start3A_52] : memref<8192x8192xf32, #tpu.memory_space<hbm>> -> memref<1x8192xf32, #tpu.memory_space<hbm>>
    %dma_start3A_54 = tpu.memref_squeeze %dma_start3A_53 : memref<1x8192xf32, #tpu.memory_space<hbm>> -> memref<8192xf32, #tpu.memory_space<hbm>>
    %dma_start3A_55 = arith.constant 24576 : i32
    %dma_start3A_56 = tpu.memref_slice %arg9[%dma_start3A_55] : memref<65536xf32, #tpu.memory_space<vmem>> -> memref<8192xf32, #tpu.memory_space<vmem>>
    %dma_start3A_57 = arith.constant 0 : i32
    %dma_start3A_58 = tpu.memref_slice %arg4[%squeeze3A_49, %dma_start3A_57] : memref<8192x8192xf32, #tpu.memory_space<hbm>> -> memref<1x8192xf32, #tpu.memory_space<hbm>>
    %dma_start3A_59 = tpu.memref_squeeze %dma_start3A_58 : memref<1x8192xf32, #tpu.memory_space<hbm>> -> memref<8192xf32, #tpu.memory_space<hbm>>
    tpu.enqueue_dma source(%dma_start3A_59 : memref<8192xf32, #tpu.memory_space<hbm>>) target(%dma_start3A_56 : memref<8192xf32, #tpu.memory_space<vmem>>) target_semaphore(%arg12 : memref<!tpu.dma_semaphore, #tpu.memory_space<semaphore_mem>>)
    %get3A_60 = arith.constant 4 : index
    %get3A_61 = tpu.vector_load %arg8[%get3A_60] {strides = array<i32>} : memref<144xi32, #tpu.memory_space<vmem>>, vector<16xi32>,
    %slice3A_62 = vector.extract_strided_slice %get3A_61 {offsets = [0], sizes = [1], strides = [1]} : vector<16xi32> to vector<1xi32>
    %squeeze3A_63 = vector.extract %slice3A_62[0] : i32 from vector<1xi32>
    %dma_start3A_64 = arith.constant 32768 : i32
    %dma_start3A_65 = tpu.memref_slice %arg9[%dma_start3A_64] : memref<65536xf32, #tpu.memory_space<vmem>> -> memref<8192xf32, #tpu.memory_space<vmem>>
    %dma_start3A_66 = arith.constant 0 : i32
    %dma_start3A_67 = tpu.memref_slice %arg4[%squeeze3A_63, %dma_start3A_66] : memref<8192x8192xf32, #tpu.memory_space<hbm>> -> memref<1x8192xf32, #tpu.memory_space<hbm>>
    %dma_start3A_68 = tpu.memref_squeeze %dma_start3A_67 : memref<1x8192xf32, #tpu.memory_space<hbm>> -> memref<8192xf32, #tpu.memory_space<hbm>>
    %dma_start3A_69 = arith.constant 32768 : i32
    %dma_start3A_70 = tpu.memref_slice %arg9[%dma_start3A_69] : memref<65536xf32, #tpu.memory_space<vmem>> -> memref<8192xf32, #tpu.memory_space<vmem>>
    %dma_start3A_71 = arith.constant 0 : i32
    %dma_start3A_72 = tpu.memref_slice %arg4[%squeeze3A_63, %dma_start3A_71] : memref<8192x8192xf32, #tpu.memory_space<hbm>> -> memref<1x8192xf32, #tpu.memory_space<hbm>>
    %dma_start3A_73 = tpu.memref_squeeze %dma_start3A_72 : memref<1x8192xf32, #tpu.memory_space<hbm>> -> memref<8192xf32, #tpu.memory_space<hbm>>
    tpu.enqueue_dma source(%dma_start3A_73 : memref<8192xf32, #tpu.memory_space<hbm>>) target(%dma_start3A_70 : memref<8192xf32, #tpu.memory_space<vmem>>) target_semaphore(%arg13 : memref<!tpu.dma_semaphore, #tpu.memory_space<semaphore_mem>>)
    %get3A_74 = arith.constant 5 : index
    %get3A_75 = tpu.vector_load %arg8[%get3A_74] {strides = array<i32>} : memref<144xi32, #tpu.memory_space<vmem>>, vector<16xi32>,
    %slice3A_76 = vector.extract_strided_slice %get3A_75 {offsets = [0], sizes = [1], strides = [1]} : vector<16xi32> to vector<1xi32>
    %squeeze3A_77 = vector.extract %slice3A_76[0] : i32 from vector<1xi32>
    %dma_start3A_78 = arith.constant 40960 : i32
    %dma_start3A_79 = tpu.memref_slice %arg9[%dma_start3A_78] : memref<65536xf32, #tpu.memory_space<vmem>> -> memref<8192xf32, #tpu.memory_space<vmem>>
    %dma_start3A_80 = arith.constant 0 : i32
    %dma_start3A_81 = tpu.memref_slice %arg4[%squeeze3A_77, %dma_start3A_80] : memref<8192x8192xf32, #tpu.memory_space<hbm>> -> memref<1x8192xf32, #tpu.memory_space<hbm>>
    %dma_start3A_82 = tpu.memref_squeeze %dma_start3A_81 : memref<1x8192xf32, #tpu.memory_space<hbm>> -> memref<8192xf32, #tpu.memory_space<hbm>>
    %dma_start3A_83 = arith.constant 40960 : i32
    %dma_start3A_84 = tpu.memref_slice %arg9[%dma_start3A_83] : memref<65536xf32, #tpu.memory_space<vmem>> -> memref<8192xf32, #tpu.memory_space<vmem>>
    %dma_start3A_85 = arith.constant 0 : i32
    %dma_start3A_86 = tpu.memref_slice %arg4[%squeeze3A_77, %dma_start3A_85] : memref<8192x8192xf32, #tpu.memory_space<hbm>> -> memref<1x8192xf32, #tpu.memory_space<hbm>>
    %dma_start3A_87 = tpu.memref_squeeze %dma_start3A_86 : memref<1x8192xf32, #tpu.memory_space<hbm>> -> memref<8192xf32, #tpu.memory_space<hbm>>
    tpu.enqueue_dma source(%dma_start3A_87 : memref<8192xf32, #tpu.memory_space<hbm>>) target(%dma_start3A_84 : memref<8192xf32, #tpu.memory_space<vmem>>) target_semaphore(%arg13 : memref<!tpu.dma_semaphore, #tpu.memory_space<semaphore_mem>>)
    %get3A_88 = arith.constant 6 : index
    %get3A_89 = tpu.vector_load %arg8[%get3A_88] {strides = array<i32>} : memref<144xi32, #tpu.memory_space<vmem>>, vector<16xi32>,
    %slice3A_90 = vector.extract_strided_slice %get3A_89 {offsets = [0], sizes = [1], strides = [1]} : vector<16xi32> to vector<1xi32>
    %squeeze3A_91 = vector.extract %slice3A_90[0] : i32 from vector<1xi32>
    %dma_start3A_92 = arith.constant 49152 : i32
    %dma_start3A_93 = tpu.memref_slice %arg9[%dma_start3A_92] : memref<65536xf32, #tpu.memory_space<vmem>> -> memref<8192xf32, #tpu.memory_space<vmem>>
    %dma_start3A_94 = arith.constant 0 : i32
    %dma_start3A_95 = tpu.memref_slice %arg4[%squeeze3A_91, %dma_start3A_94] : memref<8192x8192xf32, #tpu.memory_space<hbm>> -> memref<1x8192xf32, #tpu.memory_space<hbm>>
    %dma_start3A_96 = tpu.memref_squeeze %dma_start3A_95 : memref<1x8192xf32, #tpu.memory_space<hbm>> -> memref<8192xf32, #tpu.memory_space<hbm>>
    %dma_start3A_97 = arith.constant 49152 : i32
    %dma_start3A_98 = tpu.memref_slice %arg9[%dma_start3A_97] : memref<65536xf32, #tpu.memory_space<vmem>> -> memref<8192xf32, #tpu.memory_space<vmem>>
    %dma_start3A_99 = arith.constant 0 : i32
    %dma_start3A_100 = tpu.memref_slice %arg4[%squeeze3A_91, %dma_start3A_99] : memref<8192x8192xf32, #tpu.memory_space<hbm>> -> memref<1x8192xf32, #tpu.memory_space<hbm>>
    %dma_start3A_101 = tpu.memref_squeeze %dma_start3A_100 : memref<1x8192xf32, #tpu.memory_space<hbm>> -> memref<8192xf32, #tpu.memory_space<hbm>>
    tpu.enqueue_dma source(%dma_start3A_101 : memref<8192xf32, #tpu.memory_space<hbm>>) target(%dma_start3A_98 : memref<8192xf32, #tpu.memory_space<vmem>>) target_semaphore(%arg13 : memref<!tpu.dma_semaphore, #tpu.memory_space<semaphore_mem>>)
    %get3A_102 = arith.constant 7 : index
    %get3A_103 = tpu.vector_load %arg8[%get3A_102] {strides = array<i32>} : memref<144xi32, #tpu.memory_space<vmem>>, vector<16xi32>,
    %slice3A_104 = vector.extract_strided_slice %get3A_103 {offsets = [0], sizes = [1], strides = [1]} : vector<16xi32> to vector<1xi32>
    %squeeze3A_105 = vector.extract %slice3A_104[0] : i32 from vector<1xi32>
    %dma_start3A_106 = arith.constant 57344 : i32
    %dma_start3A_107 = tpu.memref_slice %arg9[%dma_start3A_106] : memref<65536xf32, #tpu.memory_space<vmem>> -> memref<8192xf32, #tpu.memory_space<vmem>>
    %dma_start3A_108 = arith.constant 0 : i32
    %dma_start3A_109 = tpu.memref_slice %arg4[%squeeze3A_105, %dma_start3A_108] : memref<8192x8192xf32, #tpu.memory_space<hbm>> -> memref<1x8192xf32, #tpu.memory_space<hbm>>
    %dma_start3A_110 = tpu.memref_squeeze %dma_start3A_109 : memref<1x8192xf32, #tpu.memory_space<hbm>> -> memref<8192xf32, #tpu.memory_space<hbm>>
    %dma_start3A_111 = arith.constant 57344 : i32
    %dma_start3A_112 = tpu.memref_slice %arg9[%dma_start3A_111] : memref<65536xf32, #tpu.memory_space<vmem>> -> memref<8192xf32, #tpu.memory_space<vmem>>
    %dma_start3A_113 = arith.constant 0 : i32
    %dma_start3A_114 = tpu.memref_slice %arg4[%squeeze3A_105, %dma_start3A_113] : memref<8192x8192xf32, #tpu.memory_space<hbm>> -> memref<1x8192xf32, #tpu.memory_space<hbm>>
    %dma_start3A_115 = tpu.memref_squeeze %dma_start3A_114 : memref<1x8192xf32, #tpu.memory_space<hbm>> -> memref<8192xf32, #tpu.memory_space<hbm>>
    tpu.enqueue_dma source(%dma_start3A_115 : memref<8192xf32, #tpu.memory_space<hbm>>) target(%dma_start3A_112 : memref<8192xf32, #tpu.memory_space<vmem>>) target_semaphore(%arg13 : memref<!tpu.dma_semaphore, #tpu.memory_space<semaphore_mem>>)
    %scan3A = arith.constant 0 : i32
    %scan3A_116 = arith.constant 0 : i32
    %scan3A_117 = arith.constant 16 : i32
    %scan3A_118 = arith.addi %scan3A_116, %scan3A_117 : i32
    %scan3A_119 = arith.constant 1 : i32
    scf.for %scan3A_225 = %scan3A_116 to %scan3A_118 step %scan3A_119  : i32 {
      %mul3A_226 = arith.constant 1 : i32
      %mul3A_227 = arith.muli %scan3A_225, %mul3A_226 : i32
      %add3A_228 = arith.constant 0 : i32
      %add3A_229 = arith.addi %add3A_228, %mul3A_227 : i32
      %mul3A_230 = arith.constant 2 : i32
      %mul3A_231 = arith.muli %add3A_229, %mul3A_230 : i32
      %add3A_232 = arith.constant 0 : i32
      %add3A_233 = arith.addi %mul3A_231, %add3A_232 : i32
      %dma_wait3A_234 = arith.constant 0 : i32
      %dma_wait3A_235 = tpu.memref_slice %arg9[%dma_wait3A_234] : memref<65536xf32, #tpu.memory_space<vmem>> -> memref<8192xf32, #tpu.memory_space<vmem>>
      %dma_wait3A_236 = arith.constant 0 : i32
      %dma_wait3A_237 = tpu.memref_slice %arg4[%scan3A, %dma_wait3A_236] : memref<8192x8192xf32, #tpu.memory_space<hbm>> -> memref<1x8192xf32, #tpu.memory_space<hbm>>
      %dma_wait3A_238 = tpu.memref_squeeze %dma_wait3A_237 : memref<1x8192xf32, #tpu.memory_space<hbm>> -> memref<8192xf32, #tpu.memory_space<hbm>>
      %dma_wait3A_239 = arith.constant 0 : i32
      %dma_wait3A_240 = tpu.memref_slice %arg9[%dma_wait3A_239] : memref<65536xf32, #tpu.memory_space<vmem>> -> memref<8192xf32, #tpu.memory_space<vmem>>
      %dma_wait3A_241 = arith.constant 0 : i32
      %dma_wait3A_242 = tpu.memref_slice %arg4[%scan3A, %dma_wait3A_241] : memref<8192x8192xf32, #tpu.memory_space<hbm>> -> memref<1x8192xf32, #tpu.memory_space<hbm>>
      %dma_wait3A_243 = tpu.memref_squeeze %dma_wait3A_242 : memref<1x8192xf32, #tpu.memory_space<hbm>> -> memref<8192xf32, #tpu.memory_space<hbm>>
      tpu.wait_dma2 semaphore(%arg12 : memref<!tpu.dma_semaphore, #tpu.memory_space<semaphore_mem>>) src(%dma_wait3A_243 : memref<8192xf32, #tpu.memory_space<hbm>>) dst(%dma_wait3A_240 : memref<8192xf32, #tpu.memory_space<vmem>>)
      %dma_wait3A_244 = arith.constant 8192 : i32
      %dma_wait3A_245 = tpu.memref_slice %arg9[%dma_wait3A_244] : memref<65536xf32, #tpu.memory_space<vmem>> -> memref<8192xf32, #tpu.memory_space<vmem>>
      %dma_wait3A_246 = arith.constant 0 : i32
      %dma_wait3A_247 = tpu.memref_slice %arg4[%scan3A, %dma_wait3A_246] : memref<8192x8192xf32, #tpu.memory_space<hbm>> -> memref<1x8192xf32, #tpu.memory_space<hbm>>
      %dma_wait3A_248 = tpu.memref_squeeze %dma_wait3A_247 : memref<1x8192xf32, #tpu.memory_space<hbm>> -> memref<8192xf32, #tpu.memory_space<hbm>>
      %dma_wait3A_249 = arith.constant 8192 : i32
      %dma_wait3A_250 = tpu.memref_slice %arg9[%dma_wait3A_249] : memref<65536xf32, #tpu.memory_space<vmem>> -> memref<8192xf32, #tpu.memory_space<vmem>>
      %dma_wait3A_251 = arith.constant 0 : i32
      %dma_wait3A_252 = tpu.memref_slice %arg4[%scan3A, %dma_wait3A_251] : memref<8192x8192xf32, #tpu.memory_space<hbm>> -> memref<1x8192xf32, #tpu.memory_space<hbm>>
      %dma_wait3A_253 = tpu.memref_squeeze %dma_wait3A_252 : memref<1x8192xf32, #tpu.memory_space<hbm>> -> memref<8192xf32, #tpu.memory_space<hbm>>
      tpu.wait_dma2 semaphore(%arg12 : memref<!tpu.dma_semaphore, #tpu.memory_space<semaphore_mem>>) src(%dma_wait3A_253 : memref<8192xf32, #tpu.memory_space<hbm>>) dst(%dma_wait3A_250 : memref<8192xf32, #tpu.memory_space<vmem>>)
      %dma_wait3A_254 = arith.constant 16384 : i32
      %dma_wait3A_255 = tpu.memref_slice %arg9[%dma_wait3A_254] : memref<65536xf32, #tpu.memory_space<vmem>> -> memref<8192xf32, #tpu.memory_space<vmem>>
      %dma_wait3A_256 = arith.constant 0 : i32
      %dma_wait3A_257 = tpu.memref_slice %arg4[%scan3A, %dma_wait3A_256] : memref<8192x8192xf32, #tpu.memory_space<hbm>> -> memref<1x8192xf32, #tpu.memory_space<hbm>>
      %dma_wait3A_258 = tpu.memref_squeeze %dma_wait3A_257 : memref<1x8192xf32, #tpu.memory_space<hbm>> -> memref<8192xf32, #tpu.memory_space<hbm>>
      %dma_wait3A_259 = arith.constant 16384 : i32
      %dma_wait3A_260 = tpu.memref_slice %arg9[%dma_wait3A_259] : memref<65536xf32, #tpu.memory_space<vmem>> -> memref<8192xf32, #tpu.memory_space<vmem>>
      %dma_wait3A_261 = arith.constant 0 : i32
      %dma_wait3A_262 = tpu.memref_slice %arg4[%scan3A, %dma_wait3A_261] : memref<8192x8192xf32, #tpu.memory_space<hbm>> -> memref<1x8192xf32, #tpu.memory_space<hbm>>
      %dma_wait3A_263 = tpu.memref_squeeze %dma_wait3A_262 : memref<1x8192xf32, #tpu.memory_space<hbm>> -> memref<8192xf32, #tpu.memory_space<hbm>>
      tpu.wait_dma2 semaphore(%arg12 : memref<!tpu.dma_semaphore, #tpu.memory_space<semaphore_mem>>) src(%dma_wait3A_263 : memref<8192xf32, #tpu.memory_space<hbm>>) dst(%dma_wait3A_260 : memref<8192xf32, #tpu.memory_space<vmem>>)
      %dma_wait3A_264 = arith.constant 24576 : i32
      %dma_wait3A_265 = tpu.memref_slice %arg9[%dma_wait3A_264] : memref<65536xf32, #tpu.memory_space<vmem>> -> memref<8192xf32, #tpu.memory_space<vmem>>
      %dma_wait3A_266 = arith.constant 0 : i32
      %dma_wait3A_267 = tpu.memref_slice %arg4[%scan3A, %dma_wait3A_266] : memref<8192x8192xf32, #tpu.memory_space<hbm>> -> memref<1x8192xf32, #tpu.memory_space<hbm>>
      %dma_wait3A_268 = tpu.memref_squeeze %dma_wait3A_267 : memref<1x8192xf32, #tpu.memory_space<hbm>> -> memref<8192xf32, #tpu.memory_space<hbm>>
      %dma_wait3A_269 = arith.constant 24576 : i32
      %dma_wait3A_270 = tpu.memref_slice %arg9[%dma_wait3A_269] : memref<65536xf32, #tpu.memory_space<vmem>> -> memref<8192xf32, #tpu.memory_space<vmem>>
      %dma_wait3A_271 = arith.constant 0 : i32
      %dma_wait3A_272 = tpu.memref_slice %arg4[%scan3A, %dma_wait3A_271] : memref<8192x8192xf32, #tpu.memory_space<hbm>> -> memref<1x8192xf32, #tpu.memory_space<hbm>>
      %dma_wait3A_273 = tpu.memref_squeeze %dma_wait3A_272 : memref<1x8192xf32, #tpu.memory_space<hbm>> -> memref<8192xf32, #tpu.memory_space<hbm>>
      tpu.wait_dma2 semaphore(%arg12 : memref<!tpu.dma_semaphore, #tpu.memory_space<semaphore_mem>>) src(%dma_wait3A_273 : memref<8192xf32, #tpu.memory_space<hbm>>) dst(%dma_wait3A_270 : memref<8192xf32, #tpu.memory_space<vmem>>)
      %gt3A = arith.constant 0 : i32
      %gt3A_274 = arith.cmpi sgt, %add3A_229, %gt3A : i32
      %convert_element_type3A = arith.extui %gt3A_274 : i1 to i32
      %cond3A = arith.constant 0 : i32
      %cond3A_275 = arith.cmpi ne, %convert_element_type3A, %cond3A : i32
      scf.if %cond3A_275 {
        %dma_wait3A_468 = arith.constant 0 : i32
        %dma_wait3A_469 = tpu.memref_slice %arg10[%dma_wait3A_468] : memref<32768xf32, #tpu.memory_space<vmem>> -> memref<4096xf32, #tpu.memory_space<vmem>>
        %dma_wait3A_470 = arith.constant 0 : i32
        %dma_wait3A_471 = tpu.memref_slice %arg6[%mul3A_2, %dma_wait3A_470] : memref<4096x4096xf32, #tpu.memory_space<hbm>> -> memref<1x4096xf32, #tpu.memory_space<hbm>>
        %dma_wait3A_472 = tpu.memref_squeeze %dma_wait3A_471 : memref<1x4096xf32, #tpu.memory_space<hbm>> -> memref<4096xf32, #tpu.memory_space<hbm>>
        %dma_wait3A_473 = arith.constant 0 : i32
        %dma_wait3A_474 = tpu.memref_slice %arg6[%mul3A_2, %dma_wait3A_473] : memref<4096x4096xf32, #tpu.memory_space<hbm>> -> memref<1x4096xf32, #tpu.memory_space<hbm>>
        %dma_wait3A_475 = tpu.memref_squeeze %dma_wait3A_474 : memref<1x4096xf32, #tpu.memory_space<hbm>> -> memref<4096xf32, #tpu.memory_space<hbm>>
        %dma_wait3A_476 = arith.constant 0 : i32
        %dma_wait3A_477 = tpu.memref_slice %arg10[%dma_wait3A_476] : memref<32768xf32, #tpu.memory_space<vmem>> -> memref<4096xf32, #tpu.memory_space<vmem>>
        tpu.wait_dma2 semaphore(%arg14 : memref<!tpu.dma_semaphore, #tpu.memory_space<semaphore_mem>>) src(%dma_wait3A_477 : memref<4096xf32, #tpu.memory_space<vmem>>) dst(%dma_wait3A_475 : memref<4096xf32, #tpu.memory_space<hbm>>)
        %dma_wait3A_478 = arith.constant 4096 : i32
        %dma_wait3A_479 = tpu.memref_slice %arg10[%dma_wait3A_478] : memref<32768xf32, #tpu.memory_space<vmem>> -> memref<4096xf32, #tpu.memory_space<vmem>>
        %dma_wait3A_480 = arith.constant 0 : i32
        %dma_wait3A_481 = tpu.memref_slice %arg6[%mul3A_2, %dma_wait3A_480] : memref<4096x4096xf32, #tpu.memory_space<hbm>> -> memref<1x4096xf32, #tpu.memory_space<hbm>>
        %dma_wait3A_482 = tpu.memref_squeeze %dma_wait3A_481 : memref<1x4096xf32, #tpu.memory_space<hbm>> -> memref<4096xf32, #tpu.memory_space<hbm>>
        %dma_wait3A_483 = arith.constant 0 : i32
        %dma_wait3A_484 = tpu.memref_slice %arg6[%mul3A_2, %dma_wait3A_483] : memref<4096x4096xf32, #tpu.memory_space<hbm>> -> memref<1x4096xf32, #tpu.memory_space<hbm>>
        %dma_wait3A_485 = tpu.memref_squeeze %dma_wait3A_484 : memref<1x4096xf32, #tpu.memory_space<hbm>> -> memref<4096xf32, #tpu.memory_space<hbm>>
        %dma_wait3A_486 = arith.constant 4096 : i32
        %dma_wait3A_487 = tpu.memref_slice %arg10[%dma_wait3A_486] : memref<32768xf32, #tpu.memory_space<vmem>> -> memref<4096xf32, #tpu.memory_space<vmem>>
        tpu.wait_dma2 semaphore(%arg14 : memref<!tpu.dma_semaphore, #tpu.memory_space<semaphore_mem>>) src(%dma_wait3A_487 : memref<4096xf32, #tpu.memory_space<vmem>>) dst(%dma_wait3A_485 : memref<4096xf32, #tpu.memory_space<hbm>>)
        %dma_wait3A_488 = arith.constant 8192 : i32
        %dma_wait3A_489 = tpu.memref_slice %arg10[%dma_wait3A_488] : memref<32768xf32, #tpu.memory_space<vmem>> -> memref<4096xf32, #tpu.memory_space<vmem>>
        %dma_wait3A_490 = arith.constant 0 : i32
        %dma_wait3A_491 = tpu.memref_slice %arg6[%mul3A_2, %dma_wait3A_490] : memref<4096x4096xf32, #tpu.memory_space<hbm>> -> memref<1x4096xf32, #tpu.memory_space<hbm>>
        %dma_wait3A_492 = tpu.memref_squeeze %dma_wait3A_491 : memref<1x4096xf32, #tpu.memory_space<hbm>> -> memref<4096xf32, #tpu.memory_space<hbm>>
        %dma_wait3A_493 = arith.constant 0 : i32
        %dma_wait3A_494 = tpu.memref_slice %arg6[%mul3A_2, %dma_wait3A_493] : memref<4096x4096xf32, #tpu.memory_space<hbm>> -> memref<1x4096xf32, #tpu.memory_space<hbm>>
        %dma_wait3A_495 = tpu.memref_squeeze %dma_wait3A_494 : memref<1x4096xf32, #tpu.memory_space<hbm>> -> memref<4096xf32, #tpu.memory_space<hbm>>
        %dma_wait3A_496 = arith.constant 8192 : i32
        %dma_wait3A_497 = tpu.memref_slice %arg10[%dma_wait3A_496] : memref<32768xf32, #tpu.memory_space<vmem>> -> memref<4096xf32, #tpu.memory_space<vmem>>
        tpu.wait_dma2 semaphore(%arg14 : memref<!tpu.dma_semaphore, #tpu.memory_space<semaphore_mem>>) src(%dma_wait3A_497 : memref<4096xf32, #tpu.memory_space<vmem>>) dst(%dma_wait3A_495 : memref<4096xf32, #tpu.memory_space<hbm>>)
        %dma_wait3A_498 = arith.constant 12288 : i32
        %dma_wait3A_499 = tpu.memref_slice %arg10[%dma_wait3A_498] : memref<32768xf32, #tpu.memory_space<vmem>> -> memref<4096xf32, #tpu.memory_space<vmem>>
        %dma_wait3A_500 = arith.constant 0 : i32
        %dma_wait3A_501 = tpu.memref_slice %arg6[%mul3A_2, %dma_wait3A_500] : memref<4096x4096xf32, #tpu.memory_space<hbm>> -> memref<1x4096xf32, #tpu.memory_space<hbm>>
        %dma_wait3A_502 = tpu.memref_squeeze %dma_wait3A_501 : memref<1x4096xf32, #tpu.memory_space<hbm>> -> memref<4096xf32, #tpu.memory_space<hbm>>
        %dma_wait3A_503 = arith.constant 0 : i32
        %dma_wait3A_504 = tpu.memref_slice %arg6[%mul3A_2, %dma_wait3A_503] : memref<4096x4096xf32, #tpu.memory_space<hbm>> -> memref<1x4096xf32, #tpu.memory_space<hbm>>
        %dma_wait3A_505 = tpu.memref_squeeze %dma_wait3A_504 : memref<1x4096xf32, #tpu.memory_space<hbm>> -> memref<4096xf32, #tpu.memory_space<hbm>>
        %dma_wait3A_506 = arith.constant 12288 : i32
        %dma_wait3A_507 = tpu.memref_slice %arg10[%dma_wait3A_506] : memref<32768xf32, #tpu.memory_space<vmem>> -> memref<4096xf32, #tpu.memory_space<vmem>>
        tpu.wait_dma2 semaphore(%arg14 : memref<!tpu.dma_semaphore, #tpu.memory_space<semaphore_mem>>) src(%dma_wait3A_507 : memref<4096xf32, #tpu.memory_space<vmem>>) dst(%dma_wait3A_505 : memref<4096xf32, #tpu.memory_space<hbm>>)
      } else {
      }
      %scan3A_276 = arith.constant 0 : i32
      %scan3A_277 = arith.constant 256 : i32
      %scan3A_278 = arith.addi %scan3A_276, %scan3A_277 : i32
      %scan3A_279 = arith.constant 8 : i32
      scf.for %scan3A_468 = %scan3A_276 to %scan3A_278 step %scan3A_279  : i32 {
        %mul3A_469 = arith.constant 1 : i32
        %mul3A_470 = arith.muli %scan3A_468, %mul3A_469 : i32
        %add3A_471 = arith.constant 0 : i32
        %add3A_472 = arith.addi %add3A_471, %mul3A_470 : i32
        %mul3A_473 = arith.constant 16 : i32
        %mul3A_474 = arith.muli %add3A_472, %mul3A_473 : i32
        %get3A_475 = arith.index_cast %mul3A_474 : i32 to index
        %get3A_476 = tpu.vector_load %arg7[%get3A_475] {strides = array<i32>} : memref<4096xi32, #tpu.memory_space<vmem>>, vector<16xi32>,
        %add3A_477 = arith.constant 0 : i32
        %add3A_478 = vector.broadcast %add3A_477 : i32 to vector<16xi32>
        %add3A_479 = arith.addi %get3A_476, %add3A_478 : vector<16xi32>
        %gather3A = tpu.vector_load_idx %arg9[%add3A_479] : memref<65536xf32, #tpu.memory_space<vmem>>[vector<16xi32>], vector<16xf32>,
        %mul3A_480 = arith.constant 16 : i32
        %mul3A_481 = arith.muli %add3A_472, %mul3A_480 : i32
        %add3A_482 = arith.constant 0 : i32
        %add3A_483 = arith.addi %add3A_482, %mul3A_481 : i32
        %swap3A = arith.index_cast %add3A_483 : i32 to index
        %swap3A_484 = tpu.vector_load %arg10[%swap3A] {strides = array<i32>} : memref<32768xf32, #tpu.memory_space<vmem>>, vector<16xf32>,
        tpu.vector_store %arg10[%swap3A], %gather3A {strides = array<i32>} : memref<32768xf32, #tpu.memory_space<vmem>>, vector<16xf32>,
        %add3A_485 = arith.constant 8192 : i32
        %add3A_486 = vector.broadcast %add3A_485 : i32 to vector<16xi32>
        %add3A_487 = arith.addi %get3A_476, %add3A_486 : vector<16xi32>
        %gather3A_488 = tpu.vector_load_idx %arg9[%add3A_487] : memref<65536xf32, #tpu.memory_space<vmem>>[vector<16xi32>], vector<16xf32>,
        %mul3A_489 = arith.constant 16 : i32
        %mul3A_490 = arith.muli %add3A_472, %mul3A_489 : i32
        %add3A_491 = arith.constant 4096 : i32
        %add3A_492 = arith.addi %add3A_491, %mul3A_490 : i32
        %swap3A_493 = arith.index_cast %add3A_492 : i32 to index
        %swap3A_494 = tpu.vector_load %arg10[%swap3A_493] {strides = array<i32>} : memref<32768xf32, #tpu.memory_space<vmem>>, vector<16xf32>,
        tpu.vector_store %arg10[%swap3A_493], %gather3A_488 {strides = array<i32>} : memref<32768xf32, #tpu.memory_space<vmem>>, vector<16xf32>,
        %add3A_495 = arith.constant 16384 : i32
        %add3A_496 = vector.broadcast %add3A_495 : i32 to vector<16xi32>
        %add3A_497 = arith.addi %get3A_476, %add3A_496 : vector<16xi32>
        %gather3A_498 = tpu.vector_load_idx %arg9[%add3A_497] : memref<65536xf32, #tpu.memory_space<vmem>>[vector<16xi32>], vector<16xf32>,
        %mul3A_499 = arith.constant 16 : i32
        %mul3A_500 = arith.muli %add3A_472, %mul3A_499 : i32
        %add3A_501 = arith.constant 8192 : i32
        %add3A_502 = arith.addi %add3A_501, %mul3A_500 : i32
        %swap3A_503 = arith.index_cast %add3A_502 : i32 to index
        %swap3A_504 = tpu.vector_load %arg10[%swap3A_503] {strides = array<i32>} : memref<32768xf32, #tpu.memory_space<vmem>>, vector<16xf32>,
        tpu.vector_store %arg10[%swap3A_503], %gather3A_498 {strides = array<i32>} : memref<32768xf32, #tpu.memory_space<vmem>>, vector<16xf32>,
        %add3A_505 = arith.constant 24576 : i32
        %add3A_506 = vector.broadcast %add3A_505 : i32 to vector<16xi32>
        %add3A_507 = arith.addi %get3A_476, %add3A_506 : vector<16xi32>
        %gather3A_508 = tpu.vector_load_idx %arg9[%add3A_507] : memref<65536xf32, #tpu.memory_space<vmem>>[vector<16xi32>], vector<16xf32>,
        %mul3A_509 = arith.constant 16 : i32
        %mul3A_510 = arith.muli %add3A_472, %mul3A_509 : i32
        %add3A_511 = arith.constant 12288 : i32
        %add3A_512 = arith.addi %add3A_511, %mul3A_510 : i32
        %swap3A_513 = arith.index_cast %add3A_512 : i32 to index
        %swap3A_514 = tpu.vector_load %arg10[%swap3A_513] {strides = array<i32>} : memref<32768xf32, #tpu.memory_space<vmem>>, vector<16xf32>,
        tpu.vector_store %arg10[%swap3A_513], %gather3A_508 {strides = array<i32>} : memref<32768xf32, #tpu.memory_space<vmem>>, vector<16xf32>,
        %scan3A_515 = arith.constant 1 : i32
        %scan3A_516 = arith.addi %scan3A_468, %scan3A_515 : i32
        %mul3A_517 = arith.constant 1 : i32
        %mul3A_518 = arith.muli %scan3A_516, %mul3A_517 : i32
        %add3A_519 = arith.constant 0 : i32
        %add3A_520 = arith.addi %add3A_519, %mul3A_518 : i32
        %mul3A_521 = arith.constant 16 : i32
        %mul3A_522 = arith.muli %add3A_520, %mul3A_521 : i32
        %get3A_523 = arith.index_cast %mul3A_522 : i32 to index
        %get3A_524 = tpu.vector_load %arg7[%get3A_523] {strides = array<i32>} : memref<4096xi32, #tpu.memory_space<vmem>>, vector<16xi32>,
        %add3A_525 = arith.constant 0 : i32
        %add3A_526 = vector.broadcast %add3A_525 : i32 to vector<16xi32>
        %add3A_527 = arith.addi %get3A_524, %add3A_526 : vector<16xi32>
        %gather3A_528 = tpu.vector_load_idx %arg9[%add3A_527] : memref<65536xf32, #tpu.memory_space<vmem>>[vector<16xi32>], vector<16xf32>,
        %mul3A_529 = arith.constant 16 : i32
        %mul3A_530 = arith.muli %add3A_520, %mul3A_529 : i32
        %add3A_531 = arith.constant 0 : i32
        %add3A_532 = arith.addi %add3A_531, %mul3A_530 : i32
        %swap3A_533 = arith.index_cast %add3A_532 : i32 to index
        %swap3A_534 = tpu.vector_load %arg10[%swap3A_533] {strides = array<i32>} : memref<32768xf32, #tpu.memory_space<vmem>>, vector<16xf32>,
        tpu.vector_store %arg10[%swap3A_533], %gather3A_528 {strides = array<i32>} : memref<32768xf32, #tpu.memory_space<vmem>>, vector<16xf32>,
        %add3A_535 = arith.constant 8192 : i32
        %add3A_536 = vector.broadcast %add3A_535 : i32 to vector<16xi32>
        %add3A_537 = arith.addi %get3A_524, %add3A_536 : vector<16xi32>
        %gather3A_538 = tpu.vector_load_idx %arg9[%add3A_537] : memref<65536xf32, #tpu.memory_space<vmem>>[vector<16xi32>], vector<16xf32>,
        %mul3A_539 = arith.constant 16 : i32
        %mul3A_540 = arith.muli %add3A_520, %mul3A_539 : i32
        %add3A_541 = arith.constant 4096 : i32
        %add3A_542 = arith.addi %add3A_541, %mul3A_540 : i32
        %swap3A_543 = arith.index_cast %add3A_542 : i32 to index
        %swap3A_544 = tpu.vector_load %arg10[%swap3A_543] {strides = array<i32>} : memref<32768xf32, #tpu.memory_space<vmem>>, vector<16xf32>,
        tpu.vector_store %arg10[%swap3A_543], %gather3A_538 {strides = array<i32>} : memref<32768xf32, #tpu.memory_space<vmem>>, vector<16xf32>,
        %add3A_545 = arith.constant 16384 : i32
        %add3A_546 = vector.broadcast %add3A_545 : i32 to vector<16xi32>
        %add3A_547 = arith.addi %get3A_524, %add3A_546 : vector<16xi32>
        %gather3A_548 = tpu.vector_load_idx %arg9[%add3A_547] : memref<65536xf32, #tpu.memory_space<vmem>>[vector<16xi32>], vector<16xf32>,
        %mul3A_549 = arith.constant 16 : i32
        %mul3A_550 = arith.muli %add3A_520, %mul3A_549 : i32
        %add3A_551 = arith.constant 8192 : i32
        %add3A_552 = arith.addi %add3A_551, %mul3A_550 : i32
        %swap3A_553 = arith.index_cast %add3A_552 : i32 to index
        %swap3A_554 = tpu.vector_load %arg10[%swap3A_553] {strides = array<i32>} : memref<32768xf32, #tpu.memory_space<vmem>>, vector<16xf32>,
        tpu.vector_store %arg10[%swap3A_553], %gather3A_548 {strides = array<i32>} : memref<32768xf32, #tpu.memory_space<vmem>>, vector<16xf32>,
        %add3A_555 = arith.constant 24576 : i32
        %add3A_556 = vector.broadcast %add3A_555 : i32 to vector<16xi32>
        %add3A_557 = arith.addi %get3A_524, %add3A_556 : vector<16xi32>
        %gather3A_558 = tpu.vector_load_idx %arg9[%add3A_557] : memref<65536xf32, #tpu.memory_space<vmem>>[vector<16xi32>], vector<16xf32>,
        %mul3A_559 = arith.constant 16 : i32
        %mul3A_560 = arith.muli %add3A_520, %mul3A_559 : i32
        %add3A_561 = arith.constant 12288 : i32
        %add3A_562 = arith.addi %add3A_561, %mul3A_560 : i32
        %swap3A_563 = arith.index_cast %add3A_562 : i32 to index
        %swap3A_564 = tpu.vector_load %arg10[%swap3A_563] {strides = array<i32>} : memref<32768xf32, #tpu.memory_space<vmem>>, vector<16xf32>,
        tpu.vector_store %arg10[%swap3A_563], %gather3A_558 {strides = array<i32>} : memref<32768xf32, #tpu.memory_space<vmem>>, vector<16xf32>,
        %scan3A_565 = arith.constant 2 : i32
        %scan3A_566 = arith.addi %scan3A_468, %scan3A_565 : i32
        %mul3A_567 = arith.constant 1 : i32
        %mul3A_568 = arith.muli %scan3A_566, %mul3A_567 : i32
        %add3A_569 = arith.constant 0 : i32
        %add3A_570 = arith.addi %add3A_569, %mul3A_568 : i32
        %mul3A_571 = arith.constant 16 : i32
        %mul3A_572 = arith.muli %add3A_570, %mul3A_571 : i32
        %get3A_573 = arith.index_cast %mul3A_572 : i32 to index
        %get3A_574 = tpu.vector_load %arg7[%get3A_573] {strides = array<i32>} : memref<4096xi32, #tpu.memory_space<vmem>>, vector<16xi32>,
        %add3A_575 = arith.constant 0 : i32
        %add3A_576 = vector.broadcast %add3A_575 : i32 to vector<16xi32>
        %add3A_577 = arith.addi %get3A_574, %add3A_576 : vector<16xi32>
        %gather3A_578 = tpu.vector_load_idx %arg9[%add3A_577] : memref<65536xf32, #tpu.memory_space<vmem>>[vector<16xi32>], vector<16xf32>,
        %mul3A_579 = arith.constant 16 : i32
        %mul3A_580 = arith.muli %add3A_570, %mul3A_579 : i32
        %add3A_581 = arith.constant 0 : i32
        %add3A_582 = arith.addi %add3A_581, %mul3A_580 : i32
        %swap3A_583 = arith.index_cast %add3A_582 : i32 to index
        %swap3A_584 = tpu.vector_load %arg10[%swap3A_583] {strides = array<i32>} : memref<32768xf32, #tpu.memory_space<vmem>>, vector<16xf32>,
        tpu.vector_store %arg10[%swap3A_583], %gather3A_578 {strides = array<i32>} : memref<32768xf32, #tpu.memory_space<vmem>>, vector<16xf32>,
        %add3A_585 = arith.constant 8192 : i32
        %add3A_586 = vector.broadcast %add3A_585 : i32 to vector<16xi32>
        %add3A_587 = arith.addi %get3A_574, %add3A_586 : vector<16xi32>
        %gather3A_588 = tpu.vector_load_idx %arg9[%add3A_587] : memref<65536xf32, #tpu.memory_space<vmem>>[vector<16xi32>], vector<16xf32>,
        %mul3A_589 = arith.constant 16 : i32
        %mul3A_590 = arith.muli %add3A_570, %mul3A_589 : i32
        %add3A_591 = arith.constant 4096 : i32
        %add3A_592 = arith.addi %add3A_591, %mul3A_590 : i32
        %swap3A_593 = arith.index_cast %add3A_592 : i32 to index
        %swap3A_594 = tpu.vector_load %arg10[%swap3A_593] {strides = array<i32>} : memref<32768xf32, #tpu.memory_space<vmem>>, vector<16xf32>,
        tpu.vector_store %arg10[%swap3A_593], %gather3A_588 {strides = array<i32>} : memref<32768xf32, #tpu.memory_space<vmem>>, vector<16xf32>,
        %add3A_595 = arith.constant 16384 : i32
        %add3A_596 = vector.broadcast %add3A_595 : i32 to vector<16xi32>
        %add3A_597 = arith.addi %get3A_574, %add3A_596 : vector<16xi32>
        %gather3A_598 = tpu.vector_load_idx %arg9[%add3A_597] : memref<65536xf32, #tpu.memory_space<vmem>>[vector<16xi32>], vector<16xf32>,
        %mul3A_599 = arith.constant 16 : i32
        %mul3A_600 = arith.muli %add3A_570, %mul3A_599 : i32
        %add3A_601 = arith.constant 8192 : i32
        %add3A_602 = arith.addi %add3A_601, %mul3A_600 : i32
        %swap3A_603 = arith.index_cast %add3A_602 : i32 to index
        %swap3A_604 = tpu.vector_load %arg10[%swap3A_603] {strides = array<i32>} : memref<32768xf32, #tpu.memory_space<vmem>>, vector<16xf32>,
        tpu.vector_store %arg10[%swap3A_603], %gather3A_598 {strides = array<i32>} : memref<32768xf32, #tpu.memory_space<vmem>>, vector<16xf32>,
        %add3A_605 = arith.constant 24576 : i32
        %add3A_606 = vector.broadcast %add3A_605 : i32 to vector<16xi32>
        %add3A_607 = arith.addi %get3A_574, %add3A_606 : vector<16xi32>
        %gather3A_608 = tpu.vector_load_idx %arg9[%add3A_607] : memref<65536xf32, #tpu.memory_space<vmem>>[vector<16xi32>], vector<16xf32>,
        %mul3A_609 = arith.constant 16 : i32
        %mul3A_610 = arith.muli %add3A_570, %mul3A_609 : i32
        %add3A_611 = arith.constant 12288 : i32
        %add3A_612 = arith.addi %add3A_611, %mul3A_610 : i32
        %swap3A_613 = arith.index_cast %add3A_612 : i32 to index
        %swap3A_614 = tpu.vector_load %arg10[%swap3A_613] {strides = array<i32>} : memref<32768xf32, #tpu.memory_space<vmem>>, vector<16xf32>,
        tpu.vector_store %arg10[%swap3A_613], %gather3A_608 {strides = array<i32>} : memref<32768xf32, #tpu.memory_space<vmem>>, vector<16xf32>,
        %scan3A_615 = arith.constant 3 : i32
        %scan3A_616 = arith.addi %scan3A_468, %scan3A_615 : i32
        %mul3A_617 = arith.constant 1 : i32
        %mul3A_618 = arith.muli %scan3A_616, %mul3A_617 : i32
        %add3A_619 = arith.constant 0 : i32
        %add3A_620 = arith.addi %add3A_619, %mul3A_618 : i32
        %mul3A_621 = arith.constant 16 : i32
        %mul3A_622 = arith.muli %add3A_620, %mul3A_621 : i32
        %get3A_623 = arith.index_cast %mul3A_622 : i32 to index
        %get3A_624 = tpu.vector_load %arg7[%get3A_623] {strides = array<i32>} : memref<4096xi32, #tpu.memory_space<vmem>>, vector<16xi32>,
        %add3A_625 = arith.constant 0 : i32
        %add3A_626 = vector.broadcast %add3A_625 : i32 to vector<16xi32>
        %add3A_627 = arith.addi %get3A_624, %add3A_626 : vector<16xi32>
        %gather3A_628 = tpu.vector_load_idx %arg9[%add3A_627] : memref<65536xf32, #tpu.memory_space<vmem>>[vector<16xi32>], vector<16xf32>,
        %mul3A_629 = arith.constant 16 : i32
        %mul3A_630 = arith.muli %add3A_620, %mul3A_629 : i32
        %add3A_631 = arith.constant 0 : i32
        %add3A_632 = arith.addi %add3A_631, %mul3A_630 : i32
        %swap3A_633 = arith.index_cast %add3A_632 : i32 to index
        %swap3A_634 = tpu.vector_load %arg10[%swap3A_633] {strides = array<i32>} : memref<32768xf32, #tpu.memory_space<vmem>>, vector<16xf32>,
        tpu.vector_store %arg10[%swap3A_633], %gather3A_628 {strides = array<i32>} : memref<32768xf32, #tpu.memory_space<vmem>>, vector<16xf32>,
        %add3A_635 = arith.constant 8192 : i32
        %add3A_636 = vector.broadcast %add3A_635 : i32 to vector<16xi32>
        %add3A_637 = arith.addi %get3A_624, %add3A_636 : vector<16xi32>
        %gather3A_638 = tpu.vector_load_idx %arg9[%add3A_637] : memref<65536xf32, #tpu.memory_space<vmem>>[vector<16xi32>], vector<16xf32>,
        %mul3A_639 = arith.constant 16 : i32
        %mul3A_640 = arith.muli %add3A_620, %mul3A_639 : i32
        %add3A_641 = arith.constant 4096 : i32
        %add3A_642 = arith.addi %add3A_641, %mul3A_640 : i32
        %swap3A_643 = arith.index_cast %add3A_642 : i32 to index
        %swap3A_644 = tpu.vector_load %arg10[%swap3A_643] {strides = array<i32>} : memref<32768xf32, #tpu.memory_space<vmem>>, vector<16xf32>,
        tpu.vector_store %arg10[%swap3A_643], %gather3A_638 {strides = array<i32>} : memref<32768xf32, #tpu.memory_space<vmem>>, vector<16xf32>,
        %add3A_645 = arith.constant 16384 : i32
        %add3A_646 = vector.broadcast %add3A_645 : i32 to vector<16xi32>
        %add3A_647 = arith.addi %get3A_624, %add3A_646 : vector<16xi32>
        %gather3A_648 = tpu.vector_load_idx %arg9[%add3A_647] : memref<65536xf32, #tpu.memory_space<vmem>>[vector<16xi32>], vector<16xf32>,
        %mul3A_649 = arith.constant 16 : i32
        %mul3A_650 = arith.muli %add3A_620, %mul3A_649 : i32
        %add3A_651 = arith.constant 8192 : i32
        %add3A_652 = arith.addi %add3A_651, %mul3A_650 : i32
        %swap3A_653 = arith.index_cast %add3A_652 : i32 to index
        %swap3A_654 = tpu.vector_load %arg10[%swap3A_653] {strides = array<i32>} : memref<32768xf32, #tpu.memory_space<vmem>>, vector<16xf32>,
        tpu.vector_store %arg10[%swap3A_653], %gather3A_648 {strides = array<i32>} : memref<32768xf32, #tpu.memory_space<vmem>>, vector<16xf32>,
        %add3A_655 = arith.constant 24576 : i32
        %add3A_656 = vector.broadcast %add3A_655 : i32 to vector<16xi32>
        %add3A_657 = arith.addi %get3A_624, %add3A_656 : vector<16xi32>
        %gather3A_658 = tpu.vector_load_idx %arg9[%add3A_657] : memref<65536xf32, #tpu.memory_space<vmem>>[vector<16xi32>], vector<16xf32>,
        %mul3A_659 = arith.constant 16 : i32
        %mul3A_660 = arith.muli %add3A_620, %mul3A_659 : i32
        %add3A_661 = arith.constant 12288 : i32
        %add3A_662 = arith.addi %add3A_661, %mul3A_660 : i32
        %swap3A_663 = arith.index_cast %add3A_662 : i32 to index
        %swap3A_664 = tpu.vector_load %arg10[%swap3A_663] {strides = array<i32>} : memref<32768xf32, #tpu.memory_space<vmem>>, vector<16xf32>,
        tpu.vector_store %arg10[%swap3A_663], %gather3A_658 {strides = array<i32>} : memref<32768xf32, #tpu.memory_space<vmem>>, vector<16xf32>,
        %scan3A_665 = arith.constant 4 : i32
        %scan3A_666 = arith.addi %scan3A_468, %scan3A_665 : i32
        %mul3A_667 = arith.constant 1 : i32
        %mul3A_668 = arith.muli %scan3A_666, %mul3A_667 : i32
        %add3A_669 = arith.constant 0 : i32
        %add3A_670 = arith.addi %add3A_669, %mul3A_668 : i32
        %mul3A_671 = arith.constant 16 : i32
        %mul3A_672 = arith.muli %add3A_670, %mul3A_671 : i32
        %get3A_673 = arith.index_cast %mul3A_672 : i32 to index
        %get3A_674 = tpu.vector_load %arg7[%get3A_673] {strides = array<i32>} : memref<4096xi32, #tpu.memory_space<vmem>>, vector<16xi32>,
        %add3A_675 = arith.constant 0 : i32
        %add3A_676 = vector.broadcast %add3A_675 : i32 to vector<16xi32>
        %add3A_677 = arith.addi %get3A_674, %add3A_676 : vector<16xi32>
        %gather3A_678 = tpu.vector_load_idx %arg9[%add3A_677] : memref<65536xf32, #tpu.memory_space<vmem>>[vector<16xi32>], vector<16xf32>,
        %mul3A_679 = arith.constant 16 : i32
        %mul3A_680 = arith.muli %add3A_670, %mul3A_679 : i32
        %add3A_681 = arith.constant 0 : i32
        %add3A_682 = arith.addi %add3A_681, %mul3A_680 : i32
        %swap3A_683 = arith.index_cast %add3A_682 : i32 to index
        %swap3A_684 = tpu.vector_load %arg10[%swap3A_683] {strides = array<i32>} : memref<32768xf32, #tpu.memory_space<vmem>>, vector<16xf32>,
        tpu.vector_store %arg10[%swap3A_683], %gather3A_678 {strides = array<i32>} : memref<32768xf32, #tpu.memory_space<vmem>>, vector<16xf32>,
        %add3A_685 = arith.constant 8192 : i32
        %add3A_686 = vector.broadcast %add3A_685 : i32 to vector<16xi32>
        %add3A_687 = arith.addi %get3A_674, %add3A_686 : vector<16xi32>
        %gather3A_688 = tpu.vector_load_idx %arg9[%add3A_687] : memref<65536xf32, #tpu.memory_space<vmem>>[vector<16xi32>], vector<16xf32>,
        %mul3A_689 = arith.constant 16 : i32
        %mul3A_690 = arith.muli %add3A_670, %mul3A_689 : i32
        %add3A_691 = arith.constant 4096 : i32
        %add3A_692 = arith.addi %add3A_691, %mul3A_690 : i32
        %swap3A_693 = arith.index_cast %add3A_692 : i32 to index
        %swap3A_694 = tpu.vector_load %arg10[%swap3A_693] {strides = array<i32>} : memref<32768xf32, #tpu.memory_space<vmem>>, vector<16xf32>,
        tpu.vector_store %arg10[%swap3A_693], %gather3A_688 {strides = array<i32>} : memref<32768xf32, #tpu.memory_space<vmem>>, vector<16xf32>,
        %add3A_695 = arith.constant 16384 : i32
        %add3A_696 = vector.broadcast %add3A_695 : i32 to vector<16xi32>
        %add3A_697 = arith.addi %get3A_674, %add3A_696 : vector<16xi32>
        %gather3A_698 = tpu.vector_load_idx %arg9[%add3A_697] : memref<65536xf32, #tpu.memory_space<vmem>>[vector<16xi32>], vector<16xf32>,
        %mul3A_699 = arith.constant 16 : i32
        %mul3A_700 = arith.muli %add3A_670, %mul3A_699 : i32
        %add3A_701 = arith.constant 8192 : i32
        %add3A_702 = arith.addi %add3A_701, %mul3A_700 : i32
        %swap3A_703 = arith.index_cast %add3A_702 : i32 to index
        %swap3A_704 = tpu.vector_load %arg10[%swap3A_703] {strides = array<i32>} : memref<32768xf32, #tpu.memory_space<vmem>>, vector<16xf32>,
        tpu.vector_store %arg10[%swap3A_703], %gather3A_698 {strides = array<i32>} : memref<32768xf32, #tpu.memory_space<vmem>>, vector<16xf32>,
        %add3A_705 = arith.constant 24576 : i32
        %add3A_706 = vector.broadcast %add3A_705 : i32 to vector<16xi32>
        %add3A_707 = arith.addi %get3A_674, %add3A_706 : vector<16xi32>
        %gather3A_708 = tpu.vector_load_idx %arg9[%add3A_707] : memref<65536xf32, #tpu.memory_space<vmem>>[vector<16xi32>], vector<16xf32>,
        %mul3A_709 = arith.constant 16 : i32
        %mul3A_710 = arith.muli %add3A_670, %mul3A_709 : i32
        %add3A_711 = arith.constant 12288 : i32
        %add3A_712 = arith.addi %add3A_711, %mul3A_710 : i32
        %swap3A_713 = arith.index_cast %add3A_712 : i32 to index
        %swap3A_714 = tpu.vector_load %arg10[%swap3A_713] {strides = array<i32>} : memref<32768xf32, #tpu.memory_space<vmem>>, vector<16xf32>,
        tpu.vector_store %arg10[%swap3A_713], %gather3A_708 {strides = array<i32>} : memref<32768xf32, #tpu.memory_space<vmem>>, vector<16xf32>,
        %scan3A_715 = arith.constant 5 : i32
        %scan3A_716 = arith.addi %scan3A_468, %scan3A_715 : i32
        %mul3A_717 = arith.constant 1 : i32
        %mul3A_718 = arith.muli %scan3A_716, %mul3A_717 : i32
        %add3A_719 = arith.constant 0 : i32
        %add3A_720 = arith.addi %add3A_719, %mul3A_718 : i32
        %mul3A_721 = arith.constant 16 : i32
        %mul3A_722 = arith.muli %add3A_720, %mul3A_721 : i32
        %get3A_723 = arith.index_cast %mul3A_722 : i32 to index
        %get3A_724 = tpu.vector_load %arg7[%get3A_723] {strides = array<i32>} : memref<4096xi32, #tpu.memory_space<vmem>>, vector<16xi32>,
        %add3A_725 = arith.constant 0 : i32
        %add3A_726 = vector.broadcast %add3A_725 : i32 to vector<16xi32>
        %add3A_727 = arith.addi %get3A_724, %add3A_726 : vector<16xi32>
        %gather3A_728 = tpu.vector_load_idx %arg9[%add3A_727] : memref<65536xf32, #tpu.memory_space<vmem>>[vector<16xi32>], vector<16xf32>,
        %mul3A_729 = arith.constant 16 : i32
        %mul3A_730 = arith.muli %add3A_720, %mul3A_729 : i32
        %add3A_731 = arith.constant 0 : i32
        %add3A_732 = arith.addi %add3A_731, %mul3A_730 : i32
        %swap3A_733 = arith.index_cast %add3A_732 : i32 to index
        %swap3A_734 = tpu.vector_load %arg10[%swap3A_733] {strides = array<i32>} : memref<32768xf32, #tpu.memory_space<vmem>>, vector<16xf32>,
        tpu.vector_store %arg10[%swap3A_733], %gather3A_728 {strides = array<i32>} : memref<32768xf32, #tpu.memory_space<vmem>>, vector<16xf32>,
        %add3A_735 = arith.constant 8192 : i32
        %add3A_736 = vector.broadcast %add3A_735 : i32 to vector<16xi32>
        %add3A_737 = arith.addi %get3A_724, %add3A_736 : vector<16xi32>
        %gather3A_738 = tpu.vector_load_idx %arg9[%add3A_737] : memref<65536xf32, #tpu.memory_space<vmem>>[vector<16xi32>], vector<16xf32>,
        %mul3A_739 = arith.constant 16 : i32
        %mul3A_740 = arith.muli %add3A_720, %mul3A_739 : i32
        %add3A_741 = arith.constant 4096 : i32
        %add3A_742 = arith.addi %add3A_741, %mul3A_740 : i32
        %swap3A_743 = arith.index_cast %add3A_742 : i32 to index
        %swap3A_744 = tpu.vector_load %arg10[%swap3A_743] {strides = array<i32>} : memref<32768xf32, #tpu.memory_space<vmem>>, vector<16xf32>,
        tpu.vector_store %arg10[%swap3A_743], %gather3A_738 {strides = array<i32>} : memref<32768xf32, #tpu.memory_space<vmem>>, vector<16xf32>,
        %add3A_745 = arith.constant 16384 : i32
        %add3A_746 = vector.broadcast %add3A_745 : i32 to vector<16xi32>
        %add3A_747 = arith.addi %get3A_724, %add3A_746 : vector<16xi32>
        %gather3A_748 = tpu.vector_load_idx %arg9[%add3A_747] : memref<65536xf32, #tpu.memory_space<vmem>>[vector<16xi32>], vector<16xf32>,
        %mul3A_749 = arith.constant 16 : i32
        %mul3A_750 = arith.muli %add3A_720, %mul3A_749 : i32
        %add3A_751 = arith.constant 8192 : i32
        %add3A_752 = arith.addi %add3A_751, %mul3A_750 : i32
        %swap3A_753 = arith.index_cast %add3A_752 : i32 to index
        %swap3A_754 = tpu.vector_load %arg10[%swap3A_753] {strides = array<i32>} : memref<32768xf32, #tpu.memory_space<vmem>>, vector<16xf32>,
        tpu.vector_store %arg10[%swap3A_753], %gather3A_748 {strides = array<i32>} : memref<32768xf32, #tpu.memory_space<vmem>>, vector<16xf32>,
        %add3A_755 = arith.constant 24576 : i32
        %add3A_756 = vector.broadcast %add3A_755 : i32 to vector<16xi32>
        %add3A_757 = arith.addi %get3A_724, %add3A_756 : vector<16xi32>
        %gather3A_758 = tpu.vector_load_idx %arg9[%add3A_757] : memref<65536xf32, #tpu.memory_space<vmem>>[vector<16xi32>], vector<16xf32>,
        %mul3A_759 = arith.constant 16 : i32
        %mul3A_760 = arith.muli %add3A_720, %mul3A_759 : i32
        %add3A_761 = arith.constant 12288 : i32
        %add3A_762 = arith.addi %add3A_761, %mul3A_760 : i32
        %swap3A_763 = arith.index_cast %add3A_762 : i32 to index
        %swap3A_764 = tpu.vector_load %arg10[%swap3A_763] {strides = array<i32>} : memref<32768xf32, #tpu.memory_space<vmem>>, vector<16xf32>,
        tpu.vector_store %arg10[%swap3A_763], %gather3A_758 {strides = array<i32>} : memref<32768xf32, #tpu.memory_space<vmem>>, vector<16xf32>,
        %scan3A_765 = arith.constant 6 : i32
        %scan3A_766 = arith.addi %scan3A_468, %scan3A_765 : i32
        %mul3A_767 = arith.constant 1 : i32
        %mul3A_768 = arith.muli %scan3A_766, %mul3A_767 : i32
        %add3A_769 = arith.constant 0 : i32
        %add3A_770 = arith.addi %add3A_769, %mul3A_768 : i32
        %mul3A_771 = arith.constant 16 : i32
        %mul3A_772 = arith.muli %add3A_770, %mul3A_771 : i32
        %get3A_773 = arith.index_cast %mul3A_772 : i32 to index
        %get3A_774 = tpu.vector_load %arg7[%get3A_773] {strides = array<i32>} : memref<4096xi32, #tpu.memory_space<vmem>>, vector<16xi32>,
        %add3A_775 = arith.constant 0 : i32
        %add3A_776 = vector.broadcast %add3A_775 : i32 to vector<16xi32>
        %add3A_777 = arith.addi %get3A_774, %add3A_776 : vector<16xi32>
        %gather3A_778 = tpu.vector_load_idx %arg9[%add3A_777] : memref<65536xf32, #tpu.memory_space<vmem>>[vector<16xi32>], vector<16xf32>,
        %mul3A_779 = arith.constant 16 : i32
        %mul3A_780 = arith.muli %add3A_770, %mul3A_779 : i32
        %add3A_781 = arith.constant 0 : i32
        %add3A_782 = arith.addi %add3A_781, %mul3A_780 : i32
        %swap3A_783 = arith.index_cast %add3A_782 : i32 to index
        %swap3A_784 = tpu.vector_load %arg10[%swap3A_783] {strides = array<i32>} : memref<32768xf32, #tpu.memory_space<vmem>>, vector<16xf32>,
        tpu.vector_store %arg10[%swap3A_783], %gather3A_778 {strides = array<i32>} : memref<32768xf32, #tpu.memory_space<vmem>>, vector<16xf32>,
        %add3A_785 = arith.constant 8192 : i32
        %add3A_786 = vector.broadcast %add3A_785 : i32 to vector<16xi32>
        %add3A_787 = arith.addi %get3A_774, %add3A_786 : vector<16xi32>
        %gather3A_788 = tpu.vector_load_idx %arg9[%add3A_787] : memref<65536xf32, #tpu.memory_space<vmem>>[vector<16xi32>], vector<16xf32>,
        %mul3A_789 = arith.constant 16 : i32
        %mul3A_790 = arith.muli %add3A_770, %mul3A_789 : i32
        %add3A_791 = arith.constant 4096 : i32
        %add3A_792 = arith.addi %add3A_791, %mul3A_790 : i32
        %swap3A_793 = arith.index_cast %add3A_792 : i32 to index
        %swap3A_794 = tpu.vector_load %arg10[%swap3A_793] {strides = array<i32>} : memref<32768xf32, #tpu.memory_space<vmem>>, vector<16xf32>,
        tpu.vector_store %arg10[%swap3A_793], %gather3A_788 {strides = array<i32>} : memref<32768xf32, #tpu.memory_space<vmem>>, vector<16xf32>,
        %add3A_795 = arith.constant 16384 : i32
        %add3A_796 = vector.broadcast %add3A_795 : i32 to vector<16xi32>
        %add3A_797 = arith.addi %get3A_774, %add3A_796 : vector<16xi32>
        %gather3A_798 = tpu.vector_load_idx %arg9[%add3A_797] : memref<65536xf32, #tpu.memory_space<vmem>>[vector<16xi32>], vector<16xf32>,
        %mul3A_799 = arith.constant 16 : i32
        %mul3A_800 = arith.muli %add3A_770, %mul3A_799 : i32
        %add3A_801 = arith.constant 8192 : i32
        %add3A_802 = arith.addi %add3A_801, %mul3A_800 : i32
        %swap3A_803 = arith.index_cast %add3A_802 : i32 to index
        %swap3A_804 = tpu.vector_load %arg10[%swap3A_803] {strides = array<i32>} : memref<32768xf32, #tpu.memory_space<vmem>>, vector<16xf32>,
        tpu.vector_store %arg10[%swap3A_803], %gather3A_798 {strides = array<i32>} : memref<32768xf32, #tpu.memory_space<vmem>>, vector<16xf32>,
        %add3A_805 = arith.constant 24576 : i32
        %add3A_806 = vector.broadcast %add3A_805 : i32 to vector<16xi32>
        %add3A_807 = arith.addi %get3A_774, %add3A_806 : vector<16xi32>
        %gather3A_808 = tpu.vector_load_idx %arg9[%add3A_807] : memref<65536xf32, #tpu.memory_space<vmem>>[vector<16xi32>], vector<16xf32>,
        %mul3A_809 = arith.constant 16 : i32
        %mul3A_810 = arith.muli %add3A_770, %mul3A_809 : i32
        %add3A_811 = arith.constant 12288 : i32
        %add3A_812 = arith.addi %add3A_811, %mul3A_810 : i32
        %swap3A_813 = arith.index_cast %add3A_812 : i32 to index
        %swap3A_814 = tpu.vector_load %arg10[%swap3A_813] {strides = array<i32>} : memref<32768xf32, #tpu.memory_space<vmem>>, vector<16xf32>,
        tpu.vector_store %arg10[%swap3A_813], %gather3A_808 {strides = array<i32>} : memref<32768xf32, #tpu.memory_space<vmem>>, vector<16xf32>,
        %scan3A_815 = arith.constant 7 : i32
        %scan3A_816 = arith.addi %scan3A_468, %scan3A_815 : i32
        %mul3A_817 = arith.constant 1 : i32
        %mul3A_818 = arith.muli %scan3A_816, %mul3A_817 : i32
        %add3A_819 = arith.constant 0 : i32
        %add3A_820 = arith.addi %add3A_819, %mul3A_818 : i32
        %mul3A_821 = arith.constant 16 : i32
        %mul3A_822 = arith.muli %add3A_820, %mul3A_821 : i32
        %get3A_823 = arith.index_cast %mul3A_822 : i32 to index
        %get3A_824 = tpu.vector_load %arg7[%get3A_823] {strides = array<i32>} : memref<4096xi32, #tpu.memory_space<vmem>>, vector<16xi32>,
        %add3A_825 = arith.constant 0 : i32
        %add3A_826 = vector.broadcast %add3A_825 : i32 to vector<16xi32>
        %add3A_827 = arith.addi %get3A_824, %add3A_826 : vector<16xi32>
        %gather3A_828 = tpu.vector_load_idx %arg9[%add3A_827] : memref<65536xf32, #tpu.memory_space<vmem>>[vector<16xi32>], vector<16xf32>,
        %mul3A_829 = arith.constant 16 : i32
        %mul3A_830 = arith.muli %add3A_820, %mul3A_829 : i32
        %add3A_831 = arith.constant 0 : i32
        %add3A_832 = arith.addi %add3A_831, %mul3A_830 : i32
        %swap3A_833 = arith.index_cast %add3A_832 : i32 to index
        %swap3A_834 = tpu.vector_load %arg10[%swap3A_833] {strides = array<i32>} : memref<32768xf32, #tpu.memory_space<vmem>>, vector<16xf32>,
        tpu.vector_store %arg10[%swap3A_833], %gather3A_828 {strides = array<i32>} : memref<32768xf32, #tpu.memory_space<vmem>>, vector<16xf32>,
        %add3A_835 = arith.constant 8192 : i32
        %add3A_836 = vector.broadcast %add3A_835 : i32 to vector<16xi32>
        %add3A_837 = arith.addi %get3A_824, %add3A_836 : vector<16xi32>
        %gather3A_838 = tpu.vector_load_idx %arg9[%add3A_837] : memref<65536xf32, #tpu.memory_space<vmem>>[vector<16xi32>], vector<16xf32>,
        %mul3A_839 = arith.constant 16 : i32
        %mul3A_840 = arith.muli %add3A_820, %mul3A_839 : i32
        %add3A_841 = arith.constant 4096 : i32
        %add3A_842 = arith.addi %add3A_841, %mul3A_840 : i32
        %swap3A_843 = arith.index_cast %add3A_842 : i32 to index
        %swap3A_844 = tpu.vector_load %arg10[%swap3A_843] {strides = array<i32>} : memref<32768xf32, #tpu.memory_space<vmem>>, vector<16xf32>,
        tpu.vector_store %arg10[%swap3A_843], %gather3A_838 {strides = array<i32>} : memref<32768xf32, #tpu.memory_space<vmem>>, vector<16xf32>,
        %add3A_845 = arith.constant 16384 : i32
        %add3A_846 = vector.broadcast %add3A_845 : i32 to vector<16xi32>
        %add3A_847 = arith.addi %get3A_824, %add3A_846 : vector<16xi32>
        %gather3A_848 = tpu.vector_load_idx %arg9[%add3A_847] : memref<65536xf32, #tpu.memory_space<vmem>>[vector<16xi32>], vector<16xf32>,
        %mul3A_849 = arith.constant 16 : i32
        %mul3A_850 = arith.muli %add3A_820, %mul3A_849 : i32
        %add3A_851 = arith.constant 8192 : i32
        %add3A_852 = arith.addi %add3A_851, %mul3A_850 : i32
        %swap3A_853 = arith.index_cast %add3A_852 : i32 to index
        %swap3A_854 = tpu.vector_load %arg10[%swap3A_853] {strides = array<i32>} : memref<32768xf32, #tpu.memory_space<vmem>>, vector<16xf32>,
        tpu.vector_store %arg10[%swap3A_853], %gather3A_848 {strides = array<i32>} : memref<32768xf32, #tpu.memory_space<vmem>>, vector<16xf32>,
        %add3A_855 = arith.constant 24576 : i32
        %add3A_856 = vector.broadcast %add3A_855 : i32 to vector<16xi32>
        %add3A_857 = arith.addi %get3A_824, %add3A_856 : vector<16xi32>
        %gather3A_858 = tpu.vector_load_idx %arg9[%add3A_857] : memref<65536xf32, #tpu.memory_space<vmem>>[vector<16xi32>], vector<16xf32>,
        %mul3A_859 = arith.constant 16 : i32
        %mul3A_860 = arith.muli %add3A_820, %mul3A_859 : i32
        %add3A_861 = arith.constant 12288 : i32
        %add3A_862 = arith.addi %add3A_861, %mul3A_860 : i32
        %swap3A_863 = arith.index_cast %add3A_862 : i32 to index
        %swap3A_864 = tpu.vector_load %arg10[%swap3A_863] {strides = array<i32>} : memref<32768xf32, #tpu.memory_space<vmem>>, vector<16xf32>,
        tpu.vector_store %arg10[%swap3A_863], %gather3A_858 {strides = array<i32>} : memref<32768xf32, #tpu.memory_space<vmem>>, vector<16xf32>,
      }
      %scan3A_280 = arith.constant 256 : i32
      %add3A_281 = arith.constant 2 : i32
      %add3A_282 = arith.addi %add3A_233, %add3A_281 : i32
      %lt3A = arith.constant 32 : i32
      %lt3A_283 = arith.cmpi slt, %add3A_282, %lt3A : i32
      %convert_element_type3A_284 = arith.extui %lt3A_283 : i1 to i32
      %cond3A_285 = arith.constant 0 : i32
      %cond3A_286 = arith.cmpi ne, %convert_element_type3A_284, %cond3A_285 : i32
      scf.if %cond3A_286 {
        %add3A_468 = arith.constant 2 : i32
        %add3A_469 = arith.addi %add3A_233, %add3A_468 : i32
        %mul3A_470 = arith.constant 4 : i32
        %mul3A_471 = arith.muli %add3A_469, %mul3A_470 : i32
        %add3A_472 = arith.constant 0 : i32
        %add3A_473 = arith.addi %mul3A_471, %add3A_472 : i32
        %get3A_474 = arith.index_cast %add3A_473 : i32 to index
        %get3A_475 = tpu.vector_load %arg8[%get3A_474] {strides = array<i32>} : memref<144xi32, #tpu.memory_space<vmem>>, vector<16xi32>,
        %slice3A_476 = vector.extract_strided_slice %get3A_475 {offsets = [0], sizes = [1], strides = [1]} : vector<16xi32> to vector<1xi32>
        %squeeze3A_477 = vector.extract %slice3A_476[0] : i32 from vector<1xi32>
        %dma_start3A_478 = arith.constant 0 : i32
        %dma_start3A_479 = tpu.memref_slice %arg9[%dma_start3A_478] : memref<65536xf32, #tpu.memory_space<vmem>> -> memref<8192xf32, #tpu.memory_space<vmem>>
        %dma_start3A_480 = arith.constant 0 : i32
        %dma_start3A_481 = tpu.memref_slice %arg4[%squeeze3A_477, %dma_start3A_480] : memref<8192x8192xf32, #tpu.memory_space<hbm>> -> memref<1x8192xf32, #tpu.memory_space<hbm>>
        %dma_start3A_482 = tpu.memref_squeeze %dma_start3A_481 : memref<1x8192xf32, #tpu.memory_space<hbm>> -> memref<8192xf32, #tpu.memory_space<hbm>>
        %dma_start3A_483 = arith.constant 0 : i32
        %dma_start3A_484 = tpu.memref_slice %arg9[%dma_start3A_483] : memref<65536xf32, #tpu.memory_space<vmem>> -> memref<8192xf32, #tpu.memory_space<vmem>>
        %dma_start3A_485 = arith.constant 0 : i32
        %dma_start3A_486 = tpu.memref_slice %arg4[%squeeze3A_477, %dma_start3A_485] : memref<8192x8192xf32, #tpu.memory_space<hbm>> -> memref<1x8192xf32, #tpu.memory_space<hbm>>
        %dma_start3A_487 = tpu.memref_squeeze %dma_start3A_486 : memref<1x8192xf32, #tpu.memory_space<hbm>> -> memref<8192xf32, #tpu.memory_space<hbm>>
        tpu.enqueue_dma source(%dma_start3A_487 : memref<8192xf32, #tpu.memory_space<hbm>>) target(%dma_start3A_484 : memref<8192xf32, #tpu.memory_space<vmem>>) target_semaphore(%arg12 : memref<!tpu.dma_semaphore, #tpu.memory_space<semaphore_mem>>)
        %mul3A_488 = arith.constant 4 : i32
        %mul3A_489 = arith.muli %add3A_469, %mul3A_488 : i32
        %add3A_490 = arith.constant 1 : i32
        %add3A_491 = arith.addi %mul3A_489, %add3A_490 : i32
        %get3A_492 = arith.index_cast %add3A_491 : i32 to index
        %get3A_493 = tpu.vector_load %arg8[%get3A_492] {strides = array<i32>} : memref<144xi32, #tpu.memory_space<vmem>>, vector<16xi32>,
        %slice3A_494 = vector.extract_strided_slice %get3A_493 {offsets = [0], sizes = [1], strides = [1]} : vector<16xi32> to vector<1xi32>
        %squeeze3A_495 = vector.extract %slice3A_494[0] : i32 from vector<1xi32>
        %dma_start3A_496 = arith.constant 8192 : i32
        %dma_start3A_497 = tpu.memref_slice %arg9[%dma_start3A_496] : memref<65536xf32, #tpu.memory_space<vmem>> -> memref<8192xf32, #tpu.memory_space<vmem>>
        %dma_start3A_498 = arith.constant 0 : i32
        %dma_start3A_499 = tpu.memref_slice %arg4[%squeeze3A_495, %dma_start3A_498] : memref<8192x8192xf32, #tpu.memory_space<hbm>> -> memref<1x8192xf32, #tpu.memory_space<hbm>>
        %dma_start3A_500 = tpu.memref_squeeze %dma_start3A_499 : memref<1x8192xf32, #tpu.memory_space<hbm>> -> memref<8192xf32, #tpu.memory_space<hbm>>
        %dma_start3A_501 = arith.constant 8192 : i32
        %dma_start3A_502 = tpu.memref_slice %arg9[%dma_start3A_501] : memref<65536xf32, #tpu.memory_space<vmem>> -> memref<8192xf32, #tpu.memory_space<vmem>>
        %dma_start3A_503 = arith.constant 0 : i32
        %dma_start3A_504 = tpu.memref_slice %arg4[%squeeze3A_495, %dma_start3A_503] : memref<8192x8192xf32, #tpu.memory_space<hbm>> -> memref<1x8192xf32, #tpu.memory_space<hbm>>
        %dma_start3A_505 = tpu.memref_squeeze %dma_start3A_504 : memref<1x8192xf32, #tpu.memory_space<hbm>> -> memref<8192xf32, #tpu.memory_space<hbm>>
        tpu.enqueue_dma source(%dma_start3A_505 : memref<8192xf32, #tpu.memory_space<hbm>>) target(%dma_start3A_502 : memref<8192xf32, #tpu.memory_space<vmem>>) target_semaphore(%arg12 : memref<!tpu.dma_semaphore, #tpu.memory_space<semaphore_mem>>)
        %mul3A_506 = arith.constant 4 : i32
        %mul3A_507 = arith.muli %add3A_469, %mul3A_506 : i32
        %add3A_508 = arith.constant 2 : i32
        %add3A_509 = arith.addi %mul3A_507, %add3A_508 : i32
        %get3A_510 = arith.index_cast %add3A_509 : i32 to index
        %get3A_511 = tpu.vector_load %arg8[%get3A_510] {strides = array<i32>} : memref<144xi32, #tpu.memory_space<vmem>>, vector<16xi32>,
        %slice3A_512 = vector.extract_strided_slice %get3A_511 {offsets = [0], sizes = [1], strides = [1]} : vector<16xi32> to vector<1xi32>
        %squeeze3A_513 = vector.extract %slice3A_512[0] : i32 from vector<1xi32>
        %dma_start3A_514 = arith.constant 16384 : i32
        %dma_start3A_515 = tpu.memref_slice %arg9[%dma_start3A_514] : memref<65536xf32, #tpu.memory_space<vmem>> -> memref<8192xf32, #tpu.memory_space<vmem>>
        %dma_start3A_516 = arith.constant 0 : i32
        %dma_start3A_517 = tpu.memref_slice %arg4[%squeeze3A_513, %dma_start3A_516] : memref<8192x8192xf32, #tpu.memory_space<hbm>> -> memref<1x8192xf32, #tpu.memory_space<hbm>>
        %dma_start3A_518 = tpu.memref_squeeze %dma_start3A_517 : memref<1x8192xf32, #tpu.memory_space<hbm>> -> memref<8192xf32, #tpu.memory_space<hbm>>
        %dma_start3A_519 = arith.constant 16384 : i32
        %dma_start3A_520 = tpu.memref_slice %arg9[%dma_start3A_519] : memref<65536xf32, #tpu.memory_space<vmem>> -> memref<8192xf32, #tpu.memory_space<vmem>>
        %dma_start3A_521 = arith.constant 0 : i32
        %dma_start3A_522 = tpu.memref_slice %arg4[%squeeze3A_513, %dma_start3A_521] : memref<8192x8192xf32, #tpu.memory_space<hbm>> -> memref<1x8192xf32, #tpu.memory_space<hbm>>
        %dma_start3A_523 = tpu.memref_squeeze %dma_start3A_522 : memref<1x8192xf32, #tpu.memory_space<hbm>> -> memref<8192xf32, #tpu.memory_space<hbm>>
        tpu.enqueue_dma source(%dma_start3A_523 : memref<8192xf32, #tpu.memory_space<hbm>>) target(%dma_start3A_520 : memref<8192xf32, #tpu.memory_space<vmem>>) target_semaphore(%arg12 : memref<!tpu.dma_semaphore, #tpu.memory_space<semaphore_mem>>)
        %mul3A_524 = arith.constant 4 : i32
        %mul3A_525 = arith.muli %add3A_469, %mul3A_524 : i32
        %add3A_526 = arith.constant 3 : i32
        %add3A_527 = arith.addi %mul3A_525, %add3A_526 : i32
        %get3A_528 = arith.index_cast %add3A_527 : i32 to index
        %get3A_529 = tpu.vector_load %arg8[%get3A_528] {strides = array<i32>} : memref<144xi32, #tpu.memory_space<vmem>>, vector<16xi32>,
        %slice3A_530 = vector.extract_strided_slice %get3A_529 {offsets = [0], sizes = [1], strides = [1]} : vector<16xi32> to vector<1xi32>
        %squeeze3A_531 = vector.extract %slice3A_530[0] : i32 from vector<1xi32>
        %dma_start3A_532 = arith.constant 24576 : i32
        %dma_start3A_533 = tpu.memref_slice %arg9[%dma_start3A_532] : memref<65536xf32, #tpu.memory_space<vmem>> -> memref<8192xf32, #tpu.memory_space<vmem>>
        %dma_start3A_534 = arith.constant 0 : i32
        %dma_start3A_535 = tpu.memref_slice %arg4[%squeeze3A_531, %dma_start3A_534] : memref<8192x8192xf32, #tpu.memory_space<hbm>> -> memref<1x8192xf32, #tpu.memory_space<hbm>>
        %dma_start3A_536 = tpu.memref_squeeze %dma_start3A_535 : memref<1x8192xf32, #tpu.memory_space<hbm>> -> memref<8192xf32, #tpu.memory_space<hbm>>
        %dma_start3A_537 = arith.constant 24576 : i32
        %dma_start3A_538 = tpu.memref_slice %arg9[%dma_start3A_537] : memref<65536xf32, #tpu.memory_space<vmem>> -> memref<8192xf32, #tpu.memory_space<vmem>>
        %dma_start3A_539 = arith.constant 0 : i32
        %dma_start3A_540 = tpu.memref_slice %arg4[%squeeze3A_531, %dma_start3A_539] : memref<8192x8192xf32, #tpu.memory_space<hbm>> -> memref<1x8192xf32, #tpu.memory_space<hbm>>
        %dma_start3A_541 = tpu.memref_squeeze %dma_start3A_540 : memref<1x8192xf32, #tpu.memory_space<hbm>> -> memref<8192xf32, #tpu.memory_space<hbm>>
        tpu.enqueue_dma source(%dma_start3A_541 : memref<8192xf32, #tpu.memory_space<hbm>>) target(%dma_start3A_538 : memref<8192xf32, #tpu.memory_space<vmem>>) target_semaphore(%arg12 : memref<!tpu.dma_semaphore, #tpu.memory_space<semaphore_mem>>)
      } else {
      }
      %mul3A_287 = arith.constant 4 : i32
      %mul3A_288 = arith.muli %add3A_233, %mul3A_287 : i32
      %add3A_289 = arith.addi %mul3A_2, %mul3A_288 : i32
      %add3A_290 = arith.constant 0 : i32
      %add3A_291 = arith.addi %add3A_289, %add3A_290 : i32
      %dma_start3A_292 = arith.constant 0 : i32
      %dma_start3A_293 = tpu.memref_slice %arg10[%dma_start3A_292] : memref<32768xf32, #tpu.memory_space<vmem>> -> memref<4096xf32, #tpu.memory_space<vmem>>
      %dma_start3A_294 = arith.constant 0 : i32
      %dma_start3A_295 = tpu.memref_slice %arg6[%add3A_291, %dma_start3A_294] : memref<4096x4096xf32, #tpu.memory_space<hbm>> -> memref<1x4096xf32, #tpu.memory_space<hbm>>
      %dma_start3A_296 = tpu.memref_squeeze %dma_start3A_295 : memref<1x4096xf32, #tpu.memory_space<hbm>> -> memref<4096xf32, #tpu.memory_space<hbm>>
      %dma_start3A_297 = arith.constant 0 : i32
      %dma_start3A_298 = tpu.memref_slice %arg6[%add3A_291, %dma_start3A_297] : memref<4096x4096xf32, #tpu.memory_space<hbm>> -> memref<1x4096xf32, #tpu.memory_space<hbm>>
      %dma_start3A_299 = tpu.memref_squeeze %dma_start3A_298 : memref<1x4096xf32, #tpu.memory_space<hbm>> -> memref<4096xf32, #tpu.memory_space<hbm>>
      %dma_start3A_300 = arith.constant 0 : i32
      %dma_start3A_301 = tpu.memref_slice %arg10[%dma_start3A_300] : memref<32768xf32, #tpu.memory_space<vmem>> -> memref<4096xf32, #tpu.memory_space<vmem>>
      tpu.enqueue_dma source(%dma_start3A_301 : memref<4096xf32, #tpu.memory_space<vmem>>) target(%dma_start3A_299 : memref<4096xf32, #tpu.memory_space<hbm>>) target_semaphore(%arg14 : memref<!tpu.dma_semaphore, #tpu.memory_space<semaphore_mem>>)
      %mul3A_302 = arith.constant 4 : i32
      %mul3A_303 = arith.muli %add3A_233, %mul3A_302 : i32
      %add3A_304 = arith.addi %mul3A_2, %mul3A_303 : i32
      %add3A_305 = arith.constant 1 : i32
      %add3A_306 = arith.addi %add3A_304, %add3A_305 : i32
      %dma_start3A_307 = arith.constant 4096 : i32
      %dma_start3A_308 = tpu.memref_slice %arg10[%dma_start3A_307] : memref<32768xf32, #tpu.memory_space<vmem>> -> memref<4096xf32, #tpu.memory_space<vmem>>
      %dma_start3A_309 = arith.constant 0 : i32
      %dma_start3A_310 = tpu.memref_slice %arg6[%add3A_306, %dma_start3A_309] : memref<4096x4096xf32, #tpu.memory_space<hbm>> -> memref<1x4096xf32, #tpu.memory_space<hbm>>
      %dma_start3A_311 = tpu.memref_squeeze %dma_start3A_310 : memref<1x4096xf32, #tpu.memory_space<hbm>> -> memref<4096xf32, #tpu.memory_space<hbm>>
      %dma_start3A_312 = arith.constant 0 : i32
      %dma_start3A_313 = tpu.memref_slice %arg6[%add3A_306, %dma_start3A_312] : memref<4096x4096xf32, #tpu.memory_space<hbm>> -> memref<1x4096xf32, #tpu.memory_space<hbm>>
      %dma_start3A_314 = tpu.memref_squeeze %dma_start3A_313 : memref<1x4096xf32, #tpu.memory_space<hbm>> -> memref<4096xf32, #tpu.memory_space<hbm>>
      %dma_start3A_315 = arith.constant 4096 : i32
      %dma_start3A_316 = tpu.memref_slice %arg10[%dma_start3A_315] : memref<32768xf32, #tpu.memory_space<vmem>> -> memref<4096xf32, #tpu.memory_space<vmem>>
      tpu.enqueue_dma source(%dma_start3A_316 : memref<4096xf32, #tpu.memory_space<vmem>>) target(%dma_start3A_314 : memref<4096xf32, #tpu.memory_space<hbm>>) target_semaphore(%arg14 : memref<!tpu.dma_semaphore, #tpu.memory_space<semaphore_mem>>)
      %mul3A_317 = arith.constant 4 : i32
      %mul3A_318 = arith.muli %add3A_233, %mul3A_317 : i32
      %add3A_319 = arith.addi %mul3A_2, %mul3A_318 : i32
      %add3A_320 = arith.constant 2 : i32
      %add3A_321 = arith.addi %add3A_319, %add3A_320 : i32
      %dma_start3A_322 = arith.constant 8192 : i32
      %dma_start3A_323 = tpu.memref_slice %arg10[%dma_start3A_322] : memref<32768xf32, #tpu.memory_space<vmem>> -> memref<4096xf32, #tpu.memory_space<vmem>>
      %dma_start3A_324 = arith.constant 0 : i32
      %dma_start3A_325 = tpu.memref_slice %arg6[%add3A_321, %dma_start3A_324] : memref<4096x4096xf32, #tpu.memory_space<hbm>> -> memref<1x4096xf32, #tpu.memory_space<hbm>>
      %dma_start3A_326 = tpu.memref_squeeze %dma_start3A_325 : memref<1x4096xf32, #tpu.memory_space<hbm>> -> memref<4096xf32, #tpu.memory_space<hbm>>
      %dma_start3A_327 = arith.constant 0 : i32
      %dma_start3A_328 = tpu.memref_slice %arg6[%add3A_321, %dma_start3A_327] : memref<4096x4096xf32, #tpu.memory_space<hbm>> -> memref<1x4096xf32, #tpu.memory_space<hbm>>
      %dma_start3A_329 = tpu.memref_squeeze %dma_start3A_328 : memref<1x4096xf32, #tpu.memory_space<hbm>> -> memref<4096xf32, #tpu.memory_space<hbm>>
      %dma_start3A_330 = arith.constant 8192 : i32
      %dma_start3A_331 = tpu.memref_slice %arg10[%dma_start3A_330] : memref<32768xf32, #tpu.memory_space<vmem>> -> memref<4096xf32, #tpu.memory_space<vmem>>
      tpu.enqueue_dma source(%dma_start3A_331 : memref<4096xf32, #tpu.memory_space<vmem>>) target(%dma_start3A_329 : memref<4096xf32, #tpu.memory_space<hbm>>) target_semaphore(%arg14 : memref<!tpu.dma_semaphore, #tpu.memory_space<semaphore_mem>>)
      %mul3A_332 = arith.constant 4 : i32
      %mul3A_333 = arith.muli %add3A_233, %mul3A_332 : i32
      %add3A_334 = arith.addi %mul3A_2, %mul3A_333 : i32
      %add3A_335 = arith.constant 3 : i32
      %add3A_336 = arith.addi %add3A_334, %add3A_335 : i32
      %dma_start3A_337 = arith.constant 12288 : i32
      %dma_start3A_338 = tpu.memref_slice %arg10[%dma_start3A_337] : memref<32768xf32, #tpu.memory_space<vmem>> -> memref<4096xf32, #tpu.memory_space<vmem>>
      %dma_start3A_339 = arith.constant 0 : i32
      %dma_start3A_340 = tpu.memref_slice %arg6[%add3A_336, %dma_start3A_339] : memref<4096x4096xf32, #tpu.memory_space<hbm>> -> memref<1x4096xf32, #tpu.memory_space<hbm>>
      %dma_start3A_341 = tpu.memref_squeeze %dma_start3A_340 : memref<1x4096xf32, #tpu.memory_space<hbm>> -> memref<4096xf32, #tpu.memory_space<hbm>>
      %dma_start3A_342 = arith.constant 0 : i32
      %dma_start3A_343 = tpu.memref_slice %arg6[%add3A_336, %dma_start3A_342] : memref<4096x4096xf32, #tpu.memory_space<hbm>> -> memref<1x4096xf32, #tpu.memory_space<hbm>>
      %dma_start3A_344 = tpu.memref_squeeze %dma_start3A_343 : memref<1x4096xf32, #tpu.memory_space<hbm>> -> memref<4096xf32, #tpu.memory_space<hbm>>
      %dma_start3A_345 = arith.constant 12288 : i32
      %dma_start3A_346 = tpu.memref_slice %arg10[%dma_start3A_345] : memref<32768xf32, #tpu.memory_space<vmem>> -> memref<4096xf32, #tpu.memory_space<vmem>>
      tpu.enqueue_dma source(%dma_start3A_346 : memref<4096xf32, #tpu.memory_space<vmem>>) target(%dma_start3A_344 : memref<4096xf32, #tpu.memory_space<hbm>>) target_semaphore(%arg14 : memref<!tpu.dma_semaphore, #tpu.memory_space<semaphore_mem>>)
      %mul3A_347 = arith.constant 2 : i32
      %mul3A_348 = arith.muli %add3A_229, %mul3A_347 : i32
      %add3A_349 = arith.constant 1 : i32
      %add3A_350 = arith.addi %mul3A_348, %add3A_349 : i32
      %dma_wait3A_351 = arith.constant 32768 : i32
      %dma_wait3A_352 = tpu.memref_slice %arg9[%dma_wait3A_351] : memref<65536xf32, #tpu.memory_space<vmem>> -> memref<8192xf32, #tpu.memory_space<vmem>>
      %dma_wait3A_353 = arith.constant 0 : i32
      %dma_wait3A_354 = tpu.memref_slice %arg4[%scan3A, %dma_wait3A_353] : memref<8192x8192xf32, #tpu.memory_space<hbm>> -> memref<1x8192xf32, #tpu.memory_space<hbm>>
      %dma_wait3A_355 = tpu.memref_squeeze %dma_wait3A_354 : memref<1x8192xf32, #tpu.memory_space<hbm>> -> memref<8192xf32, #tpu.memory_space<hbm>>
      %dma_wait3A_356 = arith.constant 32768 : i32
      %dma_wait3A_357 = tpu.memref_slice %arg9[%dma_wait3A_356] : memref<65536xf32, #tpu.memory_space<vmem>> -> memref<8192xf32, #tpu.memory_space<vmem>>
      %dma_wait3A_358 = arith.constant 0 : i32
      %dma_wait3A_359 = tpu.memref_slice %arg4[%scan3A, %dma_wait3A_358] : memref<8192x8192xf32, #tpu.memory_space<hbm>> -> memref<1x8192xf32, #tpu.memory_space<hbm>>
      %dma_wait3A_360 = tpu.memref_squeeze %dma_wait3A_359 : memref<1x8192xf32, #tpu.memory_space<hbm>> -> memref<8192xf32, #tpu.memory_space<hbm>>
      tpu.wait_dma2 semaphore(%arg13 : memref<!tpu.dma_semaphore, #tpu.memory_space<semaphore_mem>>) src(%dma_wait3A_360 : memref<8192xf32, #tpu.memory_space<hbm>>) dst(%dma_wait3A_357 : memref<8192xf32, #tpu.memory_space<vmem>>)
      %dma_wait3A_361 = arith.constant 40960 : i32
      %dma_wait3A_362 = tpu.memref_slice %arg9[%dma_wait3A_361] : memref<65536xf32, #tpu.memory_space<vmem>> -> memref<8192xf32, #tpu.memory_space<vmem>>
      %dma_wait3A_363 = arith.constant 0 : i32
      %dma_wait3A_364 = tpu.memref_slice %arg4[%scan3A, %dma_wait3A_363] : memref<8192x8192xf32, #tpu.memory_space<hbm>> -> memref<1x8192xf32, #tpu.memory_space<hbm>>
      %dma_wait3A_365 = tpu.memref_squeeze %dma_wait3A_364 : memref<1x8192xf32, #tpu.memory_space<hbm>> -> memref<8192xf32, #tpu.memory_space<hbm>>
      %dma_wait3A_366 = arith.constant 40960 : i32
      %dma_wait3A_367 = tpu.memref_slice %arg9[%dma_wait3A_366] : memref<65536xf32, #tpu.memory_space<vmem>> -> memref<8192xf32, #tpu.memory_space<vmem>>
      %dma_wait3A_368 = arith.constant 0 : i32
      %dma_wait3A_369 = tpu.memref_slice %arg4[%scan3A, %dma_wait3A_368] : memref<8192x8192xf32, #tpu.memory_space<hbm>> -> memref<1x8192xf32, #tpu.memory_space<hbm>>
      %dma_wait3A_370 = tpu.memref_squeeze %dma_wait3A_369 : memref<1x8192xf32, #tpu.memory_space<hbm>> -> memref<8192xf32, #tpu.memory_space<hbm>>
      tpu.wait_dma2 semaphore(%arg13 : memref<!tpu.dma_semaphore, #tpu.memory_space<semaphore_mem>>) src(%dma_wait3A_370 : memref<8192xf32, #tpu.memory_space<hbm>>) dst(%dma_wait3A_367 : memref<8192xf32, #tpu.memory_space<vmem>>)
      %dma_wait3A_371 = arith.constant 49152 : i32
      %dma_wait3A_372 = tpu.memref_slice %arg9[%dma_wait3A_371] : memref<65536xf32, #tpu.memory_space<vmem>> -> memref<8192xf32, #tpu.memory_space<vmem>>
      %dma_wait3A_373 = arith.constant 0 : i32
      %dma_wait3A_374 = tpu.memref_slice %arg4[%scan3A, %dma_wait3A_373] : memref<8192x8192xf32, #tpu.memory_space<hbm>> -> memref<1x8192xf32, #tpu.memory_space<hbm>>
      %dma_wait3A_375 = tpu.memref_squeeze %dma_wait3A_374 : memref<1x8192xf32, #tpu.memory_space<hbm>> -> memref<8192xf32, #tpu.memory_space<hbm>>
      %dma_wait3A_376 = arith.constant 49152 : i32
      %dma_wait3A_377 = tpu.memref_slice %arg9[%dma_wait3A_376] : memref<65536xf32, #tpu.memory_space<vmem>> -> memref<8192xf32, #tpu.memory_space<vmem>>
      %dma_wait3A_378 = arith.constant 0 : i32
      %dma_wait3A_379 = tpu.memref_slice %arg4[%scan3A, %dma_wait3A_378] : memref<8192x8192xf32, #tpu.memory_space<hbm>> -> memref<1x8192xf32, #tpu.memory_space<hbm>>
      %dma_wait3A_380 = tpu.memref_squeeze %dma_wait3A_379 : memref<1x8192xf32, #tpu.memory_space<hbm>> -> memref<8192xf32, #tpu.memory_space<hbm>>
      tpu.wait_dma2 semaphore(%arg13 : memref<!tpu.dma_semaphore, #tpu.memory_space<semaphore_mem>>) src(%dma_wait3A_380 : memref<8192xf32, #tpu.memory_space<hbm>>) dst(%dma_wait3A_377 : memref<8192xf32, #tpu.memory_space<vmem>>)
      %dma_wait3A_381 = arith.constant 57344 : i32
      %dma_wait3A_382 = tpu.memref_slice %arg9[%dma_wait3A_381] : memref<65536xf32, #tpu.memory_space<vmem>> -> memref<8192xf32, #tpu.memory_space<vmem>>
      %dma_wait3A_383 = arith.constant 0 : i32
      %dma_wait3A_384 = tpu.memref_slice %arg4[%scan3A, %dma_wait3A_383] : memref<8192x8192xf32, #tpu.memory_space<hbm>> -> memref<1x8192xf32, #tpu.memory_space<hbm>>
      %dma_wait3A_385 = tpu.memref_squeeze %dma_wait3A_384 : memref<1x8192xf32, #tpu.memory_space<hbm>> -> memref<8192xf32, #tpu.memory_space<hbm>>
      %dma_wait3A_386 = arith.constant 57344 : i32
      %dma_wait3A_387 = tpu.memref_slice %arg9[%dma_wait3A_386] : memref<65536xf32, #tpu.memory_space<vmem>> -> memref<8192xf32, #tpu.memory_space<vmem>>
      %dma_wait3A_388 = arith.constant 0 : i32
      %dma_wait3A_389 = tpu.memref_slice %arg4[%scan3A, %dma_wait3A_388] : memref<8192x8192xf32, #tpu.memory_space<hbm>> -> memref<1x8192xf32, #tpu.memory_space<hbm>>
      %dma_wait3A_390 = tpu.memref_squeeze %dma_wait3A_389 : memref<1x8192xf32, #tpu.memory_space<hbm>> -> memref<8192xf32, #tpu.memory_space<hbm>>
      tpu.wait_dma2 semaphore(%arg13 : memref<!tpu.dma_semaphore, #tpu.memory_space<semaphore_mem>>) src(%dma_wait3A_390 : memref<8192xf32, #tpu.memory_space<hbm>>) dst(%dma_wait3A_387 : memref<8192xf32, #tpu.memory_space<vmem>>)
      %gt3A_391 = arith.constant 0 : i32
      %gt3A_392 = arith.cmpi sgt, %add3A_229, %gt3A_391 : i32
      %convert_element_type3A_393 = arith.extui %gt3A_392 : i1 to i32
      %cond3A_394 = arith.constant 0 : i32
      %cond3A_395 = arith.cmpi ne, %convert_element_type3A_393, %cond3A_394 : i32
      scf.if %cond3A_395 {
        %dma_wait3A_468 = arith.constant 16384 : i32
        %dma_wait3A_469 = tpu.memref_slice %arg10[%dma_wait3A_468] : memref<32768xf32, #tpu.memory_space<vmem>> -> memref<4096xf32, #tpu.memory_space<vmem>>
        %dma_wait3A_470 = arith.constant 0 : i32
        %dma_wait3A_471 = tpu.memref_slice %arg6[%mul3A_2, %dma_wait3A_470] : memref<4096x4096xf32, #tpu.memory_space<hbm>> -> memref<1x4096xf32, #tpu.memory_space<hbm>>
        %dma_wait3A_472 = tpu.memref_squeeze %dma_wait3A_471 : memref<1x4096xf32, #tpu.memory_space<hbm>> -> memref<4096xf32, #tpu.memory_space<hbm>>
        %dma_wait3A_473 = arith.constant 0 : i32
        %dma_wait3A_474 = tpu.memref_slice %arg6[%mul3A_2, %dma_wait3A_473] : memref<4096x4096xf32, #tpu.memory_space<hbm>> -> memref<1x4096xf32, #tpu.memory_space<hbm>>
        %dma_wait3A_475 = tpu.memref_squeeze %dma_wait3A_474 : memref<1x4096xf32, #tpu.memory_space<hbm>> -> memref<4096xf32, #tpu.memory_space<hbm>>
        %dma_wait3A_476 = arith.constant 16384 : i32
        %dma_wait3A_477 = tpu.memref_slice %arg10[%dma_wait3A_476] : memref<32768xf32, #tpu.memory_space<vmem>> -> memref<4096xf32, #tpu.memory_space<vmem>>
        tpu.wait_dma2 semaphore(%arg15 : memref<!tpu.dma_semaphore, #tpu.memory_space<semaphore_mem>>) src(%dma_wait3A_477 : memref<4096xf32, #tpu.memory_space<vmem>>) dst(%dma_wait3A_475 : memref<4096xf32, #tpu.memory_space<hbm>>)
        %dma_wait3A_478 = arith.constant 20480 : i32
        %dma_wait3A_479 = tpu.memref_slice %arg10[%dma_wait3A_478] : memref<32768xf32, #tpu.memory_space<vmem>> -> memref<4096xf32, #tpu.memory_space<vmem>>
        %dma_wait3A_480 = arith.constant 0 : i32
        %dma_wait3A_481 = tpu.memref_slice %arg6[%mul3A_2, %dma_wait3A_480] : memref<4096x4096xf32, #tpu.memory_space<hbm>> -> memref<1x4096xf32, #tpu.memory_space<hbm>>
        %dma_wait3A_482 = tpu.memref_squeeze %dma_wait3A_481 : memref<1x4096xf32, #tpu.memory_space<hbm>> -> memref<4096xf32, #tpu.memory_space<hbm>>
        %dma_wait3A_483 = arith.constant 0 : i32
        %dma_wait3A_484 = tpu.memref_slice %arg6[%mul3A_2, %dma_wait3A_483] : memref<4096x4096xf32, #tpu.memory_space<hbm>> -> memref<1x4096xf32, #tpu.memory_space<hbm>>
        %dma_wait3A_485 = tpu.memref_squeeze %dma_wait3A_484 : memref<1x4096xf32, #tpu.memory_space<hbm>> -> memref<4096xf32, #tpu.memory_space<hbm>>
        %dma_wait3A_486 = arith.constant 20480 : i32
        %dma_wait3A_487 = tpu.memref_slice %arg10[%dma_wait3A_486] : memref<32768xf32, #tpu.memory_space<vmem>> -> memref<4096xf32, #tpu.memory_space<vmem>>
        tpu.wait_dma2 semaphore(%arg15 : memref<!tpu.dma_semaphore, #tpu.memory_space<semaphore_mem>>) src(%dma_wait3A_487 : memref<4096xf32, #tpu.memory_space<vmem>>) dst(%dma_wait3A_485 : memref<4096xf32, #tpu.memory_space<hbm>>)
        %dma_wait3A_488 = arith.constant 24576 : i32
        %dma_wait3A_489 = tpu.memref_slice %arg10[%dma_wait3A_488] : memref<32768xf32, #tpu.memory_space<vmem>> -> memref<4096xf32, #tpu.memory_space<vmem>>
        %dma_wait3A_490 = arith.constant 0 : i32
        %dma_wait3A_491 = tpu.memref_slice %arg6[%mul3A_2, %dma_wait3A_490] : memref<4096x4096xf32, #tpu.memory_space<hbm>> -> memref<1x4096xf32, #tpu.memory_space<hbm>>
        %dma_wait3A_492 = tpu.memref_squeeze %dma_wait3A_491 : memref<1x4096xf32, #tpu.memory_space<hbm>> -> memref<4096xf32, #tpu.memory_space<hbm>>
        %dma_wait3A_493 = arith.constant 0 : i32
        %dma_wait3A_494 = tpu.memref_slice %arg6[%mul3A_2, %dma_wait3A_493] : memref<4096x4096xf32, #tpu.memory_space<hbm>> -> memref<1x4096xf32, #tpu.memory_space<hbm>>
        %dma_wait3A_495 = tpu.memref_squeeze %dma_wait3A_494 : memref<1x4096xf32, #tpu.memory_space<hbm>> -> memref<4096xf32, #tpu.memory_space<hbm>>
        %dma_wait3A_496 = arith.constant 24576 : i32
        %dma_wait3A_497 = tpu.memref_slice %arg10[%dma_wait3A_496] : memref<32768xf32, #tpu.memory_space<vmem>> -> memref<4096xf32, #tpu.memory_space<vmem>>
        tpu.wait_dma2 semaphore(%arg15 : memref<!tpu.dma_semaphore, #tpu.memory_space<semaphore_mem>>) src(%dma_wait3A_497 : memref<4096xf32, #tpu.memory_space<vmem>>) dst(%dma_wait3A_495 : memref<4096xf32, #tpu.memory_space<hbm>>)
        %dma_wait3A_498 = arith.constant 28672 : i32
        %dma_wait3A_499 = tpu.memref_slice %arg10[%dma_wait3A_498] : memref<32768xf32, #tpu.memory_space<vmem>> -> memref<4096xf32, #tpu.memory_space<vmem>>
        %dma_wait3A_500 = arith.constant 0 : i32
        %dma_wait3A_501 = tpu.memref_slice %arg6[%mul3A_2, %dma_wait3A_500] : memref<4096x4096xf32, #tpu.memory_space<hbm>> -> memref<1x4096xf32, #tpu.memory_space<hbm>>
        %dma_wait3A_502 = tpu.memref_squeeze %dma_wait3A_501 : memref<1x4096xf32, #tpu.memory_space<hbm>> -> memref<4096xf32, #tpu.memory_space<hbm>>
        %dma_wait3A_503 = arith.constant 0 : i32
        %dma_wait3A_504 = tpu.memref_slice %arg6[%mul3A_2, %dma_wait3A_503] : memref<4096x4096xf32, #tpu.memory_space<hbm>> -> memref<1x4096xf32, #tpu.memory_space<hbm>>
        %dma_wait3A_505 = tpu.memref_squeeze %dma_wait3A_504 : memref<1x4096xf32, #tpu.memory_space<hbm>> -> memref<4096xf32, #tpu.memory_space<hbm>>
        %dma_wait3A_506 = arith.constant 28672 : i32
        %dma_wait3A_507 = tpu.memref_slice %arg10[%dma_wait3A_506] : memref<32768xf32, #tpu.memory_space<vmem>> -> memref<4096xf32, #tpu.memory_space<vmem>>
        tpu.wait_dma2 semaphore(%arg15 : memref<!tpu.dma_semaphore, #tpu.memory_space<semaphore_mem>>) src(%dma_wait3A_507 : memref<4096xf32, #tpu.memory_space<vmem>>) dst(%dma_wait3A_505 : memref<4096xf32, #tpu.memory_space<hbm>>)
      } else {
      }
      %scan3A_396 = arith.constant 0 : i32
      %scan3A_397 = arith.constant 256 : i32
      %scan3A_398 = arith.addi %scan3A_396, %scan3A_397 : i32
      %scan3A_399 = arith.constant 8 : i32
      scf.for %scan3A_468 = %scan3A_396 to %scan3A_398 step %scan3A_399  : i32 {
        %mul3A_469 = arith.constant 1 : i32
        %mul3A_470 = arith.muli %scan3A_468, %mul3A_469 : i32
        %add3A_471 = arith.constant 0 : i32
        %add3A_472 = arith.addi %add3A_471, %mul3A_470 : i32
        %mul3A_473 = arith.constant 16 : i32
        %mul3A_474 = arith.muli %add3A_472, %mul3A_473 : i32
        %get3A_475 = arith.index_cast %mul3A_474 : i32 to index
        %get3A_476 = tpu.vector_load %arg7[%get3A_475] {strides = array<i32>} : memref<4096xi32, #tpu.memory_space<vmem>>, vector<16xi32>,
        %add3A_477 = arith.constant 32768 : i32
        %add3A_478 = vector.broadcast %add3A_477 : i32 to vector<16xi32>
        %add3A_479 = arith.addi %get3A_476, %add3A_478 : vector<16xi32>
        %gather3A = tpu.vector_load_idx %arg9[%add3A_479] : memref<65536xf32, #tpu.memory_space<vmem>>[vector<16xi32>], vector<16xf32>,
        %mul3A_480 = arith.constant 16 : i32
        %mul3A_481 = arith.muli %add3A_472, %mul3A_480 : i32
        %add3A_482 = arith.constant 16384 : i32
        %add3A_483 = arith.addi %add3A_482, %mul3A_481 : i32
        %swap3A = arith.index_cast %add3A_483 : i32 to index
        %swap3A_484 = tpu.vector_load %arg10[%swap3A] {strides = array<i32>} : memref<32768xf32, #tpu.memory_space<vmem>>, vector<16xf32>,
        tpu.vector_store %arg10[%swap3A], %gather3A {strides = array<i32>} : memref<32768xf32, #tpu.memory_space<vmem>>, vector<16xf32>,
        %add3A_485 = arith.constant 40960 : i32
        %add3A_486 = vector.broadcast %add3A_485 : i32 to vector<16xi32>
        %add3A_487 = arith.addi %get3A_476, %add3A_486 : vector<16xi32>
        %gather3A_488 = tpu.vector_load_idx %arg9[%add3A_487] : memref<65536xf32, #tpu.memory_space<vmem>>[vector<16xi32>], vector<16xf32>,
        %mul3A_489 = arith.constant 16 : i32
        %mul3A_490 = arith.muli %add3A_472, %mul3A_489 : i32
        %add3A_491 = arith.constant 20480 : i32
        %add3A_492 = arith.addi %add3A_491, %mul3A_490 : i32
        %swap3A_493 = arith.index_cast %add3A_492 : i32 to index
        %swap3A_494 = tpu.vector_load %arg10[%swap3A_493] {strides = array<i32>} : memref<32768xf32, #tpu.memory_space<vmem>>, vector<16xf32>,
        tpu.vector_store %arg10[%swap3A_493], %gather3A_488 {strides = array<i32>} : memref<32768xf32, #tpu.memory_space<vmem>>, vector<16xf32>,
        %add3A_495 = arith.constant 49152 : i32
        %add3A_496 = vector.broadcast %add3A_495 : i32 to vector<16xi32>
        %add3A_497 = arith.addi %get3A_476, %add3A_496 : vector<16xi32>
        %gather3A_498 = tpu.vector_load_idx %arg9[%add3A_497] : memref<65536xf32, #tpu.memory_space<vmem>>[vector<16xi32>], vector<16xf32>,
        %mul3A_499 = arith.constant 16 : i32
        %mul3A_500 = arith.muli %add3A_472, %mul3A_499 : i32
        %add3A_501 = arith.constant 24576 : i32
        %add3A_502 = arith.addi %add3A_501, %mul3A_500 : i32
        %swap3A_503 = arith.index_cast %add3A_502 : i32 to index
        %swap3A_504 = tpu.vector_load %arg10[%swap3A_503] {strides = array<i32>} : memref<32768xf32, #tpu.memory_space<vmem>>, vector<16xf32>,
        tpu.vector_store %arg10[%swap3A_503], %gather3A_498 {strides = array<i32>} : memref<32768xf32, #tpu.memory_space<vmem>>, vector<16xf32>,
        %add3A_505 = arith.constant 57344 : i32
        %add3A_506 = vector.broadcast %add3A_505 : i32 to vector<16xi32>
        %add3A_507 = arith.addi %get3A_476, %add3A_506 : vector<16xi32>
        %gather3A_508 = tpu.vector_load_idx %arg9[%add3A_507] : memref<65536xf32, #tpu.memory_space<vmem>>[vector<16xi32>], vector<16xf32>,
        %mul3A_509 = arith.constant 16 : i32
        %mul3A_510 = arith.muli %add3A_472, %mul3A_509 : i32
        %add3A_511 = arith.constant 28672 : i32
        %add3A_512 = arith.addi %add3A_511, %mul3A_510 : i32
        %swap3A_513 = arith.index_cast %add3A_512 : i32 to index
        %swap3A_514 = tpu.vector_load %arg10[%swap3A_513] {strides = array<i32>} : memref<32768xf32, #tpu.memory_space<vmem>>, vector<16xf32>,
        tpu.vector_store %arg10[%swap3A_513], %gather3A_508 {strides = array<i32>} : memref<32768xf32, #tpu.memory_space<vmem>>, vector<16xf32>,
        %scan3A_515 = arith.constant 1 : i32
        %scan3A_516 = arith.addi %scan3A_468, %scan3A_515 : i32
        %mul3A_517 = arith.constant 1 : i32
        %mul3A_518 = arith.muli %scan3A_516, %mul3A_517 : i32
        %add3A_519 = arith.constant 0 : i32
        %add3A_520 = arith.addi %add3A_519, %mul3A_518 : i32
        %mul3A_521 = arith.constant 16 : i32
        %mul3A_522 = arith.muli %add3A_520, %mul3A_521 : i32
        %get3A_523 = arith.index_cast %mul3A_522 : i32 to index
        %get3A_524 = tpu.vector_load %arg7[%get3A_523] {strides = array<i32>} : memref<4096xi32, #tpu.memory_space<vmem>>, vector<16xi32>,
        %add3A_525 = arith.constant 32768 : i32
        %add3A_526 = vector.broadcast %add3A_525 : i32 to vector<16xi32>
        %add3A_527 = arith.addi %get3A_524, %add3A_526 : vector<16xi32>
        %gather3A_528 = tpu.vector_load_idx %arg9[%add3A_527] : memref<65536xf32, #tpu.memory_space<vmem>>[vector<16xi32>], vector<16xf32>,
        %mul3A_529 = arith.constant 16 : i32
        %mul3A_530 = arith.muli %add3A_520, %mul3A_529 : i32
        %add3A_531 = arith.constant 16384 : i32
        %add3A_532 = arith.addi %add3A_531, %mul3A_530 : i32
        %swap3A_533 = arith.index_cast %add3A_532 : i32 to index
        %swap3A_534 = tpu.vector_load %arg10[%swap3A_533] {strides = array<i32>} : memref<32768xf32, #tpu.memory_space<vmem>>, vector<16xf32>,
        tpu.vector_store %arg10[%swap3A_533], %gather3A_528 {strides = array<i32>} : memref<32768xf32, #tpu.memory_space<vmem>>, vector<16xf32>,
        %add3A_535 = arith.constant 40960 : i32
        %add3A_536 = vector.broadcast %add3A_535 : i32 to vector<16xi32>
        %add3A_537 = arith.addi %get3A_524, %add3A_536 : vector<16xi32>
        %gather3A_538 = tpu.vector_load_idx %arg9[%add3A_537] : memref<65536xf32, #tpu.memory_space<vmem>>[vector<16xi32>], vector<16xf32>,
        %mul3A_539 = arith.constant 16 : i32
        %mul3A_540 = arith.muli %add3A_520, %mul3A_539 : i32
        %add3A_541 = arith.constant 20480 : i32
        %add3A_542 = arith.addi %add3A_541, %mul3A_540 : i32
        %swap3A_543 = arith.index_cast %add3A_542 : i32 to index
        %swap3A_544 = tpu.vector_load %arg10[%swap3A_543] {strides = array<i32>} : memref<32768xf32, #tpu.memory_space<vmem>>, vector<16xf32>,
        tpu.vector_store %arg10[%swap3A_543], %gather3A_538 {strides = array<i32>} : memref<32768xf32, #tpu.memory_space<vmem>>, vector<16xf32>,
        %add3A_545 = arith.constant 49152 : i32
        %add3A_546 = vector.broadcast %add3A_545 : i32 to vector<16xi32>
        %add3A_547 = arith.addi %get3A_524, %add3A_546 : vector<16xi32>
        %gather3A_548 = tpu.vector_load_idx %arg9[%add3A_547] : memref<65536xf32, #tpu.memory_space<vmem>>[vector<16xi32>], vector<16xf32>,
        %mul3A_549 = arith.constant 16 : i32
        %mul3A_550 = arith.muli %add3A_520, %mul3A_549 : i32
        %add3A_551 = arith.constant 24576 : i32
        %add3A_552 = arith.addi %add3A_551, %mul3A_550 : i32
        %swap3A_553 = arith.index_cast %add3A_552 : i32 to index
        %swap3A_554 = tpu.vector_load %arg10[%swap3A_553] {strides = array<i32>} : memref<32768xf32, #tpu.memory_space<vmem>>, vector<16xf32>,
        tpu.vector_store %arg10[%swap3A_553], %gather3A_548 {strides = array<i32>} : memref<32768xf32, #tpu.memory_space<vmem>>, vector<16xf32>,
        %add3A_555 = arith.constant 57344 : i32
        %add3A_556 = vector.broadcast %add3A_555 : i32 to vector<16xi32>
        %add3A_557 = arith.addi %get3A_524, %add3A_556 : vector<16xi32>
        %gather3A_558 = tpu.vector_load_idx %arg9[%add3A_557] : memref<65536xf32, #tpu.memory_space<vmem>>[vector<16xi32>], vector<16xf32>,
        %mul3A_559 = arith.constant 16 : i32
        %mul3A_560 = arith.muli %add3A_520, %mul3A_559 : i32
        %add3A_561 = arith.constant 28672 : i32
        %add3A_562 = arith.addi %add3A_561, %mul3A_560 : i32
        %swap3A_563 = arith.index_cast %add3A_562 : i32 to index
        %swap3A_564 = tpu.vector_load %arg10[%swap3A_563] {strides = array<i32>} : memref<32768xf32, #tpu.memory_space<vmem>>, vector<16xf32>,
        tpu.vector_store %arg10[%swap3A_563], %gather3A_558 {strides = array<i32>} : memref<32768xf32, #tpu.memory_space<vmem>>, vector<16xf32>,
        %scan3A_565 = arith.constant 2 : i32
        %scan3A_566 = arith.addi %scan3A_468, %scan3A_565 : i32
        %mul3A_567 = arith.constant 1 : i32
        %mul3A_568 = arith.muli %scan3A_566, %mul3A_567 : i32
        %add3A_569 = arith.constant 0 : i32
        %add3A_570 = arith.addi %add3A_569, %mul3A_568 : i32
        %mul3A_571 = arith.constant 16 : i32
        %mul3A_572 = arith.muli %add3A_570, %mul3A_571 : i32
        %get3A_573 = arith.index_cast %mul3A_572 : i32 to index
        %get3A_574 = tpu.vector_load %arg7[%get3A_573] {strides = array<i32>} : memref<4096xi32, #tpu.memory_space<vmem>>, vector<16xi32>,
        %add3A_575 = arith.constant 32768 : i32
        %add3A_576 = vector.broadcast %add3A_575 : i32 to vector<16xi32>
        %add3A_577 = arith.addi %get3A_574, %add3A_576 : vector<16xi32>
        %gather3A_578 = tpu.vector_load_idx %arg9[%add3A_577] : memref<65536xf32, #tpu.memory_space<vmem>>[vector<16xi32>], vector<16xf32>,
        %mul3A_579 = arith.constant 16 : i32
        %mul3A_580 = arith.muli %add3A_570, %mul3A_579 : i32
        %add3A_581 = arith.constant 16384 : i32
        %add3A_582 = arith.addi %add3A_581, %mul3A_580 : i32
        %swap3A_583 = arith.index_cast %add3A_582 : i32 to index
        %swap3A_584 = tpu.vector_load %arg10[%swap3A_583] {strides = array<i32>} : memref<32768xf32, #tpu.memory_space<vmem>>, vector<16xf32>,
        tpu.vector_store %arg10[%swap3A_583], %gather3A_578 {strides = array<i32>} : memref<32768xf32, #tpu.memory_space<vmem>>, vector<16xf32>,
        %add3A_585 = arith.constant 40960 : i32
        %add3A_586 = vector.broadcast %add3A_585 : i32 to vector<16xi32>
        %add3A_587 = arith.addi %get3A_574, %add3A_586 : vector<16xi32>
        %gather3A_588 = tpu.vector_load_idx %arg9[%add3A_587] : memref<65536xf32, #tpu.memory_space<vmem>>[vector<16xi32>], vector<16xf32>,
        %mul3A_589 = arith.constant 16 : i32
        %mul3A_590 = arith.muli %add3A_570, %mul3A_589 : i32
        %add3A_591 = arith.constant 20480 : i32
        %add3A_592 = arith.addi %add3A_591, %mul3A_590 : i32
        %swap3A_593 = arith.index_cast %add3A_592 : i32 to index
        %swap3A_594 = tpu.vector_load %arg10[%swap3A_593] {strides = array<i32>} : memref<32768xf32, #tpu.memory_space<vmem>>, vector<16xf32>,
        tpu.vector_store %arg10[%swap3A_593], %gather3A_588 {strides = array<i32>} : memref<32768xf32, #tpu.memory_space<vmem>>, vector<16xf32>,
        %add3A_595 = arith.constant 49152 : i32
        %add3A_596 = vector.broadcast %add3A_595 : i32 to vector<16xi32>
        %add3A_597 = arith.addi %get3A_574, %add3A_596 : vector<16xi32>
        %gather3A_598 = tpu.vector_load_idx %arg9[%add3A_597] : memref<65536xf32, #tpu.memory_space<vmem>>[vector<16xi32>], vector<16xf32>,
        %mul3A_599 = arith.constant 16 : i32
        %mul3A_600 = arith.muli %add3A_570, %mul3A_599 : i32
        %add3A_601 = arith.constant 24576 : i32
        %add3A_602 = arith.addi %add3A_601, %mul3A_600 : i32
        %swap3A_603 = arith.index_cast %add3A_602 : i32 to index
        %swap3A_604 = tpu.vector_load %arg10[%swap3A_603] {strides = array<i32>} : memref<32768xf32, #tpu.memory_space<vmem>>, vector<16xf32>,
        tpu.vector_store %arg10[%swap3A_603], %gather3A_598 {strides = array<i32>} : memref<32768xf32, #tpu.memory_space<vmem>>, vector<16xf32>,
        %add3A_605 = arith.constant 57344 : i32
        %add3A_606 = vector.broadcast %add3A_605 : i32 to vector<16xi32>
        %add3A_607 = arith.addi %get3A_574, %add3A_606 : vector<16xi32>
        %gather3A_608 = tpu.vector_load_idx %arg9[%add3A_607] : memref<65536xf32, #tpu.memory_space<vmem>>[vector<16xi32>], vector<16xf32>,
        %mul3A_609 = arith.constant 16 : i32
        %mul3A_610 = arith.muli %add3A_570, %mul3A_609 : i32
        %add3A_611 = arith.constant 28672 : i32
        %add3A_612 = arith.addi %add3A_611, %mul3A_610 : i32
        %swap3A_613 = arith.index_cast %add3A_612 : i32 to index
        %swap3A_614 = tpu.vector_load %arg10[%swap3A_613] {strides = array<i32>} : memref<32768xf32, #tpu.memory_space<vmem>>, vector<16xf32>,
        tpu.vector_store %arg10[%swap3A_613], %gather3A_608 {strides = array<i32>} : memref<32768xf32, #tpu.memory_space<vmem>>, vector<16xf32>,
        %scan3A_615 = arith.constant 3 : i32
        %scan3A_616 = arith.addi %scan3A_468, %scan3A_615 : i32
        %mul3A_617 = arith.constant 1 : i32
        %mul3A_618 = arith.muli %scan3A_616, %mul3A_617 : i32
        %add3A_619 = arith.constant 0 : i32
        %add3A_620 = arith.addi %add3A_619, %mul3A_618 : i32
        %mul3A_621 = arith.constant 16 : i32
        %mul3A_622 = arith.muli %add3A_620, %mul3A_621 : i32
        %get3A_623 = arith.index_cast %mul3A_622 : i32 to index
        %get3A_624 = tpu.vector_load %arg7[%get3A_623] {strides = array<i32>} : memref<4096xi32, #tpu.memory_space<vmem>>, vector<16xi32>,
        %add3A_625 = arith.constant 32768 : i32
        %add3A_626 = vector.broadcast %add3A_625 : i32 to vector<16xi32>
        %add3A_627 = arith.addi %get3A_624, %add3A_626 : vector<16xi32>
        %gather3A_628 = tpu.vector_load_idx %arg9[%add3A_627] : memref<65536xf32, #tpu.memory_space<vmem>>[vector<16xi32>], vector<16xf32>,
        %mul3A_629 = arith.constant 16 : i32
        %mul3A_630 = arith.muli %add3A_620, %mul3A_629 : i32
        %add3A_631 = arith.constant 16384 : i32
        %add3A_632 = arith.addi %add3A_631, %mul3A_630 : i32
        %swap3A_633 = arith.index_cast %add3A_632 : i32 to index
        %swap3A_634 = tpu.vector_load %arg10[%swap3A_633] {strides = array<i32>} : memref<32768xf32, #tpu.memory_space<vmem>>, vector<16xf32>,
        tpu.vector_store %arg10[%swap3A_633], %gather3A_628 {strides = array<i32>} : memref<32768xf32, #tpu.memory_space<vmem>>, vector<16xf32>,
        %add3A_635 = arith.constant 40960 : i32
        %add3A_636 = vector.broadcast %add3A_635 : i32 to vector<16xi32>
        %add3A_637 = arith.addi %get3A_624, %add3A_636 : vector<16xi32>
        %gather3A_638 = tpu.vector_load_idx %arg9[%add3A_637] : memref<65536xf32, #tpu.memory_space<vmem>>[vector<16xi32>], vector<16xf32>,
        %mul3A_639 = arith.constant 16 : i32
        %mul3A_640 = arith.muli %add3A_620, %mul3A_639 : i32
        %add3A_641 = arith.constant 20480 : i32
        %add3A_642 = arith.addi %add3A_641, %mul3A_640 : i32
        %swap3A_643 = arith.index_cast %add3A_642 : i32 to index
        %swap3A_644 = tpu.vector_load %arg10[%swap3A_643] {strides = array<i32>} : memref<32768xf32, #tpu.memory_space<vmem>>, vector<16xf32>,
        tpu.vector_store %arg10[%swap3A_643], %gather3A_638 {strides = array<i32>} : memref<32768xf32, #tpu.memory_space<vmem>>, vector<16xf32>,
        %add3A_645 = arith.constant 49152 : i32
        %add3A_646 = vector.broadcast %add3A_645 : i32 to vector<16xi32>
        %add3A_647 = arith.addi %get3A_624, %add3A_646 : vector<16xi32>
        %gather3A_648 = tpu.vector_load_idx %arg9[%add3A_647] : memref<65536xf32, #tpu.memory_space<vmem>>[vector<16xi32>], vector<16xf32>,
        %mul3A_649 = arith.constant 16 : i32
        %mul3A_650 = arith.muli %add3A_620, %mul3A_649 : i32
        %add3A_651 = arith.constant 24576 : i32
        %add3A_652 = arith.addi %add3A_651, %mul3A_650 : i32
        %swap3A_653 = arith.index_cast %add3A_652 : i32 to index
        %swap3A_654 = tpu.vector_load %arg10[%swap3A_653] {strides = array<i32>} : memref<32768xf32, #tpu.memory_space<vmem>>, vector<16xf32>,
        tpu.vector_store %arg10[%swap3A_653], %gather3A_648 {strides = array<i32>} : memref<32768xf32, #tpu.memory_space<vmem>>, vector<16xf32>,
        %add3A_655 = arith.constant 57344 : i32
        %add3A_656 = vector.broadcast %add3A_655 : i32 to vector<16xi32>
        %add3A_657 = arith.addi %get3A_624, %add3A_656 : vector<16xi32>
        %gather3A_658 = tpu.vector_load_idx %arg9[%add3A_657] : memref<65536xf32, #tpu.memory_space<vmem>>[vector<16xi32>], vector<16xf32>,
        %mul3A_659 = arith.constant 16 : i32
        %mul3A_660 = arith.muli %add3A_620, %mul3A_659 : i32
        %add3A_661 = arith.constant 28672 : i32
        %add3A_662 = arith.addi %add3A_661, %mul3A_660 : i32
        %swap3A_663 = arith.index_cast %add3A_662 : i32 to index
        %swap3A_664 = tpu.vector_load %arg10[%swap3A_663] {strides = array<i32>} : memref<32768xf32, #tpu.memory_space<vmem>>, vector<16xf32>,
        tpu.vector_store %arg10[%swap3A_663], %gather3A_658 {strides = array<i32>} : memref<32768xf32, #tpu.memory_space<vmem>>, vector<16xf32>,
        %scan3A_665 = arith.constant 4 : i32
        %scan3A_666 = arith.addi %scan3A_468, %scan3A_665 : i32
        %mul3A_667 = arith.constant 1 : i32
        %mul3A_668 = arith.muli %scan3A_666, %mul3A_667 : i32
        %add3A_669 = arith.constant 0 : i32
        %add3A_670 = arith.addi %add3A_669, %mul3A_668 : i32
        %mul3A_671 = arith.constant 16 : i32
        %mul3A_672 = arith.muli %add3A_670, %mul3A_671 : i32
        %get3A_673 = arith.index_cast %mul3A_672 : i32 to index
        %get3A_674 = tpu.vector_load %arg7[%get3A_673] {strides = array<i32>} : memref<4096xi32, #tpu.memory_space<vmem>>, vector<16xi32>,
        %add3A_675 = arith.constant 32768 : i32
        %add3A_676 = vector.broadcast %add3A_675 : i32 to vector<16xi32>
        %add3A_677 = arith.addi %get3A_674, %add3A_676 : vector<16xi32>
        %gather3A_678 = tpu.vector_load_idx %arg9[%add3A_677] : memref<65536xf32, #tpu.memory_space<vmem>>[vector<16xi32>], vector<16xf32>,
        %mul3A_679 = arith.constant 16 : i32
        %mul3A_680 = arith.muli %add3A_670, %mul3A_679 : i32
        %add3A_681 = arith.constant 16384 : i32
        %add3A_682 = arith.addi %add3A_681, %mul3A_680 : i32
        %swap3A_683 = arith.index_cast %add3A_682 : i32 to index
        %swap3A_684 = tpu.vector_load %arg10[%swap3A_683] {strides = array<i32>} : memref<32768xf32, #tpu.memory_space<vmem>>, vector<16xf32>,
        tpu.vector_store %arg10[%swap3A_683], %gather3A_678 {strides = array<i32>} : memref<32768xf32, #tpu.memory_space<vmem>>, vector<16xf32>,
        %add3A_685 = arith.constant 40960 : i32
        %add3A_686 = vector.broadcast %add3A_685 : i32 to vector<16xi32>
        %add3A_687 = arith.addi %get3A_674, %add3A_686 : vector<16xi32>
        %gather3A_688 = tpu.vector_load_idx %arg9[%add3A_687] : memref<65536xf32, #tpu.memory_space<vmem>>[vector<16xi32>], vector<16xf32>,
        %mul3A_689 = arith.constant 16 : i32
        %mul3A_690 = arith.muli %add3A_670, %mul3A_689 : i32
        %add3A_691 = arith.constant 20480 : i32
        %add3A_692 = arith.addi %add3A_691, %mul3A_690 : i32
        %swap3A_693 = arith.index_cast %add3A_692 : i32 to index
        %swap3A_694 = tpu.vector_load %arg10[%swap3A_693] {strides = array<i32>} : memref<32768xf32, #tpu.memory_space<vmem>>, vector<16xf32>,
        tpu.vector_store %arg10[%swap3A_693], %gather3A_688 {strides = array<i32>} : memref<32768xf32, #tpu.memory_space<vmem>>, vector<16xf32>,
        %add3A_695 = arith.constant 49152 : i32
        %add3A_696 = vector.broadcast %add3A_695 : i32 to vector<16xi32>
        %add3A_697 = arith.addi %get3A_674, %add3A_696 : vector<16xi32>
        %gather3A_698 = tpu.vector_load_idx %arg9[%add3A_697] : memref<65536xf32, #tpu.memory_space<vmem>>[vector<16xi32>], vector<16xf32>,
        %mul3A_699 = arith.constant 16 : i32
        %mul3A_700 = arith.muli %add3A_670, %mul3A_699 : i32
        %add3A_701 = arith.constant 24576 : i32
        %add3A_702 = arith.addi %add3A_701, %mul3A_700 : i32
        %swap3A_703 = arith.index_cast %add3A_702 : i32 to index
        %swap3A_704 = tpu.vector_load %arg10[%swap3A_703] {strides = array<i32>} : memref<32768xf32, #tpu.memory_space<vmem>>, vector<16xf32>,
        tpu.vector_store %arg10[%swap3A_703], %gather3A_698 {strides = array<i32>} : memref<32768xf32, #tpu.memory_space<vmem>>, vector<16xf32>,
        %add3A_705 = arith.constant 57344 : i32
        %add3A_706 = vector.broadcast %add3A_705 : i32 to vector<16xi32>
        %add3A_707 = arith.addi %get3A_674, %add3A_706 : vector<16xi32>
        %gather3A_708 = tpu.vector_load_idx %arg9[%add3A_707] : memref<65536xf32, #tpu.memory_space<vmem>>[vector<16xi32>], vector<16xf32>,
        %mul3A_709 = arith.constant 16 : i32
        %mul3A_710 = arith.muli %add3A_670, %mul3A_709 : i32
        %add3A_711 = arith.constant 28672 : i32
        %add3A_712 = arith.addi %add3A_711, %mul3A_710 : i32
        %swap3A_713 = arith.index_cast %add3A_712 : i32 to index
        %swap3A_714 = tpu.vector_load %arg10[%swap3A_713] {strides = array<i32>} : memref<32768xf32, #tpu.memory_space<vmem>>, vector<16xf32>,
        tpu.vector_store %arg10[%swap3A_713], %gather3A_708 {strides = array<i32>} : memref<32768xf32, #tpu.memory_space<vmem>>, vector<16xf32>,
        %scan3A_715 = arith.constant 5 : i32
        %scan3A_716 = arith.addi %scan3A_468, %scan3A_715 : i32
        %mul3A_717 = arith.constant 1 : i32
        %mul3A_718 = arith.muli %scan3A_716, %mul3A_717 : i32
        %add3A_719 = arith.constant 0 : i32
        %add3A_720 = arith.addi %add3A_719, %mul3A_718 : i32
        %mul3A_721 = arith.constant 16 : i32
        %mul3A_722 = arith.muli %add3A_720, %mul3A_721 : i32
        %get3A_723 = arith.index_cast %mul3A_722 : i32 to index
        %get3A_724 = tpu.vector_load %arg7[%get3A_723] {strides = array<i32>} : memref<4096xi32, #tpu.memory_space<vmem>>, vector<16xi32>,
        %add3A_725 = arith.constant 32768 : i32
        %add3A_726 = vector.broadcast %add3A_725 : i32 to vector<16xi32>
        %add3A_727 = arith.addi %get3A_724, %add3A_726 : vector<16xi32>
        %gather3A_728 = tpu.vector_load_idx %arg9[%add3A_727] : memref<65536xf32, #tpu.memory_space<vmem>>[vector<16xi32>], vector<16xf32>,
        %mul3A_729 = arith.constant 16 : i32
        %mul3A_730 = arith.muli %add3A_720, %mul3A_729 : i32
        %add3A_731 = arith.constant 16384 : i32
        %add3A_732 = arith.addi %add3A_731, %mul3A_730 : i32
        %swap3A_733 = arith.index_cast %add3A_732 : i32 to index
        %swap3A_734 = tpu.vector_load %arg10[%swap3A_733] {strides = array<i32>} : memref<32768xf32, #tpu.memory_space<vmem>>, vector<16xf32>,
        tpu.vector_store %arg10[%swap3A_733], %gather3A_728 {strides = array<i32>} : memref<32768xf32, #tpu.memory_space<vmem>>, vector<16xf32>,
        %add3A_735 = arith.constant 40960 : i32
        %add3A_736 = vector.broadcast %add3A_735 : i32 to vector<16xi32>
        %add3A_737 = arith.addi %get3A_724, %add3A_736 : vector<16xi32>
        %gather3A_738 = tpu.vector_load_idx %arg9[%add3A_737] : memref<65536xf32, #tpu.memory_space<vmem>>[vector<16xi32>], vector<16xf32>,
        %mul3A_739 = arith.constant 16 : i32
        %mul3A_740 = arith.muli %add3A_720, %mul3A_739 : i32
        %add3A_741 = arith.constant 20480 : i32
        %add3A_742 = arith.addi %add3A_741, %mul3A_740 : i32
        %swap3A_743 = arith.index_cast %add3A_742 : i32 to index
        %swap3A_744 = tpu.vector_load %arg10[%swap3A_743] {strides = array<i32>} : memref<32768xf32, #tpu.memory_space<vmem>>, vector<16xf32>,
        tpu.vector_store %arg10[%swap3A_743], %gather3A_738 {strides = array<i32>} : memref<32768xf32, #tpu.memory_space<vmem>>, vector<16xf32>,
        %add3A_745 = arith.constant 49152 : i32
        %add3A_746 = vector.broadcast %add3A_745 : i32 to vector<16xi32>
        %add3A_747 = arith.addi %get3A_724, %add3A_746 : vector<16xi32>
        %gather3A_748 = tpu.vector_load_idx %arg9[%add3A_747] : memref<65536xf32, #tpu.memory_space<vmem>>[vector<16xi32>], vector<16xf32>,
        %mul3A_749 = arith.constant 16 : i32
        %mul3A_750 = arith.muli %add3A_720, %mul3A_749 : i32
        %add3A_751 = arith.constant 24576 : i32
        %add3A_752 = arith.addi %add3A_751, %mul3A_750 : i32
        %swap3A_753 = arith.index_cast %add3A_752 : i32 to index
        %swap3A_754 = tpu.vector_load %arg10[%swap3A_753] {strides = array<i32>} : memref<32768xf32, #tpu.memory_space<vmem>>, vector<16xf32>,
        tpu.vector_store %arg10[%swap3A_753], %gather3A_748 {strides = array<i32>} : memref<32768xf32, #tpu.memory_space<vmem>>, vector<16xf32>,
        %add3A_755 = arith.constant 57344 : i32
        %add3A_756 = vector.broadcast %add3A_755 : i32 to vector<16xi32>
        %add3A_757 = arith.addi %get3A_724, %add3A_756 : vector<16xi32>
        %gather3A_758 = tpu.vector_load_idx %arg9[%add3A_757] : memref<65536xf32, #tpu.memory_space<vmem>>[vector<16xi32>], vector<16xf32>,
        %mul3A_759 = arith.constant 16 : i32
        %mul3A_760 = arith.muli %add3A_720, %mul3A_759 : i32
        %add3A_761 = arith.constant 28672 : i32
        %add3A_762 = arith.addi %add3A_761, %mul3A_760 : i32
        %swap3A_763 = arith.index_cast %add3A_762 : i32 to index
        %swap3A_764 = tpu.vector_load %arg10[%swap3A_763] {strides = array<i32>} : memref<32768xf32, #tpu.memory_space<vmem>>, vector<16xf32>,
        tpu.vector_store %arg10[%swap3A_763], %gather3A_758 {strides = array<i32>} : memref<32768xf32, #tpu.memory_space<vmem>>, vector<16xf32>,
        %scan3A_765 = arith.constant 6 : i32
        %scan3A_766 = arith.addi %scan3A_468, %scan3A_765 : i32
        %mul3A_767 = arith.constant 1 : i32
        %mul3A_768 = arith.muli %scan3A_766, %mul3A_767 : i32
        %add3A_769 = arith.constant 0 : i32
        %add3A_770 = arith.addi %add3A_769, %mul3A_768 : i32
        %mul3A_771 = arith.constant 16 : i32
        %mul3A_772 = arith.muli %add3A_770, %mul3A_771 : i32
        %get3A_773 = arith.index_cast %mul3A_772 : i32 to index
        %get3A_774 = tpu.vector_load %arg7[%get3A_773] {strides = array<i32>} : memref<4096xi32, #tpu.memory_space<vmem>>, vector<16xi32>,
        %add3A_775 = arith.constant 32768 : i32
        %add3A_776 = vector.broadcast %add3A_775 : i32 to vector<16xi32>
        %add3A_777 = arith.addi %get3A_774, %add3A_776 : vector<16xi32>
        %gather3A_778 = tpu.vector_load_idx %arg9[%add3A_777] : memref<65536xf32, #tpu.memory_space<vmem>>[vector<16xi32>], vector<16xf32>,
        %mul3A_779 = arith.constant 16 : i32
        %mul3A_780 = arith.muli %add3A_770, %mul3A_779 : i32
        %add3A_781 = arith.constant 16384 : i32
        %add3A_782 = arith.addi %add3A_781, %mul3A_780 : i32
        %swap3A_783 = arith.index_cast %add3A_782 : i32 to index
        %swap3A_784 = tpu.vector_load %arg10[%swap3A_783] {strides = array<i32>} : memref<32768xf32, #tpu.memory_space<vmem>>, vector<16xf32>,
        tpu.vector_store %arg10[%swap3A_783], %gather3A_778 {strides = array<i32>} : memref<32768xf32, #tpu.memory_space<vmem>>, vector<16xf32>,
        %add3A_785 = arith.constant 40960 : i32
        %add3A_786 = vector.broadcast %add3A_785 : i32 to vector<16xi32>
        %add3A_787 = arith.addi %get3A_774, %add3A_786 : vector<16xi32>
        %gather3A_788 = tpu.vector_load_idx %arg9[%add3A_787] : memref<65536xf32, #tpu.memory_space<vmem>>[vector<16xi32>], vector<16xf32>,
        %mul3A_789 = arith.constant 16 : i32
        %mul3A_790 = arith.muli %add3A_770, %mul3A_789 : i32
        %add3A_791 = arith.constant 20480 : i32
        %add3A_792 = arith.addi %add3A_791, %mul3A_790 : i32
        %swap3A_793 = arith.index_cast %add3A_792 : i32 to index
        %swap3A_794 = tpu.vector_load %arg10[%swap3A_793] {strides = array<i32>} : memref<32768xf32, #tpu.memory_space<vmem>>, vector<16xf32>,
        tpu.vector_store %arg10[%swap3A_793], %gather3A_788 {strides = array<i32>} : memref<32768xf32, #tpu.memory_space<vmem>>, vector<16xf32>,
        %add3A_795 = arith.constant 49152 : i32
        %add3A_796 = vector.broadcast %add3A_795 : i32 to vector<16xi32>
        %add3A_797 = arith.addi %get3A_774, %add3A_796 : vector<16xi32>
        %gather3A_798 = tpu.vector_load_idx %arg9[%add3A_797] : memref<65536xf32, #tpu.memory_space<vmem>>[vector<16xi32>], vector<16xf32>,
        %mul3A_799 = arith.constant 16 : i32
        %mul3A_800 = arith.muli %add3A_770, %mul3A_799 : i32
        %add3A_801 = arith.constant 24576 : i32
        %add3A_802 = arith.addi %add3A_801, %mul3A_800 : i32
        %swap3A_803 = arith.index_cast %add3A_802 : i32 to index
        %swap3A_804 = tpu.vector_load %arg10[%swap3A_803] {strides = array<i32>} : memref<32768xf32, #tpu.memory_space<vmem>>, vector<16xf32>,
        tpu.vector_store %arg10[%swap3A_803], %gather3A_798 {strides = array<i32>} : memref<32768xf32, #tpu.memory_space<vmem>>, vector<16xf32>,
        %add3A_805 = arith.constant 57344 : i32
        %add3A_806 = vector.broadcast %add3A_805 : i32 to vector<16xi32>
        %add3A_807 = arith.addi %get3A_774, %add3A_806 : vector<16xi32>
        %gather3A_808 = tpu.vector_load_idx %arg9[%add3A_807] : memref<65536xf32, #tpu.memory_space<vmem>>[vector<16xi32>], vector<16xf32>,
        %mul3A_809 = arith.constant 16 : i32
        %mul3A_810 = arith.muli %add3A_770, %mul3A_809 : i32
        %add3A_811 = arith.constant 28672 : i32
        %add3A_812 = arith.addi %add3A_811, %mul3A_810 : i32
        %swap3A_813 = arith.index_cast %add3A_812 : i32 to index
        %swap3A_814 = tpu.vector_load %arg10[%swap3A_813] {strides = array<i32>} : memref<32768xf32, #tpu.memory_space<vmem>>, vector<16xf32>,
        tpu.vector_store %arg10[%swap3A_813], %gather3A_808 {strides = array<i32>} : memref<32768xf32, #tpu.memory_space<vmem>>, vector<16xf32>,
        %scan3A_815 = arith.constant 7 : i32
        %scan3A_816 = arith.addi %scan3A_468, %scan3A_815 : i32
        %mul3A_817 = arith.constant 1 : i32
        %mul3A_818 = arith.muli %scan3A_816, %mul3A_817 : i32
        %add3A_819 = arith.constant 0 : i32
        %add3A_820 = arith.addi %add3A_819, %mul3A_818 : i32
        %mul3A_821 = arith.constant 16 : i32
        %mul3A_822 = arith.muli %add3A_820, %mul3A_821 : i32
        %get3A_823 = arith.index_cast %mul3A_822 : i32 to index
        %get3A_824 = tpu.vector_load %arg7[%get3A_823] {strides = array<i32>} : memref<4096xi32, #tpu.memory_space<vmem>>, vector<16xi32>,
        %add3A_825 = arith.constant 32768 : i32
        %add3A_826 = vector.broadcast %add3A_825 : i32 to vector<16xi32>
        %add3A_827 = arith.addi %get3A_824, %add3A_826 : vector<16xi32>
        %gather3A_828 = tpu.vector_load_idx %arg9[%add3A_827] : memref<65536xf32, #tpu.memory_space<vmem>>[vector<16xi32>], vector<16xf32>,
        %mul3A_829 = arith.constant 16 : i32
        %mul3A_830 = arith.muli %add3A_820, %mul3A_829 : i32
        %add3A_831 = arith.constant 16384 : i32
        %add3A_832 = arith.addi %add3A_831, %mul3A_830 : i32
        %swap3A_833 = arith.index_cast %add3A_832 : i32 to index
        %swap3A_834 = tpu.vector_load %arg10[%swap3A_833] {strides = array<i32>} : memref<32768xf32, #tpu.memory_space<vmem>>, vector<16xf32>,
        tpu.vector_store %arg10[%swap3A_833], %gather3A_828 {strides = array<i32>} : memref<32768xf32, #tpu.memory_space<vmem>>, vector<16xf32>,
        %add3A_835 = arith.constant 40960 : i32
        %add3A_836 = vector.broadcast %add3A_835 : i32 to vector<16xi32>
        %add3A_837 = arith.addi %get3A_824, %add3A_836 : vector<16xi32>
        %gather3A_838 = tpu.vector_load_idx %arg9[%add3A_837] : memref<65536xf32, #tpu.memory_space<vmem>>[vector<16xi32>], vector<16xf32>,
        %mul3A_839 = arith.constant 16 : i32
        %mul3A_840 = arith.muli %add3A_820, %mul3A_839 : i32
        %add3A_841 = arith.constant 20480 : i32
        %add3A_842 = arith.addi %add3A_841, %mul3A_840 : i32
        %swap3A_843 = arith.index_cast %add3A_842 : i32 to index
        %swap3A_844 = tpu.vector_load %arg10[%swap3A_843] {strides = array<i32>} : memref<32768xf32, #tpu.memory_space<vmem>>, vector<16xf32>,
        tpu.vector_store %arg10[%swap3A_843], %gather3A_838 {strides = array<i32>} : memref<32768xf32, #tpu.memory_space<vmem>>, vector<16xf32>,
        %add3A_845 = arith.constant 49152 : i32
        %add3A_846 = vector.broadcast %add3A_845 : i32 to vector<16xi32>
        %add3A_847 = arith.addi %get3A_824, %add3A_846 : vector<16xi32>
        %gather3A_848 = tpu.vector_load_idx %arg9[%add3A_847] : memref<65536xf32, #tpu.memory_space<vmem>>[vector<16xi32>], vector<16xf32>,
        %mul3A_849 = arith.constant 16 : i32
        %mul3A_850 = arith.muli %add3A_820, %mul3A_849 : i32
        %add3A_851 = arith.constant 24576 : i32
        %add3A_852 = arith.addi %add3A_851, %mul3A_850 : i32
        %swap3A_853 = arith.index_cast %add3A_852 : i32 to index
        %swap3A_854 = tpu.vector_load %arg10[%swap3A_853] {strides = array<i32>} : memref<32768xf32, #tpu.memory_space<vmem>>, vector<16xf32>,
        tpu.vector_store %arg10[%swap3A_853], %gather3A_848 {strides = array<i32>} : memref<32768xf32, #tpu.memory_space<vmem>>, vector<16xf32>,
        %add3A_855 = arith.constant 57344 : i32
        %add3A_856 = vector.broadcast %add3A_855 : i32 to vector<16xi32>
        %add3A_857 = arith.addi %get3A_824, %add3A_856 : vector<16xi32>
        %gather3A_858 = tpu.vector_load_idx %arg9[%add3A_857] : memref<65536xf32, #tpu.memory_space<vmem>>[vector<16xi32>], vector<16xf32>,
        %mul3A_859 = arith.constant 16 : i32
        %mul3A_860 = arith.muli %add3A_820, %mul3A_859 : i32
        %add3A_861 = arith.constant 28672 : i32
        %add3A_862 = arith.addi %add3A_861, %mul3A_860 : i32
        %swap3A_863 = arith.index_cast %add3A_862 : i32 to index
        %swap3A_864 = tpu.vector_load %arg10[%swap3A_863] {strides = array<i32>} : memref<32768xf32, #tpu.memory_space<vmem>>, vector<16xf32>,
        tpu.vector_store %arg10[%swap3A_863], %gather3A_858 {strides = array<i32>} : memref<32768xf32, #tpu.memory_space<vmem>>, vector<16xf32>,
      }
      %scan3A_400 = arith.constant 256 : i32
      %add3A_401 = arith.constant 2 : i32
      %add3A_402 = arith.addi %add3A_350, %add3A_401 : i32
      %lt3A_403 = arith.constant 32 : i32
      %lt3A_404 = arith.cmpi slt, %add3A_402, %lt3A_403 : i32
      %convert_element_type3A_405 = arith.extui %lt3A_404 : i1 to i32
      %cond3A_406 = arith.constant 0 : i32
      %cond3A_407 = arith.cmpi ne, %convert_element_type3A_405, %cond3A_406 : i32
      scf.if %cond3A_407 {
        %add3A_468 = arith.constant 2 : i32
        %add3A_469 = arith.addi %add3A_350, %add3A_468 : i32
        %mul3A_470 = arith.constant 4 : i32
        %mul3A_471 = arith.muli %add3A_469, %mul3A_470 : i32
        %add3A_472 = arith.constant 0 : i32
        %add3A_473 = arith.addi %mul3A_471, %add3A_472 : i32
        %get3A_474 = arith.index_cast %add3A_473 : i32 to index
        %get3A_475 = tpu.vector_load %arg8[%get3A_474] {strides = array<i32>} : memref<144xi32, #tpu.memory_space<vmem>>, vector<16xi32>,
        %slice3A_476 = vector.extract_strided_slice %get3A_475 {offsets = [0], sizes = [1], strides = [1]} : vector<16xi32> to vector<1xi32>
        %squeeze3A_477 = vector.extract %slice3A_476[0] : i32 from vector<1xi32>
        %dma_start3A_478 = arith.constant 32768 : i32
        %dma_start3A_479 = tpu.memref_slice %arg9[%dma_start3A_478] : memref<65536xf32, #tpu.memory_space<vmem>> -> memref<8192xf32, #tpu.memory_space<vmem>>
        %dma_start3A_480 = arith.constant 0 : i32
        %dma_start3A_481 = tpu.memref_slice %arg4[%squeeze3A_477, %dma_start3A_480] : memref<8192x8192xf32, #tpu.memory_space<hbm>> -> memref<1x8192xf32, #tpu.memory_space<hbm>>
        %dma_start3A_482 = tpu.memref_squeeze %dma_start3A_481 : memref<1x8192xf32, #tpu.memory_space<hbm>> -> memref<8192xf32, #tpu.memory_space<hbm>>
        %dma_start3A_483 = arith.constant 32768 : i32
        %dma_start3A_484 = tpu.memref_slice %arg9[%dma_start3A_483] : memref<65536xf32, #tpu.memory_space<vmem>> -> memref<8192xf32, #tpu.memory_space<vmem>>
        %dma_start3A_485 = arith.constant 0 : i32
        %dma_start3A_486 = tpu.memref_slice %arg4[%squeeze3A_477, %dma_start3A_485] : memref<8192x8192xf32, #tpu.memory_space<hbm>> -> memref<1x8192xf32, #tpu.memory_space<hbm>>
        %dma_start3A_487 = tpu.memref_squeeze %dma_start3A_486 : memref<1x8192xf32, #tpu.memory_space<hbm>> -> memref<8192xf32, #tpu.memory_space<hbm>>
        tpu.enqueue_dma source(%dma_start3A_487 : memref<8192xf32, #tpu.memory_space<hbm>>) target(%dma_start3A_484 : memref<8192xf32, #tpu.memory_space<vmem>>) target_semaphore(%arg13 : memref<!tpu.dma_semaphore, #tpu.memory_space<semaphore_mem>>)
        %mul3A_488 = arith.constant 4 : i32
        %mul3A_489 = arith.muli %add3A_469, %mul3A_488 : i32
        %add3A_490 = arith.constant 1 : i32
        %add3A_491 = arith.addi %mul3A_489, %add3A_490 : i32
        %get3A_492 = arith.index_cast %add3A_491 : i32 to index
        %get3A_493 = tpu.vector_load %arg8[%get3A_492] {strides = array<i32>} : memref<144xi32, #tpu.memory_space<vmem>>, vector<16xi32>,
        %slice3A_494 = vector.extract_strided_slice %get3A_493 {offsets = [0], sizes = [1], strides = [1]} : vector<16xi32> to vector<1xi32>
        %squeeze3A_495 = vector.extract %slice3A_494[0] : i32 from vector<1xi32>
        %dma_start3A_496 = arith.constant 40960 : i32
        %dma_start3A_497 = tpu.memref_slice %arg9[%dma_start3A_496] : memref<65536xf32, #tpu.memory_space<vmem>> -> memref<8192xf32, #tpu.memory_space<vmem>>
        %dma_start3A_498 = arith.constant 0 : i32
        %dma_start3A_499 = tpu.memref_slice %arg4[%squeeze3A_495, %dma_start3A_498] : memref<8192x8192xf32, #tpu.memory_space<hbm>> -> memref<1x8192xf32, #tpu.memory_space<hbm>>
        %dma_start3A_500 = tpu.memref_squeeze %dma_start3A_499 : memref<1x8192xf32, #tpu.memory_space<hbm>> -> memref<8192xf32, #tpu.memory_space<hbm>>
        %dma_start3A_501 = arith.constant 40960 : i32
        %dma_start3A_502 = tpu.memref_slice %arg9[%dma_start3A_501] : memref<65536xf32, #tpu.memory_space<vmem>> -> memref<8192xf32, #tpu.memory_space<vmem>>
        %dma_start3A_503 = arith.constant 0 : i32
        %dma_start3A_504 = tpu.memref_slice %arg4[%squeeze3A_495, %dma_start3A_503] : memref<8192x8192xf32, #tpu.memory_space<hbm>> -> memref<1x8192xf32, #tpu.memory_space<hbm>>
        %dma_start3A_505 = tpu.memref_squeeze %dma_start3A_504 : memref<1x8192xf32, #tpu.memory_space<hbm>> -> memref<8192xf32, #tpu.memory_space<hbm>>
        tpu.enqueue_dma source(%dma_start3A_505 : memref<8192xf32, #tpu.memory_space<hbm>>) target(%dma_start3A_502 : memref<8192xf32, #tpu.memory_space<vmem>>) target_semaphore(%arg13 : memref<!tpu.dma_semaphore, #tpu.memory_space<semaphore_mem>>)
        %mul3A_506 = arith.constant 4 : i32
        %mul3A_507 = arith.muli %add3A_469, %mul3A_506 : i32
        %add3A_508 = arith.constant 2 : i32
        %add3A_509 = arith.addi %mul3A_507, %add3A_508 : i32
        %get3A_510 = arith.index_cast %add3A_509 : i32 to index
        %get3A_511 = tpu.vector_load %arg8[%get3A_510] {strides = array<i32>} : memref<144xi32, #tpu.memory_space<vmem>>, vector<16xi32>,
        %slice3A_512 = vector.extract_strided_slice %get3A_511 {offsets = [0], sizes = [1], strides = [1]} : vector<16xi32> to vector<1xi32>
        %squeeze3A_513 = vector.extract %slice3A_512[0] : i32 from vector<1xi32>
        %dma_start3A_514 = arith.constant 49152 : i32
        %dma_start3A_515 = tpu.memref_slice %arg9[%dma_start3A_514] : memref<65536xf32, #tpu.memory_space<vmem>> -> memref<8192xf32, #tpu.memory_space<vmem>>
        %dma_start3A_516 = arith.constant 0 : i32
        %dma_start3A_517 = tpu.memref_slice %arg4[%squeeze3A_513, %dma_start3A_516] : memref<8192x8192xf32, #tpu.memory_space<hbm>> -> memref<1x8192xf32, #tpu.memory_space<hbm>>
        %dma_start3A_518 = tpu.memref_squeeze %dma_start3A_517 : memref<1x8192xf32, #tpu.memory_space<hbm>> -> memref<8192xf32, #tpu.memory_space<hbm>>
        %dma_start3A_519 = arith.constant 49152 : i32
        %dma_start3A_520 = tpu.memref_slice %arg9[%dma_start3A_519] : memref<65536xf32, #tpu.memory_space<vmem>> -> memref<8192xf32, #tpu.memory_space<vmem>>
        %dma_start3A_521 = arith.constant 0 : i32
        %dma_start3A_522 = tpu.memref_slice %arg4[%squeeze3A_513, %dma_start3A_521] : memref<8192x8192xf32, #tpu.memory_space<hbm>> -> memref<1x8192xf32, #tpu.memory_space<hbm>>
        %dma_start3A_523 = tpu.memref_squeeze %dma_start3A_522 : memref<1x8192xf32, #tpu.memory_space<hbm>> -> memref<8192xf32, #tpu.memory_space<hbm>>
        tpu.enqueue_dma source(%dma_start3A_523 : memref<8192xf32, #tpu.memory_space<hbm>>) target(%dma_start3A_520 : memref<8192xf32, #tpu.memory_space<vmem>>) target_semaphore(%arg13 : memref<!tpu.dma_semaphore, #tpu.memory_space<semaphore_mem>>)
        %mul3A_524 = arith.constant 4 : i32
        %mul3A_525 = arith.muli %add3A_469, %mul3A_524 : i32
        %add3A_526 = arith.constant 3 : i32
        %add3A_527 = arith.addi %mul3A_525, %add3A_526 : i32
        %get3A_528 = arith.index_cast %add3A_527 : i32 to index
        %get3A_529 = tpu.vector_load %arg8[%get3A_528] {strides = array<i32>} : memref<144xi32, #tpu.memory_space<vmem>>, vector<16xi32>,
        %slice3A_530 = vector.extract_strided_slice %get3A_529 {offsets = [0], sizes = [1], strides = [1]} : vector<16xi32> to vector<1xi32>
        %squeeze3A_531 = vector.extract %slice3A_530[0] : i32 from vector<1xi32>
        %dma_start3A_532 = arith.constant 57344 : i32
        %dma_start3A_533 = tpu.memref_slice %arg9[%dma_start3A_532] : memref<65536xf32, #tpu.memory_space<vmem>> -> memref<8192xf32, #tpu.memory_space<vmem>>
        %dma_start3A_534 = arith.constant 0 : i32
        %dma_start3A_535 = tpu.memref_slice %arg4[%squeeze3A_531, %dma_start3A_534] : memref<8192x8192xf32, #tpu.memory_space<hbm>> -> memref<1x8192xf32, #tpu.memory_space<hbm>>
        %dma_start3A_536 = tpu.memref_squeeze %dma_start3A_535 : memref<1x8192xf32, #tpu.memory_space<hbm>> -> memref<8192xf32, #tpu.memory_space<hbm>>
        %dma_start3A_537 = arith.constant 57344 : i32
        %dma_start3A_538 = tpu.memref_slice %arg9[%dma_start3A_537] : memref<65536xf32, #tpu.memory_space<vmem>> -> memref<8192xf32, #tpu.memory_space<vmem>>
        %dma_start3A_539 = arith.constant 0 : i32
        %dma_start3A_540 = tpu.memref_slice %arg4[%squeeze3A_531, %dma_start3A_539] : memref<8192x8192xf32, #tpu.memory_space<hbm>> -> memref<1x8192xf32, #tpu.memory_space<hbm>>
        %dma_start3A_541 = tpu.memref_squeeze %dma_start3A_540 : memref<1x8192xf32, #tpu.memory_space<hbm>> -> memref<8192xf32, #tpu.memory_space<hbm>>
        tpu.enqueue_dma source(%dma_start3A_541 : memref<8192xf32, #tpu.memory_space<hbm>>) target(%dma_start3A_538 : memref<8192xf32, #tpu.memory_space<vmem>>) target_semaphore(%arg13 : memref<!tpu.dma_semaphore, #tpu.memory_space<semaphore_mem>>)
      } else {
      }
      %mul3A_408 = arith.constant 4 : i32
      %mul3A_409 = arith.muli %add3A_350, %mul3A_408 : i32
      %add3A_410 = arith.addi %mul3A_2, %mul3A_409 : i32
      %add3A_411 = arith.constant 0 : i32
      %add3A_412 = arith.addi %add3A_410, %add3A_411 : i32
      %dma_start3A_413 = arith.constant 16384 : i32
      %dma_start3A_414 = tpu.memref_slice %arg10[%dma_start3A_413] : memref<32768xf32, #tpu.memory_space<vmem>> -> memref<4096xf32, #tpu.memory_space<vmem>>
      %dma_start3A_415 = arith.constant 0 : i32
      %dma_start3A_416 = tpu.memref_slice %arg6[%add3A_412, %dma_start3A_415] : memref<4096x4096xf32, #tpu.memory_space<hbm>> -> memref<1x4096xf32, #tpu.memory_space<hbm>>
      %dma_start3A_417 = tpu.memref_squeeze %dma_start3A_416 : memref<1x4096xf32, #tpu.memory_space<hbm>> -> memref<4096xf32, #tpu.memory_space<hbm>>
      %dma_start3A_418 = arith.constant 0 : i32
      %dma_start3A_419 = tpu.memref_slice %arg6[%add3A_412, %dma_start3A_418] : memref<4096x4096xf32, #tpu.memory_space<hbm>> -> memref<1x4096xf32, #tpu.memory_space<hbm>>
      %dma_start3A_420 = tpu.memref_squeeze %dma_start3A_419 : memref<1x4096xf32, #tpu.memory_space<hbm>> -> memref<4096xf32, #tpu.memory_space<hbm>>
      %dma_start3A_421 = arith.constant 16384 : i32
      %dma_start3A_422 = tpu.memref_slice %arg10[%dma_start3A_421] : memref<32768xf32, #tpu.memory_space<vmem>> -> memref<4096xf32, #tpu.memory_space<vmem>>
      tpu.enqueue_dma source(%dma_start3A_422 : memref<4096xf32, #tpu.memory_space<vmem>>) target(%dma_start3A_420 : memref<4096xf32, #tpu.memory_space<hbm>>) target_semaphore(%arg15 : memref<!tpu.dma_semaphore, #tpu.memory_space<semaphore_mem>>)
      %mul3A_423 = arith.constant 4 : i32
      %mul3A_424 = arith.muli %add3A_350, %mul3A_423 : i32
      %add3A_425 = arith.addi %mul3A_2, %mul3A_424 : i32
      %add3A_426 = arith.constant 1 : i32
      %add3A_427 = arith.addi %add3A_425, %add3A_426 : i32
      %dma_start3A_428 = arith.constant 20480 : i32
      %dma_start3A_429 = tpu.memref_slice %arg10[%dma_start3A_428] : memref<32768xf32, #tpu.memory_space<vmem>> -> memref<4096xf32, #tpu.memory_space<vmem>>
      %dma_start3A_430 = arith.constant 0 : i32
      %dma_start3A_431 = tpu.memref_slice %arg6[%add3A_427, %dma_start3A_430] : memref<4096x4096xf32, #tpu.memory_space<hbm>> -> memref<1x4096xf32, #tpu.memory_space<hbm>>
      %dma_start3A_432 = tpu.memref_squeeze %dma_start3A_431 : memref<1x4096xf32, #tpu.memory_space<hbm>> -> memref<4096xf32, #tpu.memory_space<hbm>>
      %dma_start3A_433 = arith.constant 0 : i32
      %dma_start3A_434 = tpu.memref_slice %arg6[%add3A_427, %dma_start3A_433] : memref<4096x4096xf32, #tpu.memory_space<hbm>> -> memref<1x4096xf32, #tpu.memory_space<hbm>>
      %dma_start3A_435 = tpu.memref_squeeze %dma_start3A_434 : memref<1x4096xf32, #tpu.memory_space<hbm>> -> memref<4096xf32, #tpu.memory_space<hbm>>
      %dma_start3A_436 = arith.constant 20480 : i32
      %dma_start3A_437 = tpu.memref_slice %arg10[%dma_start3A_436] : memref<32768xf32, #tpu.memory_space<vmem>> -> memref<4096xf32, #tpu.memory_space<vmem>>
      tpu.enqueue_dma source(%dma_start3A_437 : memref<4096xf32, #tpu.memory_space<vmem>>) target(%dma_start3A_435 : memref<4096xf32, #tpu.memory_space<hbm>>) target_semaphore(%arg15 : memref<!tpu.dma_semaphore, #tpu.memory_space<semaphore_mem>>)
      %mul3A_438 = arith.constant 4 : i32
      %mul3A_439 = arith.muli %add3A_350, %mul3A_438 : i32
      %add3A_440 = arith.addi %mul3A_2, %mul3A_439 : i32
      %add3A_441 = arith.constant 2 : i32
      %add3A_442 = arith.addi %add3A_440, %add3A_441 : i32
      %dma_start3A_443 = arith.constant 24576 : i32
      %dma_start3A_444 = tpu.memref_slice %arg10[%dma_start3A_443] : memref<32768xf32, #tpu.memory_space<vmem>> -> memref<4096xf32, #tpu.memory_space<vmem>>
      %dma_start3A_445 = arith.constant 0 : i32
      %dma_start3A_446 = tpu.memref_slice %arg6[%add3A_442, %dma_start3A_445] : memref<4096x4096xf32, #tpu.memory_space<hbm>> -> memref<1x4096xf32, #tpu.memory_space<hbm>>
      %dma_start3A_447 = tpu.memref_squeeze %dma_start3A_446 : memref<1x4096xf32, #tpu.memory_space<hbm>> -> memref<4096xf32, #tpu.memory_space<hbm>>
      %dma_start3A_448 = arith.constant 0 : i32
      %dma_start3A_449 = tpu.memref_slice %arg6[%add3A_442, %dma_start3A_448] : memref<4096x4096xf32, #tpu.memory_space<hbm>> -> memref<1x4096xf32, #tpu.memory_space<hbm>>
      %dma_start3A_450 = tpu.memref_squeeze %dma_start3A_449 : memref<1x4096xf32, #tpu.memory_space<hbm>> -> memref<4096xf32, #tpu.memory_space<hbm>>
      %dma_start3A_451 = arith.constant 24576 : i32
      %dma_start3A_452 = tpu.memref_slice %arg10[%dma_start3A_451] : memref<32768xf32, #tpu.memory_space<vmem>> -> memref<4096xf32, #tpu.memory_space<vmem>>
      tpu.enqueue_dma source(%dma_start3A_452 : memref<4096xf32, #tpu.memory_space<vmem>>) target(%dma_start3A_450 : memref<4096xf32, #tpu.memory_space<hbm>>) target_semaphore(%arg15 : memref<!tpu.dma_semaphore, #tpu.memory_space<semaphore_mem>>)
      %mul3A_453 = arith.constant 4 : i32
      %mul3A_454 = arith.muli %add3A_350, %mul3A_453 : i32
      %add3A_455 = arith.addi %mul3A_2, %mul3A_454 : i32
      %add3A_456 = arith.constant 3 : i32
      %add3A_457 = arith.addi %add3A_455, %add3A_456 : i32
      %dma_start3A_458 = arith.constant 28672 : i32
      %dma_start3A_459 = tpu.memref_slice %arg10[%dma_start3A_458] : memref<32768xf32, #tpu.memory_space<vmem>> -> memref<4096xf32, #tpu.memory_space<vmem>>
      %dma_start3A_460 = arith.constant 0 : i32
      %dma_start3A_461 = tpu.memref_slice %arg6[%add3A_457, %dma_start3A_460] : memref<4096x4096xf32, #tpu.memory_space<hbm>> -> memref<1x4096xf32, #tpu.memory_space<hbm>>
      %dma_start3A_462 = tpu.memref_squeeze %dma_start3A_461 : memref<1x4096xf32, #tpu.memory_space<hbm>> -> memref<4096xf32, #tpu.memory_space<hbm>>
      %dma_start3A_463 = arith.constant 0 : i32
      %dma_start3A_464 = tpu.memref_slice %arg6[%add3A_457, %dma_start3A_463] : memref<4096x4096xf32, #tpu.memory_space<hbm>> -> memref<1x4096xf32, #tpu.memory_space<hbm>>
      %dma_start3A_465 = tpu.memref_squeeze %dma_start3A_464 : memref<1x4096xf32, #tpu.memory_space<hbm>> -> memref<4096xf32, #tpu.memory_space<hbm>>
      %dma_start3A_466 = arith.constant 28672 : i32
      %dma_start3A_467 = tpu.memref_slice %arg10[%dma_start3A_466] : memref<32768xf32, #tpu.memory_space<vmem>> -> memref<4096xf32, #tpu.memory_space<vmem>>
      tpu.enqueue_dma source(%dma_start3A_467 : memref<4096xf32, #tpu.memory_space<vmem>>) target(%dma_start3A_465 : memref<4096xf32, #tpu.memory_space<hbm>>) target_semaphore(%arg15 : memref<!tpu.dma_semaphore, #tpu.memory_space<semaphore_mem>>)
    }
    %scan3A_120 = arith.constant 16 : i32
    %dma_wait3A = arith.constant 0 : i32
    %dma_wait3A_121 = tpu.memref_slice %arg10[%dma_wait3A] : memref<32768xf32, #tpu.memory_space<vmem>> -> memref<4096xf32, #tpu.memory_space<vmem>>
    %dma_wait3A_122 = arith.constant 0 : i32
    %dma_wait3A_123 = tpu.memref_slice %arg6[%mul3A_2, %dma_wait3A_122] : memref<4096x4096xf32, #tpu.memory_space<hbm>> -> memref<1x4096xf32, #tpu.memory_space<hbm>>
    %dma_wait3A_124 = tpu.memref_squeeze %dma_wait3A_123 : memref<1x4096xf32, #tpu.memory_space<hbm>> -> memref<4096xf32, #tpu.memory_space<hbm>>
    %dma_wait3A_125 = arith.constant 0 : i32
    %dma_wait3A_126 = tpu.memref_slice %arg6[%mul3A_2, %dma_wait3A_125] : memref<4096x4096xf32, #tpu.memory_space<hbm>> -> memref<1x4096xf32, #tpu.memory_space<hbm>>
    %dma_wait3A_127 = tpu.memref_squeeze %dma_wait3A_126 : memref<1x4096xf32, #tpu.memory_space<hbm>> -> memref<4096xf32, #tpu.memory_space<hbm>>
    %dma_wait3A_128 = arith.constant 0 : i32
    %dma_wait3A_129 = tpu.memref_slice %arg10[%dma_wait3A_128] : memref<32768xf32, #tpu.memory_space<vmem>> -> memref<4096xf32, #tpu.memory_space<vmem>>
    tpu.wait_dma2 semaphore(%arg14 : memref<!tpu.dma_semaphore, #tpu.memory_space<semaphore_mem>>) src(%dma_wait3A_129 : memref<4096xf32, #tpu.memory_space<vmem>>) dst(%dma_wait3A_127 : memref<4096xf32, #tpu.memory_space<hbm>>)
    %dma_wait3A_130 = arith.constant 4096 : i32
    %dma_wait3A_131 = tpu.memref_slice %arg10[%dma_wait3A_130] : memref<32768xf32, #tpu.memory_space<vmem>> -> memref<4096xf32, #tpu.memory_space<vmem>>
    %dma_wait3A_132 = arith.constant 0 : i32
    %dma_wait3A_133 = tpu.memref_slice %arg6[%mul3A_2, %dma_wait3A_132] : memref<4096x4096xf32, #tpu.memory_space<hbm>> -> memref<1x4096xf32, #tpu.memory_space<hbm>>
    %dma_wait3A_134 = tpu.memref_squeeze %dma_wait3A_133 : memref<1x4096xf32, #tpu.memory_space<hbm>> -> memref<4096xf32, #tpu.memory_space<hbm>>
    %dma_wait3A_135 = arith.constant 0 : i32
    %dma_wait3A_136 = tpu.memref_slice %arg6[%mul3A_2, %dma_wait3A_135] : memref<4096x4096xf32, #tpu.memory_space<hbm>> -> memref<1x4096xf32, #tpu.memory_space<hbm>>
    %dma_wait3A_137 = tpu.memref_squeeze %dma_wait3A_136 : memref<1x4096xf32, #tpu.memory_space<hbm>> -> memref<4096xf32, #tpu.memory_space<hbm>>
    %dma_wait3A_138 = arith.constant 4096 : i32
    %dma_wait3A_139 = tpu.memref_slice %arg10[%dma_wait3A_138] : memref<32768xf32, #tpu.memory_space<vmem>> -> memref<4096xf32, #tpu.memory_space<vmem>>
    tpu.wait_dma2 semaphore(%arg14 : memref<!tpu.dma_semaphore, #tpu.memory_space<semaphore_mem>>) src(%dma_wait3A_139 : memref<4096xf32, #tpu.memory_space<vmem>>) dst(%dma_wait3A_137 : memref<4096xf32, #tpu.memory_space<hbm>>)
    %dma_wait3A_140 = arith.constant 8192 : i32
    %dma_wait3A_141 = tpu.memref_slice %arg10[%dma_wait3A_140] : memref<32768xf32, #tpu.memory_space<vmem>> -> memref<4096xf32, #tpu.memory_space<vmem>>
    %dma_wait3A_142 = arith.constant 0 : i32
    %dma_wait3A_143 = tpu.memref_slice %arg6[%mul3A_2, %dma_wait3A_142] : memref<4096x4096xf32, #tpu.memory_space<hbm>> -> memref<1x4096xf32, #tpu.memory_space<hbm>>
    %dma_wait3A_144 = tpu.memref_squeeze %dma_wait3A_143 : memref<1x4096xf32, #tpu.memory_space<hbm>> -> memref<4096xf32, #tpu.memory_space<hbm>>
    %dma_wait3A_145 = arith.constant 0 : i32
    %dma_wait3A_146 = tpu.memref_slice %arg6[%mul3A_2, %dma_wait3A_145] : memref<4096x4096xf32, #tpu.memory_space<hbm>> -> memref<1x4096xf32, #tpu.memory_space<hbm>>
    %dma_wait3A_147 = tpu.memref_squeeze %dma_wait3A_146 : memref<1x4096xf32, #tpu.memory_space<hbm>> -> memref<4096xf32, #tpu.memory_space<hbm>>
    %dma_wait3A_148 = arith.constant 8192 : i32
    %dma_wait3A_149 = tpu.memref_slice %arg10[%dma_wait3A_148] : memref<32768xf32, #tpu.memory_space<vmem>> -> memref<4096xf32, #tpu.memory_space<vmem>>
    tpu.wait_dma2 semaphore(%arg14 : memref<!tpu.dma_semaphore, #tpu.memory_space<semaphore_mem>>) src(%dma_wait3A_149 : memref<4096xf32, #tpu.memory_space<vmem>>) dst(%dma_wait3A_147 : memref<4096xf32, #tpu.memory_space<hbm>>)
    %dma_wait3A_150 = arith.constant 12288 : i32
    %dma_wait3A_151 = tpu.memref_slice %arg10[%dma_wait3A_150] : memref<32768xf32, #tpu.memory_space<vmem>> -> memref<4096xf32, #tpu.memory_space<vmem>>
    %dma_wait3A_152 = arith.constant 0 : i32
    %dma_wait3A_153 = tpu.memref_slice %arg6[%mul3A_2, %dma_wait3A_152] : memref<4096x4096xf32, #tpu.memory_space<hbm>> -> memref<1x4096xf32, #tpu.memory_space<hbm>>
    %dma_wait3A_154 = tpu.memref_squeeze %dma_wait3A_153 : memref<1x4096xf32, #tpu.memory_space<hbm>> -> memref<4096xf32, #tpu.memory_space<hbm>>
    %dma_wait3A_155 = arith.constant 0 : i32
    %dma_wait3A_156 = tpu.memref_slice %arg6[%mul3A_2, %dma_wait3A_155] : memref<4096x4096xf32, #tpu.memory_space<hbm>> -> memref<1x4096xf32, #tpu.memory_space<hbm>>
    %dma_wait3A_157 = tpu.memref_squeeze %dma_wait3A_156 : memref<1x4096xf32, #tpu.memory_space<hbm>> -> memref<4096xf32, #tpu.memory_space<hbm>>
    %dma_wait3A_158 = arith.constant 12288 : i32
    %dma_wait3A_159 = tpu.memref_slice %arg10[%dma_wait3A_158] : memref<32768xf32, #tpu.memory_space<vmem>> -> memref<4096xf32, #tpu.memory_space<vmem>>
    tpu.wait_dma2 semaphore(%arg14 : memref<!tpu.dma_semaphore, #tpu.memory_space<semaphore_mem>>) src(%dma_wait3A_159 : memref<4096xf32, #tpu.memory_space<vmem>>) dst(%dma_wait3A_157 : memref<4096xf32, #tpu.memory_space<hbm>>)
    %dma_wait3A_160 = arith.constant 16384 : i32
    %dma_wait3A_161 = tpu.memref_slice %arg10[%dma_wait3A_160] : memref<32768xf32, #tpu.memory_space<vmem>> -> memref<4096xf32, #tpu.memory_space<vmem>>
    %dma_wait3A_162 = arith.constant 0 : i32
    %dma_wait3A_163 = tpu.memref_slice %arg6[%mul3A_2, %dma_wait3A_162] : memref<4096x4096xf32, #tpu.memory_space<hbm>> -> memref<1x4096xf32, #tpu.memory_space<hbm>>
    %dma_wait3A_164 = tpu.memref_squeeze %dma_wait3A_163 : memref<1x4096xf32, #tpu.memory_space<hbm>> -> memref<4096xf32, #tpu.memory_space<hbm>>
    %dma_wait3A_165 = arith.constant 0 : i32
    %dma_wait3A_166 = tpu.memref_slice %arg6[%mul3A_2, %dma_wait3A_165] : memref<4096x4096xf32, #tpu.memory_space<hbm>> -> memref<1x4096xf32, #tpu.memory_space<hbm>>
    %dma_wait3A_167 = tpu.memref_squeeze %dma_wait3A_166 : memref<1x4096xf32, #tpu.memory_space<hbm>> -> memref<4096xf32, #tpu.memory_space<hbm>>
    %dma_wait3A_168 = arith.constant 16384 : i32
    %dma_wait3A_169 = tpu.memref_slice %arg10[%dma_wait3A_168] : memref<32768xf32, #tpu.memory_space<vmem>> -> memref<4096xf32, #tpu.memory_space<vmem>>
    tpu.wait_dma2 semaphore(%arg15 : memref<!tpu.dma_semaphore, #tpu.memory_space<semaphore_mem>>) src(%dma_wait3A_169 : memref<4096xf32, #tpu.memory_space<vmem>>) dst(%dma_wait3A_167 : memref<4096xf32, #tpu.memory_space<hbm>>)
    %dma_wait3A_170 = arith.constant 20480 : i32
    %dma_wait3A_171 = tpu.memref_slice %arg10[%dma_wait3A_170] : memref<32768xf32, #tpu.memory_space<vmem>> -> memref<4096xf32, #tpu.memory_space<vmem>>
    %dma_wait3A_172 = arith.constant 0 : i32
    %dma_wait3A_173 = tpu.memref_slice %arg6[%mul3A_2, %dma_wait3A_172] : memref<4096x4096xf32, #tpu.memory_space<hbm>> -> memref<1x4096xf32, #tpu.memory_space<hbm>>
    %dma_wait3A_174 = tpu.memref_squeeze %dma_wait3A_173 : memref<1x4096xf32, #tpu.memory_space<hbm>> -> memref<4096xf32, #tpu.memory_space<hbm>>
    %dma_wait3A_175 = arith.constant 0 : i32
    %dma_wait3A_176 = tpu.memref_slice %arg6[%mul3A_2, %dma_wait3A_175] : memref<4096x4096xf32, #tpu.memory_space<hbm>> -> memref<1x4096xf32, #tpu.memory_space<hbm>>
    %dma_wait3A_177 = tpu.memref_squeeze %dma_wait3A_176 : memref<1x4096xf32, #tpu.memory_space<hbm>> -> memref<4096xf32, #tpu.memory_space<hbm>>
    %dma_wait3A_178 = arith.constant 20480 : i32
    %dma_wait3A_179 = tpu.memref_slice %arg10[%dma_wait3A_178] : memref<32768xf32, #tpu.memory_space<vmem>> -> memref<4096xf32, #tpu.memory_space<vmem>>
    tpu.wait_dma2 semaphore(%arg15 : memref<!tpu.dma_semaphore, #tpu.memory_space<semaphore_mem>>) src(%dma_wait3A_179 : memref<4096xf32, #tpu.memory_space<vmem>>) dst(%dma_wait3A_177 : memref<4096xf32, #tpu.memory_space<hbm>>)
    %dma_wait3A_180 = arith.constant 24576 : i32
    %dma_wait3A_181 = tpu.memref_slice %arg10[%dma_wait3A_180] : memref<32768xf32, #tpu.memory_space<vmem>> -> memref<4096xf32, #tpu.memory_space<vmem>>
    %dma_wait3A_182 = arith.constant 0 : i32
    %dma_wait3A_183 = tpu.memref_slice %arg6[%mul3A_2, %dma_wait3A_182] : memref<4096x4096xf32, #tpu.memory_space<hbm>> -> memref<1x4096xf32, #tpu.memory_space<hbm>>
    %dma_wait3A_184 = tpu.memref_squeeze %dma_wait3A_183 : memref<1x4096xf32, #tpu.memory_space<hbm>> -> memref<4096xf32, #tpu.memory_space<hbm>>
    %dma_wait3A_185 = arith.constant 0 : i32
    %dma_wait3A_186 = tpu.memref_slice %arg6[%mul3A_2, %dma_wait3A_185] : memref<4096x4096xf32, #tpu.memory_space<hbm>> -> memref<1x4096xf32, #tpu.memory_space<hbm>>
    %dma_wait3A_187 = tpu.memref_squeeze %dma_wait3A_186 : memref<1x4096xf32, #tpu.memory_space<hbm>> -> memref<4096xf32, #tpu.memory_space<hbm>>
    %dma_wait3A_188 = arith.constant 24576 : i32
    %dma_wait3A_189 = tpu.memref_slice %arg10[%dma_wait3A_188] : memref<32768xf32, #tpu.memory_space<vmem>> -> memref<4096xf32, #tpu.memory_space<vmem>>
    tpu.wait_dma2 semaphore(%arg15 : memref<!tpu.dma_semaphore, #tpu.memory_space<semaphore_mem>>) src(%dma_wait3A_189 : memref<4096xf32, #tpu.memory_space<vmem>>) dst(%dma_wait3A_187 : memref<4096xf32, #tpu.memory_space<hbm>>)
    %dma_wait3A_190 = arith.constant 28672 : i32
    %dma_wait3A_191 = tpu.memref_slice %arg10[%dma_wait3A_190] : memref<32768xf32, #tpu.memory_space<vmem>> -> memref<4096xf32, #tpu.memory_space<vmem>>
    %dma_wait3A_192 = arith.constant 0 : i32
    %dma_wait3A_193 = tpu.memref_slice %arg6[%mul3A_2, %dma_wait3A_192] : memref<4096x4096xf32, #tpu.memory_space<hbm>> -> memref<1x4096xf32, #tpu.memory_space<hbm>>
    %dma_wait3A_194 = tpu.memref_squeeze %dma_wait3A_193 : memref<1x4096xf32, #tpu.memory_space<hbm>> -> memref<4096xf32, #tpu.memory_space<hbm>>
    %dma_wait3A_195 = arith.constant 0 : i32
    %dma_wait3A_196 = tpu.memref_slice %arg6[%mul3A_2, %dma_wait3A_195] : memref<4096x4096xf32, #tpu.memory_space<hbm>> -> memref<1x4096xf32, #tpu.memory_space<hbm>>
    %dma_wait3A_197 = tpu.memref_squeeze %dma_wait3A_196 : memref<1x4096xf32, #tpu.memory_space<hbm>> -> memref<4096xf32, #tpu.memory_space<hbm>>
    %dma_wait3A_198 = arith.constant 28672 : i32
    %dma_wait3A_199 = tpu.memref_slice %arg10[%dma_wait3A_198] : memref<32768xf32, #tpu.memory_space<vmem>> -> memref<4096xf32, #tpu.memory_space<vmem>>
    tpu.wait_dma2 semaphore(%arg15 : memref<!tpu.dma_semaphore, #tpu.memory_space<semaphore_mem>>) src(%dma_wait3A_199 : memref<4096xf32, #tpu.memory_space<vmem>>) dst(%dma_wait3A_197 : memref<4096xf32, #tpu.memory_space<hbm>>)
    %dma_wait3A_200 = arith.constant 0 : i32
    %dma_wait3A_201 = tpu.memref_slice %arg8[%dma_wait3A_200] : memref<144xi32, #tpu.memory_space<vmem>> -> memref<64xi32, #tpu.memory_space<vmem>>
    %dma_wait3A_202 = arith.constant 0 : i32
    %dma_wait3A_203 = arith.constant 0 : i32
    %dma_wait3A_204 = tpu.memref_slice %arg3[%dma_wait3A_202, %dma_wait3A_203] : memref<8192x256xf32, #tpu.memory_space<hbm>> -> memref<8192x256xf32, #tpu.memory_space<hbm>>
    tpu.wait_indirect_dma semaphore(%arg16 : memref<!tpu.dma_semaphore, #tpu.memory_space<semaphore_mem>>) src(%dma_wait3A_204 : memref<8192x256xf32, #tpu.memory_space<hbm>>) dst(%arg11 : memref<64x256xf32, #tpu.memory_space<vmem>>)
    %dma_start3A_205 = arith.constant 0 : i32
    %dma_start3A_206 = tpu.memref_slice %arg5[%mul3A_2, %dma_start3A_205] : memref<4096x256xf32, #tpu.memory_space<hbm>> -> memref<64x256xf32, #tpu.memory_space<hbm>>
    %dma_start3A_207 = arith.constant 0 : i32
    %dma_start3A_208 = tpu.memref_slice %arg5[%mul3A_2, %dma_start3A_207] : memref<4096x256xf32, #tpu.memory_space<hbm>> -> memref<64x256xf32, #tpu.memory_space<hbm>>
    tpu.enqueue_dma source(%arg11 : memref<64x256xf32, #tpu.memory_space<vmem>>) target(%dma_start3A_208 : memref<64x256xf32, #tpu.memory_space<hbm>>) target_semaphore(%arg17 : memref<!tpu.dma_semaphore, #tpu.memory_space<semaphore_mem>>)
    %dma_wait3A_209 = arith.constant 0 : i32
    %dma_wait3A_210 = tpu.memref_slice %arg5[%mul3A_2, %dma_wait3A_209] : memref<4096x256xf32, #tpu.memory_space<hbm>> -> memref<64x256xf32, #tpu.memory_space<hbm>>
    %dma_wait3A_211 = arith.constant 0 : i32
    %dma_wait3A_212 = tpu.memref_slice %arg5[%mul3A_2, %dma_wait3A_211] : memref<4096x256xf32, #tpu.memory_space<hbm>> -> memref<64x256xf32, #tpu.memory_space<hbm>>
    tpu.wait_dma2 semaphore(%arg17 : memref<!tpu.dma_semaphore, #tpu.memory_space<semaphore_mem>>) src(%arg11 : memref<64x256xf32, #tpu.memory_space<vmem>>) dst(%dma_wait3A_212 : memref<64x256xf32, #tpu.memory_space<hbm>>)
    %dma_start3A_213 = arith.constant 64 : i32
    %dma_start3A_214 = tpu.memref_slice %arg8[%dma_start3A_213] : memref<144xi32, #tpu.memory_space<vmem>> -> memref<64xi32, #tpu.memory_space<vmem>>
    %dma_start3A_215 = arith.constant 0 : i32
    %dma_start3A_216 = arith.constant 0 : i32
    %dma_start3A_217 = tpu.memref_slice %arg3[%dma_start3A_215, %dma_start3A_216] : memref<8192x256xf32, #tpu.memory_space<hbm>> -> memref<8192x256xf32, #tpu.memory_space<hbm>>
    tpu.enqueue_indirect_dma source(%dma_start3A_217 : memref<8192x256xf32, #tpu.memory_space<hbm>>) target(%arg11 : memref<64x256xf32, #tpu.memory_space<vmem>>) offsets(%dma_start3A_214 : memref<64xi32, #tpu.memory_space<vmem>>) semaphore(%arg16 : memref<!tpu.dma_semaphore, #tpu.memory_space<semaphore_mem>>)
    %dma_wait3A_218 = arith.constant 64 : i32
    %dma_wait3A_219 = tpu.memref_slice %arg8[%dma_wait3A_218] : memref<144xi32, #tpu.memory_space<vmem>> -> memref<64xi32, #tpu.memory_space<vmem>>
    %dma_wait3A_220 = arith.constant 0 : i32
    %dma_wait3A_221 = arith.constant 0 : i32
    %dma_wait3A_222 = tpu.memref_slice %arg3[%dma_wait3A_220, %dma_wait3A_221] : memref<8192x256xf32, #tpu.memory_space<hbm>> -> memref<8192x256xf32, #tpu.memory_space<hbm>>
    tpu.wait_indirect_dma semaphore(%arg16 : memref<!tpu.dma_semaphore, #tpu.memory_space<semaphore_mem>>) src(%dma_wait3A_222 : memref<8192x256xf32, #tpu.memory_space<hbm>>) dst(%arg11 : memref<64x256xf32, #tpu.memory_space<vmem>>)
    %add3A_223 = arith.constant 64 : i32
    %add3A_224 = arith.addi %mul3A_2, %add3A_223 : i32
    "tpu.region"() ({
      %run_scoped3A = tpu.sem_alloc : memref<!tpu.dma_semaphore, #tpu.memory_space<semaphore_mem>>
      %dma_start3A_225 = arith.constant 0 : i32
      %dma_start3A_226 = tpu.memref_slice %arg5[%add3A_224, %dma_start3A_225] : memref<4096x256xf32, #tpu.memory_space<hbm>> -> memref<64x256xf32, #tpu.memory_space<hbm>>
      %dma_start3A_227 = arith.constant 0 : i32
      %dma_start3A_228 = tpu.memref_slice %arg5[%add3A_224, %dma_start3A_227] : memref<4096x256xf32, #tpu.memory_space<hbm>> -> memref<64x256xf32, #tpu.memory_space<hbm>>
      tpu.enqueue_dma source(%arg11 : memref<64x256xf32, #tpu.memory_space<vmem>>) target(%dma_start3A_228 : memref<64x256xf32, #tpu.memory_space<hbm>>) target_semaphore(%run_scoped3A : memref<!tpu.dma_semaphore, #tpu.memory_space<semaphore_mem>>)
      %dma_wait3A_229 = arith.constant 0 : i32
      %dma_wait3A_230 = tpu.memref_slice %arg5[%add3A_224, %dma_wait3A_229] : memref<4096x256xf32, #tpu.memory_space<hbm>> -> memref<64x256xf32, #tpu.memory_space<hbm>>
      %dma_wait3A_231 = arith.constant 0 : i32
      %dma_wait3A_232 = tpu.memref_slice %arg5[%add3A_224, %dma_wait3A_231] : memref<4096x256xf32, #tpu.memory_space<hbm>> -> memref<64x256xf32, #tpu.memory_space<hbm>>
      tpu.wait_dma2 semaphore(%run_scoped3A : memref<!tpu.dma_semaphore, #tpu.memory_space<semaphore_mem>>) src(%arg11 : memref<64x256xf32, #tpu.memory_space<vmem>>) dst(%dma_wait3A_232 : memref<64x256xf32, #tpu.memory_space<hbm>>)
      tpu.yield
    }) : () -> ()
    return
  }
}

</mosaic_0001>

<sc_bundles>
// kernel: _pool.3.cloned.1.call-start
scs
__scs_entry_jumppad:
0x0: {  	(pc) =	sbr.rel $0x88, $3  }
0x1: {  	(tag) =	ssettag $0x0;
	lr =	simm.s32 $0x1  }
0x2: {  	[smem:$0x3F9E] =	sst lr;
	_ =	strace $0xD0000000  }
0x3: {  	_ = 	snop  }
0x4: {  	_ = 	snop  }
0x5: {  	_ = 	snop  }
0x6: {  	_ = 	snop  }
0x7: {  	_ = 	snop  }
__scs_overlays_trampoline_lowered:
0x8: {  	[smem:$0x3FAD] =	sst s0  }
0x9: {  	[smem:$0x3FAE] =	sst s1  }
0xa: {  	[smem:$0x3FAF] =	sst s2  }
0xb: {  	[smem:$0x3FB0] =	sst s3  }
0xc: {  	[smem:$0x3FB1] =	sst s4  }
0xd: {  	[smem:$0x3FB2] =	sst s5  }
0xe: {  	[smem:$0x3FB3] =	sst s6  }
0xf: {  	[smem:$0x3FB4] =	sst s7  }
0x10: {  	[smem:$0x3FB5] =	sst s8  }
0x11: {  	[smem:$0x3FB6] =	sst s9;
	s0 =	simm.s32 @!p0 $0x0  }
0x12: {  	s1 =	sld [smem:$0x3F9C];
	s0 =	simm.s32 @p0 $0x1  }
0x13: {  	[smem:$0x3FB7] =	sst s0;
	s0 =	simm.s32 @!p1 $0x0  }
0x14: {  	s2 =	sld [smem:$0x3F9B];
	s0 =	simm.s32 @p1 $0x1  }
0x15: {  	[smem:$0x3FB8] =	sst s0;
	s0 =	simm.s32 @!p2 $0x0  }
0x16: {  	s3 =	sld [smem:$0x3FDB];
	s0 =	simm.s32 @p2 $0x1  }
0x17: {  	s4 =	simm.s32 $0x1BF5;
	[smem:$0x3FBA] =	sst s0  }
0x18: {  	s0 =	sld [smem:$0x3F9D];
	_ =	swait.ge [sflag:s4], $0x0  }
0x19: {  	s7 =	sld [smem:$0x3F9E]  }
0x1a: {  	s8 =	sadd.s32 $0xFFFFE003, lr  }
0x1b: {  	s9 =	sadd.s32 $0xFFFFFEF7, lr;
	s5 =	simm.s32 $0xFFFFFFFF;
	p2 =	slt.u32 s8, $0xFFFFF086  }
0x1c: {  	p1 =	slt.u32 s9, $0xF7A;
	s5 =	simm.s32 @!p2 $0x0  }
0x1d: {  	s5 =	simm.s32 @p1 $0x1;
	p0 =	seq.s32 s7, s2  }
0x1e: {  	s7 =	smul.u32 @!p0 $0xF7A, s2;
	p2 =	seq.s32 @!p0 s5, $0x0  }
0x1f: {  	s9 =	smul.u32 $0xF7A, s1;
	s8 =	simm.s32 @!p0 $0x1BF5;
	p2 =	por !p2, p0  }
0x20: {  	[sflag:s8] =	ssyncset.s32 @!p0 $0xFFFFF086;
	s6 =	sadd.s32 @!p0 s3, s7;
	s7 =	simm.s32 @!p0 $0x108  }
0x21: {  	s3 =	sadd.s32 s3, s9;
	s6 =	sadd.s32 @!p0 $0x88, s6;
	s7 =	simm.s32 @p2 $0x1082  }
0x22: {  	[simem:s7], [sflag:s8] =	dma.local @!p0 [hbm:s6], $0xF7A  }
0x23: {  	s9 =	sor.u32 $0xD0000000, s2;
	s6 =	simm.s32 $0x108;
	_ =	swait.ge @!p0 [sflag:s8], $0x0  }
0x24: {  	s3 =	sadd.s32 $0x88, s3;
	s6 =	simm.s32 @!p1 $0x1082;
	[sflag:s4] =	ssyncset.s32 $0xFFFFF086  }
0x25: {  	[simem:s6], [sflag:s4] =	dma.local [hbm:s3], $0xF7A  }
0x26: {  	[smem:$0x3F9E] =	sst s1;
	(tag) =	ssettag s2;
	_ =	strace s9  }
0x27: {  	s1 =	sld [smem:$0x3FAE]  }
0x28: {  	s2 =	sld [smem:$0x3FAF]  }
0x29: {  	s4 =	sld [smem:$0x3FB1]  }
0x2a: {  	p0 =	seq.s32 s5, $0x0;
	s5 =	sld [smem:$0x3FB2]  }
0x2b: {  	s6 =	sld [smem:$0x3FB3]  }
0x2c: {  	s7 =	sld [smem:$0x3FB4]  }
0x2d: {  	s3 =	simm.s32 $0x108;
	s8 =	sld [smem:$0x3FB5]  }
0x2e: {  	s3 =	simm.s32 @!p0 $0x1082;
	s9 =	sld [smem:$0x3FB6]  }
0x2f: {  	lr =	sadd.s32 s0, s3;
	s0 =	sld [smem:$0x3FAD]  }
0x30: {  	s3 =	sld [smem:$0x3FB0]  }
0x31: {  	[smem:$0x3FB9] =	sst s10  }
0x32: {  	s10 =	sld [smem:$0x3FB7];
	_ =	sdelay $0x3  }
0x33: {  	p0 =	seq.s32 s10, $0x1;
	s10 =	sld [smem:$0x3FB9];
	_ =	sdelay $0x3  }
0x34: {  	[smem:$0x3FB9] =	sst s10  }
0x35: {  	s10 =	sld [smem:$0x3FB8];
	_ =	sdelay $0x3  }
0x36: {  	p1 =	seq.s32 s10, $0x1;
	s10 =	sld [smem:$0x3FB9];
	_ =	sdelay $0x3  }
0x37: {  	[smem:$0x3FB9] =	sst s10  }
0x38: {  	s10 =	sld [smem:$0x3FBA]  }
0x39: {  	_ = 	snop;
	(pc) =	sbr.ind lr, $3  }
0x3a: {  	_ = 	snop  }
0x3b: {  	_ = 	snop  }
0x3c: {  	p2 =	seq.s32 s10, $0x1;
	s10 =	sld [smem:$0x3FB9]  }
0x3d: {  	_ =	shalt  }
0x3e: {  	_ =	shalt  }
0x3f: {  	_ =	shalt  }
0x40: {  	_ =	shalt  }
0x41: {  	_ =	shalt  }
0x42: {  	_ =	shalt  }
0x43: {  	_ =	shalt  }
0x44: {  	_ =	shalt  }
0x45: {  	_ =	shalt  }
0x46: {  	_ =	shalt  }
0x47: {  	_ =	shalt  }
0x48: {  	_ =	shalt  }
0x49: {  	_ =	shalt  }
0x4a: {  	_ =	shalt  }
0x4b: {  	_ =	shalt  }
0x4c: {  	_ =	shalt  }
0x4d: {  	_ =	shalt  }
0x4e: {  	_ =	shalt  }
0x4f: {  	_ =	shalt  }
0x50: {  	_ =	shalt  }
0x51: {  	_ =	shalt  }
0x52: {  	_ =	shalt  }
0x53: {  	_ =	shalt  }
0x54: {  	_ =	shalt  }
0x55: {  	_ =	shalt  }
0x56: {  	_ =	shalt  }
0x57: {  	_ =	shalt  }
0x58: {  	_ =	shalt  }
0x59: {  	_ =	shalt  }
0x5a: {  	_ =	shalt  }
0x5b: {  	_ =	shalt  }
0x5c: {  	_ =	shalt  }
0x5d: {  	_ =	shalt  }
0x5e: {  	_ =	shalt  }
0x5f: {  	_ =	shalt  }
0x60: {  	_ =	shalt  }
0x61: {  	_ =	shalt  }
0x62: {  	_ =	shalt  }
0x63: {  	_ =	shalt  }
0x64: {  	_ =	shalt  }
0x65: {  	_ =	shalt  }
0x66: {  	_ =	shalt  }
0x67: {  	_ =	shalt  }
0x68: {  	_ =	shalt  }
0x69: {  	_ =	shalt  }
0x6a: {  	_ =	shalt  }
0x6b: {  	_ =	shalt  }
0x6c: {  	_ =	shalt  }
0x6d: {  	_ =	shalt  }
0x6e: {  	_ =	shalt  }
0x6f: {  	_ =	shalt  }
0x70: {  	_ =	shalt  }
0x71: {  	_ =	shalt  }
0x72: {  	_ =	shalt  }
0x73: {  	_ =	shalt  }
0x74: {  	_ =	shalt  }
0x75: {  	_ =	shalt  }
0x76: {  	_ =	shalt  }
0x77: {  	_ =	shalt  }
0x78: {  	_ =	shalt  }
0x79: {  	_ =	shalt  }
0x7a: {  	_ =	shalt  }
0x7b: {  	_ =	shalt  }
0x7c: {  	_ =	shalt  }
0x7d: {  	_ =	shalt  }
0x7e: {  	_ =	shalt  }
0x7f: {  	_ =	shalt  }
0x80: {  	_ =	shalt  }
0x81: {  	_ =	shalt  }
0x82: {  	_ =	shalt  }
0x83: {  	_ =	shalt  }
0x84: {  	_ =	shalt  }
0x85: {  	_ =	shalt  }
0x86: {  	_ =	shalt  }
0x87: {  	_ =	shalt  }
.Lfunc_end0:
.L_simem_size_0:
called_computation_lowered:
.L_overlay_start_0:
0x88: {  	s2 =	sld [smem:$0x3FD9]  }
0x89: {  	s3 =	sld [smem:$0x3FFE];
	_ =	sdelay $0x1  }
0x8a: {  	s1 =	srdreg.scid  }
0x8b: {  	s0 =	sand.u32 $0x1, s1  }
0x8c: {  	s15 =	sshll.u32 s0, $0xA;
	s2 =	sadd.s32 s3, s2  }
0x8d: {  	s2 =	sadd.s32 s2, s15  }
0x8e: {  	[smem:$0x3FC5] =	sst s2  }
0x8f: {  	_ = 	snop  }
0x90: {  	s2 =	sld [smem:$0x3FD0]  }
0x91: {  	s16 =	sld [smem:$0x3FC9]  }
0x92: {  	s4 =	sld [smem:$0x3FC8]  }
0x93: {  	s6 =	simm.s32 $0xA;
	s7 =	simm.s32 $0x10;
	s5 =	sld [smem:$0x3FC7]  }
0x94: {  	[smem:s7], [sflag:s6] =	dma.local [hbm:s2], $0x1  }
0x95: {  	_ =	swait.eq [sflag:s6], $0x1  }
0x96: {  	[sflag:s6] =	ssyncset.done $0x0  }
0x97: {  	s17 =	sld [smem:$0x10];
	[sflag:s6] =	ssyncadd.s32 $0xFFFFFFFF  }
0x98: {  	s18 =	sld [smem:$0x11];
	(tm) =	ssettm $0x1  }
0x99: {  	s19 =	sld [smem:$0x3FFB];
	_ =	sdelay $0x3  }
0x9a: {  	_ =	strace s19  }
0x9b: {  	s7 =	sld [smem:$0x3FFC];
	_ =	sdelay $0x3  }
0x9c: {  	_ =	strace s7  }
0x9d: {  	s7 =	sld [smem:$0x3FFD];
	_ =	sdelay $0x3  }
0x9e: {  	_ =	strace s7  }
0x9f: {  	_ =	strace $0x8FFFFFFF  }
0xa0: {  	s20 =	sld [smem:$0x3FDB];
	_ =	sdelay $0x1  }
0xa1: {  	s8 =	simm.s32 $_scs_section_size  }
0xa2: {  	s9 =	simm.s32 $_size__tile_overlayer_lowered;
	s10 =	simm.s32 $_tile_overlayer_lowered  }
0xa3: {  	s23 =	simm.s32 $0x1BFF;
	s22 =	sshll.u32 s10, $0x1;
	s7 =	sadd.s32 s8, s20  }
0xa4: {  	s11 =	simm.s32 $0x0;
	s21 =	sshll.u32 s9, $0x1;
	s9 =	sadd.s32 s22, s7  }
0xa5: {  	[timem:s11], [sflag:s23] =	dma.local [hbm:s9], s21  }
0xa6: {  	_ =	swait.ge [sflag:s23], s21  }
0xa7: {  	s8 =	ssub.s32 $0x0, s21;
	[sflag:s23] =	ssyncset.done $0x0  }
0xa8: {  	[sflag:s23] =	ssyncadd.s32 s8;
	_ =	sdelay $0x1  }
0xa9: {  	s24 =	simm.s32 $0x1B8B  }
0xaa: {  	_ =	swait.ge [sflag:s24], $0x1  }
0xab: {  	[sflag:s24] =	ssyncset.done $0x0  }
0xac: {  	s25 =	simm.s32 $0x1B8E;
	[sflag:s24] =	ssyncadd.s32 $0xFFFFFFFF  }
0xad: {  	s26 =	simm.s32 $execute0_lowered;
	[smem:$0x3FD2] =	sst s25  }
0xae: {  	s8 =	sshll.u32 s26, $0x1;
	_ =	strace $0x80000046;
	[dreg:$0x1] =	wrdreg $0xFFFFFFFF  }
0xaf: {  	s28 =	simm.s32 $_size_execute0_lowered;
	s7 =	sadd.s32 s7, s8;
	[dreg:$0x0] =	wrdreg $0x0  }
0xb0: {  	s8 =	sshll.u32 s28, $0x1;
	[dreg:$0x2] =	wrdreg s7  }
0xb1: {  	[dreg:$0x3] =	wrdreg s8  }
0xb2: {  	[dreg:$0x4] =	wrdreg $0xC0  }
0xb3: {  	_ =	task [dreg:s11], $0x5FFFF  }
0xb4: {  	[dreg:$0x1] =	wrdreg $0xFFFFFFFF  }
0xb5: {  	[dreg:$0x0] =	wrdreg $0x60  }
0xb6: {  	[dreg:$0x2] =	wrdreg s16  }
0xb7: {  	[dreg:$0x3] =	wrdreg s4  }
0xb8: {  	[dreg:$0x4] =	wrdreg s5  }
0xb9: {  	[dreg:$0x5] =	wrdreg s17  }
0xba: {  	[dreg:$0x6] =	wrdreg s18  }
0xbb: {  	[dreg:$0x7] =	wrdreg $0x9  }
0xbc: {  	_ =	task.clear_ibuf [dreg:s11], $0x8FFFF;
	_ =	strace $0x90000046  }
0xbd: {  	s29 =	simm.s32 $0x9;
	_ =	strace $0x80000048  }
0xbe: {  	_ =	swait.ge [sflag:s29], $0x1  }
0xbf: {  	[sflag:s29] =	ssyncadd.s32 $0xFFFFFFFF  }
0xc0: {  	_ =	strace $0x90000048  }
0xc1: {  	_ =	sfence  }
0xc2: {  	s30 =	sld [smem:$0x0];
	_ =	sdelay $0x2  }
0xc3: {  	s31 =	sshll.u32 s1, $0xD;
	s1 =	sshrl.u32 s1, $0x2  }
0xc4: {  	s3 =	sand.u32 $0x4000, s31;
	s1 =	sadd.s32 s1, s30  }
0xc5: {  	s0 =	sor.u32 s3, s0;
	s1 =	sshll.u32 s1, $0x11  }
0xc6: {  	s0 =	sor.u32 s1, s0  }
0xc7: {  	s0 =	sadd.s32 $0x8F2B, s0  }
0xc8: {  	[sflag:s0] =	ssyncadd.remote.s32 $0x1  }
0xc9: {  	_ =	sfence.sel $0xFFFF  }
0xca: {  	[dreg:$0x0] =	wrdreg $0xFFFFFFFF;
	(pc) =	sbr.abs _section_cstart, $3  }
0xcb: {  	[dreg:$0x1] =	wrdreg $0xFFFFFFFF  }
0xcc: {  	_ =	task.clear_ibuf [dreg:s11], $0x2FFFF;
	_ =	strace $0x9FFFFFFF  }
0xcd: {  	(tm) =	ssettm $0x7FFFFFFF  }
tec
execute0_lowered:
.L_overlay_start_1:
0x0: {  	(tag) =	ssettag $0x1  }
0x1: {  	s2 =	rddreg [dreg:$0x0]  }
0x2: {  	s14 =	rddreg [dreg:$0x1]  }
0x3: {  	s3 =	rddreg [dreg:$0x2]  }
0x4: {  	s0 =	rddreg [dreg:$0x3]  }
0x5: {  	s5 =	rddreg [dreg:$0x4]  }
0x6: {  	s1 =	srdreg.scid;
	s4 =	stileid.u32;
	s6 =	simm.s32 $0x0  }
0x7: {  	s17 =	simm.s32 $0x7;
	s19 =	simm.s32 $0x19100;
	s21 =	simm.s32 $0x19900  }
0x8: {  	s29 =	simm.s32 $0x1A100;
	s30 =	simm.s32 $0x80;
	s31 =	simm.s32 $0x400  }
0x9: {  	s22 =	simm.s32 $0x13100;
	s23 =	simm.s32 $0x2;
	s28 =	simm.s32 $0x18100  }
0xa: {  	s1 =	sand.u32 $0x1, s1;
	s4 =	sshll.u32 s4, $0x8;
	[smem:$0x7FF] =	sst s6  }
0xb: {  	s9 =	sadd.s32 $0x10, s5;
	s10 =	sadd.s32 $0x20, s5;
	s11 =	sadd.s32 $0x30, s5  }
0xc: {  	s12 =	sadd.s32 $0x40, s5;
	s13 =	sadd.s32 $0x50, s5;
	s15 =	sadd.s32 $0x60, s5  }
0xd: {  	s16 =	sadd.s32 $0x70, s5;
	s7 =	sshll.u32 s1, $0x7;
	s1 =	ssub.s32 $0x2, s1  }
0xe: {  	_ =	strace $0x80000047;
	s7 =	sor.u32 s7, s4;
	s24 =	sshrl.u32 s1, $0x1  }
0xf: {  	s4 =	simm.s32 $0x0;
	s8 =	sshrl.u32 s7, $0x3;
	s1 =	ssub.s32 s1, s24  }
0x10: {  	s25 =	sshll.u32 s7, $0x5;
	s24 =	simm.s32 $0x15100;
	s2 =	sadd.s32 s2, s8  }
0x11: {  	s0 =	sadd.s32 s0, s25;
	s26 =	smax.u32 s1, $0x1;
	[dreg:$0x6] =	wrdreg s2  }
0x12: {  	v2 =	vlaneseq.u32;
	s1 =	simm.s32 $0x1;
	s8 =	simm.s32 $0x14100;
	[dreg:$0x7] =	wrdreg s0  }
0x13: {  	vm0 =	vmmov $0xffff;
	v1 =	vshrl.u32 v2, $0x3;
	s25 =	simm.s32 $0x16100;
	s0 =	sadd.s32 $0x800, s0;
	[dreg:$0x9] =	wrdreg s26  }
0x14: {  	v0 =	vand.u32 $0x7, v2;
	v2 =	vor.u32 $0x8, v2;
	v1 =	vmul.u32 $0x8, v1;
	s26 =	simm.s32 $0x17100;
	[dreg:$0x8] =	wrdreg s0;
	s0 =	simm.s32 $0x1100  }
.LBB2_1:
0x15: {  	[dreg:$0xa] =	wrdreg s4  }
0x16: {  	s2 =	rddreg [dreg:$0x0]  }
0x17: {  	[tilespmem:s6], [sflag:$0x7] =	stream.linear.gather [hbm4b:s2+s6], $0x1000, $0x38;
	[tilespmem:$0x1D100] =	vst v63  }
0x18: {  	_ =	swait.ge [sflag:s17], $0x1000  }
0x19: {  	s20 =	smov.u32 s5;
	s5 =	simm.s32 $0x0;
	[sflag:s17] =	ssyncset.done $0x0  }
0x1a: {  	s18 =	simm.s32 $0x1000;
	s2 =	rddreg [dreg:$0x6];
	[sflag:s17] =	ssyncadd.s32 $0xFFFFF000  }
0x1b: {  	[tilespmem:s18], [sflag:$0x7] =	stream.linear.gather [hbm4b:s2+s5], $0x80, $0x38;
	[tilespmem:$0x1D100] =	vst v63  }
0x1c: {  	_ =	swait.ge [sflag:s17], $0x80  }
0x1d: {  	[sflag:s17] =	ssyncset.done $0x0  }
0x1e: {  	[sflag:s17] =	ssyncadd.s32 $0xFFFFFF80  }
0x1f: {  	v3 =	vld [tilespmem:$0x1000];
	_ =	sdelay $0x4  }
0x20: {  	v4 =	vshll.u32 v3, $0x1  }
0x21: {  	v3 =	vand.u32 $0x7, v3;
	v4 =	vand.u32 $0xFFFFFFF0, v4  }
0x22: {  	v3 =	vor.u32 v3, v4  }
0x23: {  	v4 =	vperm.xlane v3, v0;
	_ =	sdelay $0x1  }
0x24: {  	v3 =	vperm.xlane v3, v2;
	v4 =	vadd.s32 v1, v4;
	_ =	sdelay $0x1  }
0x25: {  	v3 =	vadd.s32 v1, v3;
	_ =	sdelay $0x2  }
0x26: {  	[tilespmem:s19], [sflag:$0x5] =	stream.indirect_vreg.gather [hbm4b:s14+s5], $0x80, v4, vm0, $0xb8;
	[tilespmem:$0x1D100] =	vst v63  }
0x27: {  	_ = 	snop  }
0x28: {  	[tilespmem:s21], [sflag:$0x5] =	stream.indirect_vreg.gather [hbm4b:s14+s5], $0x80, v3, vm0, $0xb8;
	[tilespmem:$0x1D100] =	vst v63  }
0x29: {  	v3 =	vld [tilespmem:$0x1010];
	_ =	sdelay $0x4  }
0x2a: {  	v61 =	vshll.u32 v3, $0x1  }
0x2b: {  	v3 =	vand.u32 $0x7, v3;
	v4 =	vand.u32 $0xFFFFFFF0, v61  }
0x2c: {  	v3 =	vor.u32 v3, v4  }
0x2d: {  	v4 =	vperm.xlane v3, v0;
	_ =	sdelay $0x1  }
0x2e: {  	v3 =	vperm.xlane v3, v2;
	v4 =	vadd.s32 v1, v4;
	_ =	sdelay $0x1  }
0x2f: {  	v3 =	vadd.s32 v1, v3;
	_ =	sdelay $0x2  }
0x30: {  	[tilespmem:s29], [sflag:$0x5] =	stream.indirect_vreg.gather [hbm4b:s14+s5], $0x80, v4, vm0, $0xb8;
	[tilespmem:$0x1D100] =	vst v63  }
0x31: {  	s6 =	simm.s32 $0x1A900  }
0x32: {  	[tilespmem:s6], [sflag:$0x5] =	stream.indirect_vreg.gather [hbm4b:s14+s5], $0x80, v3, vm0, $0xb8;
	[tilespmem:$0x1D100] =	vst v63  }
0x33: {  	v3 =	vld [tilespmem:$0x1020];
	_ =	sdelay $0x4  }
0x34: {  	v62 =	vshll.u32 v3, $0x1  }
0x35: {  	v3 =	vand.u32 $0x7, v3;
	v4 =	vand.u32 $0xFFFFFFF0, v62  }
0x36: {  	v3 =	vor.u32 v3, v4  }
0x37: {  	v4 =	vperm.xlane v3, v0;
	_ =	sdelay $0x1  }
0x38: {  	v3 =	vperm.xlane v3, v2;
	v4 =	vadd.s32 v1, v4;
	_ =	sdelay $0x1  }
0x39: {  	v3 =	vadd.s32 v1, v3;
	_ =	sdelay $0x1  }
0x3a: {  	s5 =	smov.u32 s20;
	s20 =	simm.s32 $0x1B100;
	s6 =	simm.s32 $0x0  }
0x3b: {  	[tilespmem:s20], [sflag:$0x5] =	stream.indirect_vreg.gather [hbm4b:s14+s6], $0x80, v4, vm0, $0xb8;
	[tilespmem:$0x1D100] =	vst v63  }
0x3c: {  	s4 =	simm.s32 $0x1B900  }
0x3d: {  	[tilespmem:s4], [sflag:$0x5] =	stream.indirect_vreg.gather [hbm4b:s14+s6], $0x80, v3, vm0, $0xb8;
	[tilespmem:$0x1D100] =	vst v63  }
0x3e: {  	v3 =	vld [tilespmem:$0x1030];
	_ =	sdelay $0x4  }
0x3f: {  	v63 =	vshll.u32 v3, $0x1  }
0x40: {  	v3 =	vand.u32 $0x7, v3;
	v4 =	vand.u32 $0xFFFFFFF0, v63  }
0x41: {  	v3 =	vor.u32 v3, v4  }
0x42: {  	v4 =	vperm.xlane v3, v0;
	_ =	sdelay $0x1  }
0x43: {  	v3 =	vperm.xlane v3, v2;
	v4 =	vadd.s32 v1, v4;
	_ =	sdelay $0x1  }
0x44: {  	v3 =	vadd.s32 v1, v3;
	_ =	sdelay $0x1  }
0x45: {  	s4 =	simm.s32 $0x1C100  }
0x46: {  	[tilespmem:s4], [sflag:$0x5] =	stream.indirect_vreg.gather [hbm4b:s14+s6], $0x80, v4, vm0, $0xb8;
	[tilespmem:$0x1D100] =	vst v63  }
0x47: {  	s21 =	simm.s32 $0x1C900  }
0x48: {  	[tilespmem:s21], [sflag:$0x5] =	stream.indirect_vreg.gather [hbm4b:s14+s6], $0x80, v3, vm0, $0xb8;
	[tilespmem:$0x1D100] =	vst v63  }
0x49: {  	v3 =	vld [tilespmem:$0x1000];
	_ =	sdelay $0x4  }
0x4a: {  	(v2sf) =	vpush v3, $0x0;
	_ =	sdelay $0xe  }
0x4b: {  	s29 =	spop (v2sf)  }
0x4c: {  	s2 =	sshll.u32 s29, $0xD;
	s14 =	sshll.u32 s29, $0x7  }
0x4d: {  	s17 =	sand.u32 $0xFFFF0000, s2;
	s14 =	sand.u32 $0x380, s14  }
0x4e: {  	s14 =	sor.u32 s14, s17  }
0x4f: {  	s14 =	sshrl.u32 s14, $0x3  }
0x50: {  	s14 =	sadd.s32 s3, s14  }
0x51: {  	[tilespmem:s0], [sflag:$0x1] =	stream.strided.gather [hbm4b:s14+s30], $0x2000, s31, s30, $0x38;
	[tilespmem:$0x1D100] =	vst v63  }
0x52: {  	v3 =	vld [tilespmem:$0x1001];
	_ =	sdelay $0x4  }
0x53: {  	(v2sf) =	vpush v3, $0x0;
	_ =	sdelay $0xe  }
0x54: {  	s18 =	spop (v2sf)  }
0x55: {  	s19 =	sshll.u32 s18, $0xD;
	s14 =	sshll.u32 s18, $0x7  }
0x56: {  	s17 =	sand.u32 $0xFFFF0000, s19;
	s14 =	sand.u32 $0x380, s14  }
0x57: {  	s14 =	sor.u32 s14, s17  }
0x58: {  	s14 =	sshrl.u32 s14, $0x3  }
0x59: {  	s21 =	simm.s32 $0x3100;
	s14 =	sadd.s32 s3, s14  }
0x5a: {  	[tilespmem:s21], [sflag:$0x1] =	stream.strided.gather [hbm4b:s14+s30], $0x2000, s31, s30, $0x38;
	[tilespmem:$0x1D100] =	vst v63  }
0x5b: {  	v3 =	vld [tilespmem:$0x1002];
	_ =	sdelay $0x4  }
0x5c: {  	(v2sf) =	vpush v3, $0x0;
	_ =	sdelay $0xe  }
0x5d: {  	s29 =	spop (v2sf)  }
0x5e: {  	s2 =	sshll.u32 s29, $0xD;
	s14 =	sshll.u32 s29, $0x7  }
0x5f: {  	s17 =	sand.u32 $0xFFFF0000, s2;
	s14 =	sand.u32 $0x380, s14  }
0x60: {  	s14 =	sor.u32 s14, s17  }
0x61: {  	s14 =	sshrl.u32 s14, $0x3  }
0x62: {  	s17 =	simm.s32 $0x5100;
	s14 =	sadd.s32 s3, s14  }
0x63: {  	[tilespmem:s17], [sflag:$0x1] =	stream.strided.gather [hbm4b:s14+s30], $0x2000, s31, s30, $0x38;
	[tilespmem:$0x1D100] =	vst v63  }
0x64: {  	v3 =	vld [tilespmem:$0x1003];
	_ =	sdelay $0x4  }
0x65: {  	(v2sf) =	vpush v3, $0x0;
	_ =	sdelay $0xe  }
0x66: {  	s18 =	spop (v2sf)  }
0x67: {  	s19 =	sshll.u32 s18, $0xD;
	s14 =	sshll.u32 s18, $0x7  }
0x68: {  	s17 =	sand.u32 $0xFFFF0000, s19;
	s14 =	sand.u32 $0x380, s14  }
0x69: {  	s14 =	sor.u32 s14, s17  }
0x6a: {  	s14 =	sshrl.u32 s14, $0x3  }
0x6b: {  	s21 =	simm.s32 $0x7100;
	s14 =	sadd.s32 s3, s14  }
0x6c: {  	[tilespmem:s21], [sflag:$0x1] =	stream.strided.gather [hbm4b:s14+s30], $0x2000, s31, s30, $0x38;
	[tilespmem:$0x1D100] =	vst v63  }
0x6d: {  	v3 =	vld [tilespmem:$0x1004];
	_ =	sdelay $0x4  }
0x6e: {  	(v2sf) =	vpush v3, $0x0;
	_ =	sdelay $0xe  }
0x6f: {  	s29 =	spop (v2sf)  }
0x70: {  	s2 =	sshll.u32 s29, $0xD;
	s14 =	sshll.u32 s29, $0x7  }
0x71: {  	s17 =	sand.u32 $0xFFFF0000, s2;
	s14 =	sand.u32 $0x380, s14  }
0x72: {  	s14 =	sor.u32 s14, s17  }
0x73: {  	s14 =	sshrl.u32 s14, $0x3  }
0x74: {  	s17 =	simm.s32 $0x9100;
	s14 =	sadd.s32 s3, s14  }
0x75: {  	[tilespmem:s17], [sflag:$0x2] =	stream.strided.gather [hbm4b:s14+s30], $0x2000, s31, s30, $0x38;
	[tilespmem:$0x1D100] =	vst v63  }
0x76: {  	v3 =	vld [tilespmem:$0x1005];
	_ =	sdelay $0x4  }
0x77: {  	(v2sf) =	vpush v3, $0x0;
	_ =	sdelay $0xe  }
0x78: {  	s18 =	spop (v2sf)  }
0x79: {  	s19 =	sshll.u32 s18, $0xD;
	s14 =	sshll.u32 s18, $0x7  }
0x7a: {  	s17 =	sand.u32 $0xFFFF0000, s19;
	s14 =	sand.u32 $0x380, s14  }
0x7b: {  	s14 =	sor.u32 s14, s17  }
0x7c: {  	s14 =	sshrl.u32 s14, $0x3  }
0x7d: {  	s21 =	simm.s32 $0xB100;
	s14 =	sadd.s32 s3, s14  }
0x7e: {  	[tilespmem:s21], [sflag:$0x2] =	stream.strided.gather [hbm4b:s14+s30], $0x2000, s31, s30, $0x38;
	[tilespmem:$0x1D100] =	vst v63  }
0x7f: {  	v3 =	vld [tilespmem:$0x1006];
	_ =	sdelay $0x4  }
0x80: {  	(v2sf) =	vpush v3, $0x0;
	_ =	sdelay $0xe  }
0x81: {  	s29 =	spop (v2sf)  }
0x82: {  	s2 =	sshll.u32 s29, $0xD;
	s14 =	sshll.u32 s29, $0x7  }
0x83: {  	s17 =	sand.u32 $0xFFFF0000, s2;
	s14 =	sand.u32 $0x380, s14  }
0x84: {  	s14 =	sor.u32 s14, s17  }
0x85: {  	s14 =	sshrl.u32 s14, $0x3  }
0x86: {  	s18 =	simm.s32 $0xD100;
	s14 =	sadd.s32 s3, s14  }
0x87: {  	[tilespmem:s18], [sflag:$0x2] =	stream.strided.gather [hbm4b:s14+s30], $0x2000, s31, s30, $0x38;
	[tilespmem:$0x1D100] =	vst v63  }
0x88: {  	v3 =	vld [tilespmem:$0x1007];
	_ =	sdelay $0x4  }
0x89: {  	(v2sf) =	vpush v3, $0x0;
	_ =	sdelay $0xe  }
0x8a: {  	s19 =	spop (v2sf)  }
0x8b: {  	s21 =	sshll.u32 s19, $0xD;
	s14 =	sshll.u32 s19, $0x7  }
0x8c: {  	s17 =	sand.u32 $0xFFFF0000, s21;
	s14 =	sand.u32 $0x380, s14  }
0x8d: {  	s14 =	sor.u32 s14, s17  }
0x8e: {  	s14 =	sshrl.u32 s14, $0x3  }
0x8f: {  	s29 =	simm.s32 $0xF100;
	s21 =	simm.s32 $0x0;
	s14 =	sadd.s32 s3, s14  }
0x90: {  	[tilespmem:s29], [sflag:$0x2] =	stream.strided.gather [hbm4b:s14+s30], $0x2000, s31, s30, $0x38;
	[tilespmem:$0x1D100] =	vst v63  }
.LBB2_2:
0x91: {  	_ =	swait.ge [sflag:s1], $0x2000  }
0x92: {  	[sflag:s1] =	ssyncset.done $0x0  }
0x93: {  	[sflag:s1] =	ssyncadd.s32 $0xFFFFE000  }
0x94: {  	_ =	swait.ge [sflag:s1], $0x2000  }
0x95: {  	[sflag:s1] =	ssyncset.done $0x0  }
0x96: {  	[sflag:s1] =	ssyncadd.s32 $0xFFFFE000  }
0x97: {  	_ =	swait.ge [sflag:s1], $0x2000  }
0x98: {  	[sflag:s1] =	ssyncset.done $0x0  }
0x99: {  	[sflag:s1] =	ssyncadd.s32 $0xFFFFE000  }
0x9a: {  	_ =	swait.ge [sflag:s1], $0x2000  }
0x9b: {  	p1 =	seq.s32 s21, $0x0;
	[sflag:s1] =	ssyncset.done $0x0  }
0x9c: {  	s14 =	simm.s32 @!p1 $0x3;
	[sflag:s1] =	ssyncadd.s32 $0xFFFFE000  }
0x9d: {  	_ =	swait.ge @!p1 [sflag:s14], $0x1000  }
0x9e: {  	[sflag:s14] =	ssyncset.done @!p1 $0x0  }
0x9f: {  	[sflag:s14] =	ssyncadd.s32 @!p1 $0xFFFFF000  }
0xa0: {  	_ =	swait.ge @!p1 [sflag:s14], $0x1000  }
0xa1: {  	[sflag:s14] =	ssyncset.done @!p1 $0x0  }
0xa2: {  	[sflag:s14] =	ssyncadd.s32 @!p1 $0xFFFFF000  }
0xa3: {  	_ =	swait.ge @!p1 [sflag:s14], $0x1000  }
0xa4: {  	[sflag:s14] =	ssyncset.done @!p1 $0x0  }
0xa5: {  	[sflag:s14] =	ssyncadd.s32 @!p1 $0xFFFFF000  }
0xa6: {  	_ =	swait.ge @!p1 [sflag:s14], $0x1000  }
0xa7: {  	s18 =	sshll.u32 s21, $0x3;
	s17 =	simm.s32 $0x13100;
	[sflag:s14] =	ssyncset.done @!p1 $0x0  }
0xa8: {  	s19 =	simm.s32 $0x40;
	[sflag:s14] =	ssyncadd.s32 @!p1 $0xFFFFF000;
	s14 =	simm.s32 $0xFFFFFFF8  }
.LBB2_3:
0xa9: {  	v3 =	vld [tilespmem:s19+$0xFFFFFFC0];
	_ =	sdelay $0x7  }
0xaa: {  	v4 =	vld.idx.msk [tilespmem:v3+s0+$0x0], $0xffff  }
0xab: {  	v5 =	vadd.s32 $0x2000, v3;
	_ =	sdelay $0x3  }
0xac: {  	[tilespmem:s17+$0xFFFFE000] =	vst v4  }
0xad: {  	v4 =	vld.idx.msk [tilespmem:v5+s0+$0x0], $0xffff  }
0xae: {  	v49 =	vadd.s32 $0x4000, v3;
	_ =	sdelay $0x3  }
0xaf: {  	[tilespmem:s17+$0xFFFFF000] =	vst v4  }
0xb0: {  	v4 =	vld.idx.msk [tilespmem:v49+s0+$0x0], $0xffff  }
0xb1: {  	v3 =	vadd.s32 $0x6000, v3;
	_ =	sdelay $0x3  }
0xb2: {  	[tilespmem:s17+$0x0] =	vst v4  }
0xb3: {  	v3 =	vld.idx.msk [tilespmem:v3+s0+$0x0], $0xffff;
	_ =	sdelay $0x4  }
0xb4: {  	[tilespmem:s17+$0x1000] =	vst v3  }
0xb5: {  	v3 =	vld [tilespmem:s19+$0xFFFFFFD0];
	_ =	sdelay $0x7  }
0xb6: {  	v4 =	vld.idx.msk [tilespmem:v3+s0+$0x0], $0xffff  }
0xb7: {  	v50 =	vadd.s32 $0x2000, v3;
	_ =	sdelay $0x3  }
0xb8: {  	[tilespmem:s17+$0xFFFFE010] =	vst v4  }
0xb9: {  	v4 =	vld.idx.msk [tilespmem:v50+s0+$0x0], $0xffff  }
0xba: {  	v51 =	vadd.s32 $0x4000, v3;
	_ =	sdelay $0x3  }
0xbb: {  	[tilespmem:s17+$0xFFFFF010] =	vst v4  }
0xbc: {  	v4 =	vld.idx.msk [tilespmem:v51+s0+$0x0], $0xffff  }
0xbd: {  	v3 =	vadd.s32 $0x6000, v3;
	_ =	sdelay $0x3  }
0xbe: {  	[tilespmem:s17+$0x10] =	vst v4  }
0xbf: {  	v3 =	vld.idx.msk [tilespmem:v3+s0+$0x0], $0xffff;
	_ =	sdelay $0x4  }
0xc0: {  	[tilespmem:s17+$0x1010] =	vst v3  }
0xc1: {  	v3 =	vld [tilespmem:s19+$0xFFFFFFE0];
	_ =	sdelay $0x7  }
0xc2: {  	v4 =	vld.idx.msk [tilespmem:v3+s0+$0x0], $0xffff  }
0xc3: {  	v52 =	vadd.s32 $0x2000, v3;
	_ =	sdelay $0x3  }
0xc4: {  	[tilespmem:s17+$0xFFFFE020] =	vst v4  }
0xc5: {  	v4 =	vld.idx.msk [tilespmem:v52+s0+$0x0], $0xffff  }
0xc6: {  	v53 =	vadd.s32 $0x4000, v3;
	_ =	sdelay $0x3  }
0xc7: {  	[tilespmem:s17+$0xFFFFF020] =	vst v4  }
0xc8: {  	v4 =	vld.idx.msk [tilespmem:v53+s0+$0x0], $0xffff  }
0xc9: {  	v3 =	vadd.s32 $0x6000, v3;
	_ =	sdelay $0x3  }
0xca: {  	[tilespmem:s17+$0x20] =	vst v4  }
0xcb: {  	v3 =	vld.idx.msk [tilespmem:v3+s0+$0x0], $0xffff;
	_ =	sdelay $0x4  }
0xcc: {  	[tilespmem:s17+$0x1020] =	vst v3  }
0xcd: {  	v3 =	vld [tilespmem:s19+$0xFFFFFFF0];
	_ =	sdelay $0x7  }
0xce: {  	v4 =	vld.idx.msk [tilespmem:v3+s0+$0x0], $0xffff  }
0xcf: {  	v54 =	vadd.s32 $0x2000, v3;
	_ =	sdelay $0x3  }
0xd0: {  	[tilespmem:s17+$0xFFFFE030] =	vst v4  }
0xd1: {  	v4 =	vld.idx.msk [tilespmem:v54+s0+$0x0], $0xffff  }
0xd2: {  	v55 =	vadd.s32 $0x4000, v3;
	_ =	sdelay $0x3  }
0xd3: {  	[tilespmem:s17+$0xFFFFF030] =	vst v4  }
0xd4: {  	v4 =	vld.idx.msk [tilespmem:v55+s0+$0x0], $0xffff  }
0xd5: {  	v3 =	vadd.s32 $0x6000, v3;
	_ =	sdelay $0x3  }
0xd6: {  	[tilespmem:s17+$0x30] =	vst v4  }
0xd7: {  	v3 =	vld.idx.msk [tilespmem:v3+s0+$0x0], $0xffff;
	_ =	sdelay $0x4  }
0xd8: {  	[tilespmem:s17+$0x1030] =	vst v3  }
0xd9: {  	v3 =	vld [tilespmem:s19+$0x0];
	_ =	sdelay $0x7  }
0xda: {  	v4 =	vld.idx.msk [tilespmem:v3+s0+$0x0], $0xffff  }
0xdb: {  	v56 =	vadd.s32 $0x2000, v3;
	_ =	sdelay $0x3  }
0xdc: {  	[tilespmem:s17+$0xFFFFE040] =	vst v4  }
0xdd: {  	v4 =	vld.idx.msk [tilespmem:v56+s0+$0x0], $0xffff  }
0xde: {  	v57 =	vadd.s32 $0x4000, v3;
	_ =	sdelay $0x3  }
0xdf: {  	[tilespmem:s17+$0xFFFFF040] =	vst v4  }
0xe0: {  	v4 =	vld.idx.msk [tilespmem:v57+s0+$0x0], $0xffff  }
0xe1: {  	v3 =	vadd.s32 $0x6000, v3;
	_ =	sdelay $0x3  }
0xe2: {  	[tilespmem:s17+$0x40] =	vst v4  }
0xe3: {  	v3 =	vld.idx.msk [tilespmem:v3+s0+$0x0], $0xffff;
	_ =	sdelay $0x4  }
0xe4: {  	[tilespmem:s17+$0x1040] =	vst v3  }
0xe5: {  	v3 =	vld [tilespmem:s19+$0x10];
	_ =	sdelay $0x7  }
0xe6: {  	v4 =	vld.idx.msk [tilespmem:v3+s0+$0x0], $0xffff  }
0xe7: {  	v58 =	vadd.s32 $0x2000, v3;
	_ =	sdelay $0x3  }
0xe8: {  	[tilespmem:s17+$0xFFFFE050] =	vst v4  }
0xe9: {  	v4 =	vld.idx.msk [tilespmem:v58+s0+$0x0], $0xffff  }
0xea: {  	v59 =	vadd.s32 $0x4000, v3;
	_ =	sdelay $0x3  }
0xeb: {  	[tilespmem:s17+$0xFFFFF050] =	vst v4  }
0xec: {  	v4 =	vld.idx.msk [tilespmem:v59+s0+$0x0], $0xffff  }
0xed: {  	v3 =	vadd.s32 $0x6000, v3;
	_ =	sdelay $0x3  }
0xee: {  	[tilespmem:s17+$0x50] =	vst v4  }
0xef: {  	v3 =	vld.idx.msk [tilespmem:v3+s0+$0x0], $0xffff;
	_ =	sdelay $0x4  }
0xf0: {  	[tilespmem:s17+$0x1050] =	vst v3  }
0xf1: {  	v3 =	vld [tilespmem:s19+$0x20];
	_ =	sdelay $0x7  }
0xf2: {  	v4 =	vld.idx.msk [tilespmem:v3+s0+$0x0], $0xffff  }
0xf3: {  	v60 =	vadd.s32 $0x2000, v3;
	_ =	sdelay $0x3  }
0xf4: {  	[tilespmem:s17+$0xFFFFE060] =	vst v4  }
0xf5: {  	v4 =	vld.idx.msk [tilespmem:v60+s0+$0x0], $0xffff  }
0xf6: {  	v61 =	vadd.s32 $0x4000, v3;
	_ =	sdelay $0x3  }
0xf7: {  	[tilespmem:s17+$0xFFFFF060] =	vst v4  }
0xf8: {  	v4 =	vld.idx.msk [tilespmem:v61+s0+$0x0], $0xffff  }
0xf9: {  	v3 =	vadd.s32 $0x6000, v3;
	_ =	sdelay $0x3  }
0xfa: {  	[tilespmem:s17+$0x60] =	vst v4  }
0xfb: {  	v3 =	vld.idx.msk [tilespmem:v3+s0+$0x0], $0xffff;
	_ =	sdelay $0x4  }
0xfc: {  	[tilespmem:s17+$0x1060] =	vst v3  }
0xfd: {  	v3 =	vld [tilespmem:s19+$0x30];
	_ =	sdelay $0x7  }
0xfe: {  	v4 =	vld.idx.msk [tilespmem:v3+s0+$0x0], $0xffff  }
0xff: {  	v62 =	vadd.s32 $0x2000, v3;
	_ =	sdelay $0x3  }
0x100: {  	[tilespmem:s17+$0xFFFFE070] =	vst v4  }
0x101: {  	v4 =	vld.idx.msk [tilespmem:v62+s0+$0x0], $0xffff  }
0x102: {  	v63 =	vadd.s32 $0x4000, v3;
	_ =	sdelay $0x3  }
0x103: {  	[tilespmem:s17+$0xFFFFF070] =	vst v4  }
0x104: {  	v4 =	vld.idx.msk [tilespmem:v63+s0+$0x0], $0xffff  }
0x105: {  	v3 =	vadd.s32 $0x6000, v3;
	_ =	sdelay $0x3  }
0x106: {  	s14 =	sadd.s32 $0x8, s14;
	[tilespmem:s17+$0x70] =	vst v4  }
0x107: {  	p0 =	slt.u32 s14, $0xF8;
	v3 =	vld.idx.msk [tilespmem:v3+s0+$0x0], $0xffff  }
.Ltmp0:
0x108: {  	_ = 	snop;
	(pc) =	sbr.rel @p0 .LBB2_3-.Ltmp0, $2  }
0x109: {  	_ =	sdelay $0x2  }
0x10a: {  	s19 =	sadd.s32 $0x80, s19;
	[tilespmem:s17+$0x1070] =	vst v3;
	s17 =	sadd.s32 $0x80, s17  }
0x10b: {  	p0 =	seq.s32 s21, $0xF  }
0x10c: {  	v3 =	vld @!p0 [tilespmem:s18+$0x1008];
	_ =	sdelay $0x4  }
0x10d: {  	(v2sf) =	vpush @!p0 v3, $0x0;
	_ =	sdelay $0xe  }
0x10e: {  	s14 =	spop @!p0 (v2sf)  }
0x10f: {  	s17 =	sshll.u32 @!p0 s14, $0xD;
	s14 =	sshll.u32 @!p0 s14, $0x7  }
0x110: {  	s17 =	sand.u32 @!p0 $0xFFFF0000, s17;
	s14 =	sand.u32 @!p0 $0x380, s14  }
0x111: {  	s14 =	sor.u32 @!p0 s14, s17  }
0x112: {  	s19 =	simm.s32 @!p0 $0x400;
	s14 =	sshrl.u32 @!p0 s14, $0x3  }
0x113: {  	s29 =	simm.s32 @!p0 $0x1100;
	s17 =	simm.s32 @!p0 $0x80;
	s14 =	sadd.s32 @!p0 s3, s14  }
0x114: {  	[tilespmem:s29], [sflag:$0x1] =	stream.strided.gather @!p0 [hbm4b:s14+s17], $0x2000, s19, s17, $0x38;
	[tilespmem:$0x1D100] =	vst v63  }
0x115: {  	v3 =	vld @!p0 [tilespmem:s18+$0x1009];
	_ =	sdelay $0x4  }
0x116: {  	(v2sf) =	vpush @!p0 v3, $0x0;
	_ =	sdelay $0xe  }
0x117: {  	s14 =	spop @!p0 (v2sf)  }
0x118: {  	s29 =	sshll.u32 @!p0 s14, $0xD;
	s14 =	sshll.u32 @!p0 s14, $0x7  }
0x119: {  	s29 =	sand.u32 @!p0 $0xFFFF0000, s29;
	s14 =	sand.u32 @!p0 $0x380, s14  }
0x11a: {  	s14 =	sor.u32 @!p0 s14, s29  }
0x11b: {  	s14 =	sshrl.u32 @!p0 s14, $0x3  }
0x11c: {  	s29 =	simm.s32 @!p0 $0x3100;
	s14 =	sadd.s32 @!p0 s3, s14  }
0x11d: {  	[tilespmem:s29], [sflag:$0x1] =	stream.strided.gather @!p0 [hbm4b:s14+s17], $0x2000, s19, s17, $0x38;
	[tilespmem:$0x1D100] =	vst v63  }
0x11e: {  	v3 =	vld @!p0 [tilespmem:s18+$0x100A];
	_ =	sdelay $0x4  }
0x11f: {  	(v2sf) =	vpush @!p0 v3, $0x0;
	_ =	sdelay $0xe  }
0x120: {  	s14 =	spop @!p0 (v2sf)  }
0x121: {  	s29 =	sshll.u32 @!p0 s14, $0xD;
	s14 =	sshll.u32 @!p0 s14, $0x7  }
0x122: {  	s29 =	sand.u32 @!p0 $0xFFFF0000, s29;
	s14 =	sand.u32 @!p0 $0x380, s14  }
0x123: {  	s14 =	sor.u32 @!p0 s14, s29  }
0x124: {  	s14 =	sshrl.u32 @!p0 s14, $0x3  }
0x125: {  	s29 =	simm.s32 @!p0 $0x5100;
	s14 =	sadd.s32 @!p0 s3, s14  }
0x126: {  	[tilespmem:s29], [sflag:$0x1] =	stream.strided.gather @!p0 [hbm4b:s14+s17], $0x2000, s19, s17, $0x38;
	[tilespmem:$0x1D100] =	vst v63  }
0x127: {  	v3 =	vld @!p0 [tilespmem:s18+$0x100B];
	_ =	sdelay $0x4  }
0x128: {  	(v2sf) =	vpush @!p0 v3, $0x0;
	_ =	sdelay $0xe  }
0x129: {  	s14 =	spop @!p0 (v2sf)  }
0x12a: {  	s29 =	sshll.u32 @!p0 s14, $0xD;
	s14 =	sshll.u32 @!p0 s14, $0x7  }
0x12b: {  	s29 =	sand.u32 @!p0 $0xFFFF0000, s29;
	s14 =	sand.u32 @!p0 $0x380, s14  }
0x12c: {  	s14 =	sor.u32 @!p0 s14, s29  }
0x12d: {  	s14 =	sshrl.u32 @!p0 s14, $0x3  }
0x12e: {  	s29 =	simm.s32 @!p0 $0x7100;
	s14 =	sadd.s32 @!p0 s3, s14  }
0x12f: {  	[tilespmem:s29], [sflag:$0x1] =	stream.strided.gather @!p0 [hbm4b:s14+s17], $0x2000, s19, s17, $0x38;
	[tilespmem:$0x1D100] =	vst v63  }
0x130: {  	s19 =	sor.u32 s7, s18  }
0x131: {  	s19 =	sshll.u32 s19, $0x9  }
0x132: {  	s2 =	simm.s32 $0x11100;
	s14 =	sadd.s32 s5, s19  }
0x133: {  	[hbm4b:s14+s30] =	stream.strided.scatter [tilespmem:s2], [sflag:$0x3], $0x1000, s31, s30, $0x38;
	[tilespmem:$0x1D100] =	vst v63  }
0x134: {  	s17 =	simm.s32 $0x12100;
	s2 =	sadd.s32 s19, s9  }
0x135: {  	[hbm4b:s2+s30] =	stream.strided.scatter [tilespmem:s17], [sflag:$0x3], $0x1000, s31, s30, $0x38;
	[tilespmem:$0x1D100] =	vst v63  }
0x136: {  	s2 =	sadd.s32 s19, s10  }
0x137: {  	[hbm4b:s2+s30] =	stream.strided.scatter [tilespmem:s22], [sflag:$0x3], $0x1000, s31, s30, $0x38;
	[tilespmem:$0x1D100] =	vst v63  }
0x138: {  	s17 =	sadd.s32 s19, s11  }
0x139: {  	[hbm4b:s17+s30] =	stream.strided.scatter [tilespmem:s8], [sflag:$0x3], $0x1000, s31, s30, $0x38;
	[tilespmem:$0x1D100] =	vst v63  }
0x13a: {  	_ =	swait.ge [sflag:s23], $0x2000  }
0x13b: {  	[sflag:s23] =	ssyncset.done $0x0  }
0x13c: {  	[sflag:s23] =	ssyncadd.s32 $0xFFFFE000  }
0x13d: {  	_ =	swait.ge [sflag:s23], $0x2000  }
0x13e: {  	[sflag:s23] =	ssyncset.done $0x0  }
0x13f: {  	[sflag:s23] =	ssyncadd.s32 $0xFFFFE000  }
0x140: {  	_ =	swait.ge [sflag:s23], $0x2000  }
0x141: {  	[sflag:s23] =	ssyncset.done $0x0  }
0x142: {  	[sflag:s23] =	ssyncadd.s32 $0xFFFFE000  }
0x143: {  	_ =	swait.ge [sflag:s23], $0x2000  }
0x144: {  	[sflag:s23] =	ssyncset.done $0x0  }
0x145: {  	s14 =	simm.s32 @!p1 $0x4;
	[sflag:s23] =	ssyncadd.s32 $0xFFFFE000  }
0x146: {  	_ =	swait.ge @!p1 [sflag:s14], $0x1000  }
0x147: {  	[sflag:s14] =	ssyncset.done @!p1 $0x0  }
0x148: {  	[sflag:s14] =	ssyncadd.s32 @!p1 $0xFFFFF000  }
0x149: {  	_ =	swait.ge @!p1 [sflag:s14], $0x1000  }
0x14a: {  	[sflag:s14] =	ssyncset.done @!p1 $0x0  }
0x14b: {  	[sflag:s14] =	ssyncadd.s32 @!p1 $0xFFFFF000  }
0x14c: {  	_ =	swait.ge @!p1 [sflag:s14], $0x1000  }
0x14d: {  	[sflag:s14] =	ssyncset.done @!p1 $0x0  }
0x14e: {  	[sflag:s14] =	ssyncadd.s32 @!p1 $0xFFFFF000  }
0x14f: {  	_ =	swait.ge @!p1 [sflag:s14], $0x1000  }
0x150: {  	[sflag:s14] =	ssyncset.done @!p1 $0x0  }
0x151: {  	s29 =	simm.s32 $0x0;
	[sflag:s14] =	ssyncadd.s32 @!p1 $0xFFFFF000  }
0x152: {  	v3 =	vld [tilespmem:s29+$0x0];
	_ =	sdelay $0x4  }
0x153: {  	v4 =	vadd.s32 $0x8000, v3;
	_ =	sdelay $0x4  }
0x154: {  	v4 =	vld.idx.msk [tilespmem:v4+s0+$0x0], $0xffff  }
0x155: {  	v5 =	vadd.s32 $0xA000, v3;
	_ =	sdelay $0x3  }
0x156: {  	[tilespmem:s29+$0x15100] =	vst v4  }
0x157: {  	v4 =	vld.idx.msk [tilespmem:v5+s0+$0x0], $0xffff  }
0x158: {  	v5 =	vadd.s32 $0xC000, v3;
	_ =	sdelay $0x3  }
0x159: {  	[tilespmem:s29+$0x16100] =	vst v4  }
0x15a: {  	v4 =	vld.idx.msk [tilespmem:v5+s0+$0x0], $0xffff  }
0x15b: {  	v3 =	vadd.s32 $0xE000, v3  }
0x15c: {  	v5 =	vld [tilespmem:s29+$0x10];
	_ =	sdelay $0x2  }
0x15d: {  	[tilespmem:s29+$0x17100] =	vst v4  }
0x15e: {  	v3 =	vld.idx.msk [tilespmem:v3+s0+$0x0], $0xffff  }
0x15f: {  	v4 =	vadd.s32 $0x8000, v5;
	_ =	sdelay $0x3  }
0x160: {  	[tilespmem:s29+$0x18100] =	vst v3  }
0x161: {  	v3 =	vld.idx.msk [tilespmem:v4+s0+$0x0], $0xffff  }
0x162: {  	v4 =	vadd.s32 $0xA000, v5;
	_ =	sdelay $0x3  }
0x163: {  	[tilespmem:s29+$0x15110] =	vst v3  }
0x164: {  	v3 =	vld.idx.msk [tilespmem:v4+s0+$0x0], $0xffff  }
0x165: {  	v4 =	vadd.s32 $0xC000, v5;
	_ =	sdelay $0x3  }
0x166: {  	[tilespmem:s29+$0x16110] =	vst v3  }
0x167: {  	v3 =	vld.idx.msk [tilespmem:v4+s0+$0x0], $0xffff  }
0x168: {  	v4 =	vadd.s32 $0xE000, v5  }
0x169: {  	v5 =	vld [tilespmem:s29+$0x20];
	_ =	sdelay $0x2  }
0x16a: {  	[tilespmem:s29+$0x17110] =	vst v3  }
0x16b: {  	v3 =	vld.idx.msk [tilespmem:v4+s0+$0x0], $0xffff  }
0x16c: {  	v4 =	vadd.s32 $0x8000, v5;
	_ =	sdelay $0x3  }
0x16d: {  	[tilespmem:s29+$0x18110] =	vst v3  }
0x16e: {  	v3 =	vld.idx.msk [tilespmem:v4+s0+$0x0], $0xffff  }
0x16f: {  	v4 =	vadd.s32 $0xA000, v5;
	_ =	sdelay $0x3  }
0x170: {  	[tilespmem:s29+$0x15120] =	vst v3  }
0x171: {  	v3 =	vld.idx.msk [tilespmem:v4+s0+$0x0], $0xffff  }
0x172: {  	v4 =	vadd.s32 $0xC000, v5;
	_ =	sdelay $0x3  }
0x173: {  	[tilespmem:s29+$0x16120] =	vst v3  }
0x174: {  	v3 =	vld.idx.msk [tilespmem:v4+s0+$0x0], $0xffff  }
0x175: {  	v4 =	vadd.s32 $0xE000, v5  }
0x176: {  	v5 =	vld [tilespmem:s29+$0x30];
	_ =	sdelay $0x2  }
0x177: {  	[tilespmem:s29+$0x17120] =	vst v3  }
0x178: {  	v3 =	vld.idx.msk [tilespmem:v4+s0+$0x0], $0xffff  }
0x179: {  	v4 =	vadd.s32 $0x8000, v5;
	_ =	sdelay $0x3  }
0x17a: {  	[tilespmem:s29+$0x18120] =	vst v3  }
0x17b: {  	v3 =	vld.idx.msk [tilespmem:v4+s0+$0x0], $0xffff  }
0x17c: {  	v4 =	vadd.s32 $0xA000, v5;
	_ =	sdelay $0x3  }
0x17d: {  	[tilespmem:s29+$0x15130] =	vst v3  }
0x17e: {  	v3 =	vld.idx.msk [tilespmem:v4+s0+$0x0], $0xffff  }
0x17f: {  	v4 =	vadd.s32 $0xC000, v5;
	_ =	sdelay $0x3  }
0x180: {  	[tilespmem:s29+$0x16130] =	vst v3  }
0x181: {  	v3 =	vld.idx.msk [tilespmem:v4+s0+$0x0], $0xffff  }
0x182: {  	v4 =	vadd.s32 $0xE000, v5  }
0x183: {  	v5 =	vld [tilespmem:s29+$0x40];
	_ =	sdelay $0x2  }
0x184: {  	[tilespmem:s29+$0x17130] =	vst v3  }
0x185: {  	v3 =	vld.idx.msk [tilespmem:v4+s0+$0x0], $0xffff  }
0x186: {  	v4 =	vadd.s32 $0x8000, v5;
	_ =	sdelay $0x3  }
0x187: {  	[tilespmem:s29+$0x18130] =	vst v3  }
0x188: {  	v3 =	vld.idx.msk [tilespmem:v4+s0+$0x0], $0xffff  }
0x189: {  	v4 =	vadd.s32 $0xA000, v5;
	_ =	sdelay $0x3  }
0x18a: {  	[tilespmem:s29+$0x15140] =	vst v3  }
0x18b: {  	v3 =	vld.idx.msk [tilespmem:v4+s0+$0x0], $0xffff  }
0x18c: {  	v4 =	vadd.s32 $0xC000, v5;
	_ =	sdelay $0x3  }
0x18d: {  	[tilespmem:s29+$0x16140] =	vst v3  }
0x18e: {  	v3 =	vld.idx.msk [tilespmem:v4+s0+$0x0], $0xffff  }
0x18f: {  	v4 =	vadd.s32 $0xE000, v5  }
0x190: {  	v5 =	vld [tilespmem:s29+$0x50];
	_ =	sdelay $0x2  }
0x191: {  	[tilespmem:s29+$0x17140] =	vst v3  }
0x192: {  	v3 =	vld.idx.msk [tilespmem:v4+s0+$0x0], $0xffff  }
0x193: {  	v4 =	vadd.s32 $0x8000, v5;
	_ =	sdelay $0x3  }
0x194: {  	[tilespmem:s29+$0x18140] =	vst v3  }
0x195: {  	v3 =	vld.idx.msk [tilespmem:v4+s0+$0x0], $0xffff  }
0x196: {  	v4 =	vadd.s32 $0xA000, v5;
	_ =	sdelay $0x3  }
0x197: {  	[tilespmem:s29+$0x15150] =	vst v3  }
0x198: {  	v3 =	vld.idx.msk [tilespmem:v4+s0+$0x0], $0xffff  }
0x199: {  	v4 =	vadd.s32 $0xC000, v5;
	_ =	sdelay $0x3  }
0x19a: {  	[tilespmem:s29+$0x16150] =	vst v3  }
0x19b: {  	v3 =	vld.idx.msk [tilespmem:v4+s0+$0x0], $0xffff  }
0x19c: {  	v4 =	vadd.s32 $0xE000, v5  }
0x19d: {  	v5 =	vld [tilespmem:s29+$0x60];
	_ =	sdelay $0x2  }
0x19e: {  	[tilespmem:s29+$0x17150] =	vst v3  }
0x19f: {  	v3 =	vld.idx.msk [tilespmem:v4+s0+$0x0], $0xffff  }
0x1a0: {  	v4 =	vadd.s32 $0x8000, v5;
	_ =	sdelay $0x3  }
0x1a1: {  	[tilespmem:s29+$0x18150] =	vst v3  }
0x1a2: {  	v3 =	vld.idx.msk [tilespmem:v4+s0+$0x0], $0xffff  }
0x1a3: {  	v4 =	vadd.s32 $0xA000, v5;
	_ =	sdelay $0x3  }
0x1a4: {  	[tilespmem:s29+$0x15160] =	vst v3  }
0x1a5: {  	v3 =	vld.idx.msk [tilespmem:v4+s0+$0x0], $0xffff  }
0x1a6: {  	v4 =	vadd.s32 $0xC000, v5;
	_ =	sdelay $0x3  }
0x1a7: {  	[tilespmem:s29+$0x16160] =	vst v3  }
0x1a8: {  	v3 =	vld.idx.msk [tilespmem:v4+s0+$0x0], $0xffff  }
0x1a9: {  	v4 =	vadd.s32 $0xE000, v5  }
0x1aa: {  	v5 =	vld [tilespmem:s29+$0x70];
	_ =	sdelay $0x2  }
0x1ab: {  	[tilespmem:s29+$0x17160] =	vst v3  }
0x1ac: {  	v3 =	vld.idx.msk [tilespmem:v4+s0+$0x0], $0xffff  }
0x1ad: {  	v4 =	vadd.s32 $0x8000, v5;
	_ =	sdelay $0x3  }
0x1ae: {  	[tilespmem:s29+$0x18160] =	vst v3  }
0x1af: {  	v3 =	vld.idx.msk [tilespmem:v4+s0+$0x0], $0xffff  }
0x1b0: {  	v4 =	vadd.s32 $0xA000, v5;
	_ =	sdelay $0x3  }
0x1b1: {  	[tilespmem:s29+$0x15170] =	vst v3  }
0x1b2: {  	v3 =	vld.idx.msk [tilespmem:v4+s0+$0x0], $0xffff  }
0x1b3: {  	v4 =	vadd.s32 $0xC000, v5;
	_ =	sdelay $0x3  }
0x1b4: {  	[tilespmem:s29+$0x16170] =	vst v3  }
0x1b5: {  	v3 =	vld.idx.msk [tilespmem:v4+s0+$0x0], $0xffff  }
0x1b6: {  	s17 =	simm.s32 $0x0;
	s14 =	simm.s32 $0x200;
	v4 =	vadd.s32 $0xE000, v5  }
.LBB2_5:
0x1b7: {  	s2 =	sshra.s32 s14, $0x2;
	s17 =	sadd.s32 $0x8, s17  }
0x1b8: {  	v5 =	vld [tilespmem:s2+$0x0];
	p1 =	slt.u32 s17, $0xF8;
	_ =	sdelay $0x1  }
0x1b9: {  	[tilespmem:s29+$0x17170] =	vst v3  }
0x1ba: {  	v3 =	vld.idx.msk [tilespmem:v4+s0+$0x0], $0xffff;
	_ =	sdelay $0x1  }
0x1bb: {  	v4 =	vadd.s32 $0x8000, v5;
	_ =	sdelay $0x3  }
0x1bc: {  	[tilespmem:s29+$0x18170] =	vst v3;
	s29 =	smov.u32 s2  }
0x1bd: {  	v3 =	vld.idx.msk [tilespmem:v4+s0+$0x0], $0xffff;
	_ =	sdelay $0x1  }
0x1be: {  	v4 =	vadd.s32 $0xA000, v5;
	_ =	sdelay $0x3  }
0x1bf: {  	[tilespmem:s29+$0x15100] =	vst v3  }
0x1c0: {  	v3 =	vld.idx.msk [tilespmem:v4+s0+$0x0], $0xffff;
	_ =	sdelay $0x1  }
0x1c1: {  	v4 =	vadd.s32 $0xC000, v5;
	_ =	sdelay $0x3  }
0x1c2: {  	[tilespmem:s29+$0x16100] =	vst v3  }
0x1c3: {  	v3 =	vld.idx.msk [tilespmem:v4+s0+$0x0], $0xffff;
	_ =	sdelay $0x1  }
0x1c4: {  	v4 =	vadd.s32 $0xE000, v5;
	_ =	sdelay $0x1  }
0x1c5: {  	v5 =	vld [tilespmem:s29+$0x10];
	_ =	sdelay $0x1  }
0x1c6: {  	[tilespmem:s29+$0x17100] =	vst v3  }
0x1c7: {  	v3 =	vld.idx.msk [tilespmem:v4+s0+$0x0], $0xffff;
	_ =	sdelay $0x1  }
0x1c8: {  	v4 =	vadd.s32 $0x8000, v5;
	_ =	sdelay $0x3  }
0x1c9: {  	[tilespmem:s29+$0x18100] =	vst v3  }
0x1ca: {  	v3 =	vld.idx.msk [tilespmem:v4+s0+$0x0], $0xffff;
	_ =	sdelay $0x1  }
0x1cb: {  	v4 =	vadd.s32 $0xA000, v5;
	_ =	sdelay $0x3  }
0x1cc: {  	[tilespmem:s29+$0x15110] =	vst v3  }
0x1cd: {  	v3 =	vld.idx.msk [tilespmem:v4+s0+$0x0], $0xffff;
	_ =	sdelay $0x1  }
0x1ce: {  	v4 =	vadd.s32 $0xC000, v5;
	_ =	sdelay $0x3  }
0x1cf: {  	[tilespmem:s29+$0x16110] =	vst v3  }
0x1d0: {  	v3 =	vld.idx.msk [tilespmem:v4+s0+$0x0], $0xffff;
	_ =	sdelay $0x1  }
0x1d1: {  	v4 =	vadd.s32 $0xE000, v5;
	_ =	sdelay $0x1  }
0x1d2: {  	v5 =	vld [tilespmem:s29+$0x20];
	_ =	sdelay $0x1  }
0x1d3: {  	[tilespmem:s29+$0x17110] =	vst v3  }
0x1d4: {  	v3 =	vld.idx.msk [tilespmem:v4+s0+$0x0], $0xffff;
	_ =	sdelay $0x1  }
0x1d5: {  	v4 =	vadd.s32 $0x8000, v5;
	_ =	sdelay $0x3  }
0x1d6: {  	[tilespmem:s29+$0x18110] =	vst v3  }
0x1d7: {  	v3 =	vld.idx.msk [tilespmem:v4+s0+$0x0], $0xffff;
	_ =	sdelay $0x1  }
0x1d8: {  	v4 =	vadd.s32 $0xA000, v5;
	_ =	sdelay $0x3  }
0x1d9: {  	[tilespmem:s29+$0x15120] =	vst v3  }
0x1da: {  	v3 =	vld.idx.msk [tilespmem:v4+s0+$0x0], $0xffff;
	_ =	sdelay $0x1  }
0x1db: {  	v4 =	vadd.s32 $0xC000, v5;
	_ =	sdelay $0x3  }
0x1dc: {  	[tilespmem:s29+$0x16120] =	vst v3  }
0x1dd: {  	v3 =	vld.idx.msk [tilespmem:v4+s0+$0x0], $0xffff;
	_ =	sdelay $0x1  }
0x1de: {  	v4 =	vadd.s32 $0xE000, v5;
	_ =	sdelay $0x1  }
0x1df: {  	v5 =	vld [tilespmem:s29+$0x30];
	_ =	sdelay $0x1  }
0x1e0: {  	[tilespmem:s29+$0x17120] =	vst v3  }
0x1e1: {  	v3 =	vld.idx.msk [tilespmem:v4+s0+$0x0], $0xffff;
	_ =	sdelay $0x1  }
0x1e2: {  	v4 =	vadd.s32 $0x8000, v5;
	_ =	sdelay $0x3  }
0x1e3: {  	[tilespmem:s29+$0x18120] =	vst v3  }
0x1e4: {  	v3 =	vld.idx.msk [tilespmem:v4+s0+$0x0], $0xffff;
	_ =	sdelay $0x1  }
0x1e5: {  	v4 =	vadd.s32 $0xA000, v5;
	_ =	sdelay $0x3  }
0x1e6: {  	[tilespmem:s29+$0x15130] =	vst v3  }
0x1e7: {  	v3 =	vld.idx.msk [tilespmem:v4+s0+$0x0], $0xffff;
	_ =	sdelay $0x1  }
0x1e8: {  	v4 =	vadd.s32 $0xC000, v5;
	_ =	sdelay $0x3  }
0x1e9: {  	[tilespmem:s29+$0x16130] =	vst v3  }
0x1ea: {  	v3 =	vld.idx.msk [tilespmem:v4+s0+$0x0], $0xffff;
	_ =	sdelay $0x1  }
0x1eb: {  	v4 =	vadd.s32 $0xE000, v5;
	_ =	sdelay $0x1  }
0x1ec: {  	v5 =	vld [tilespmem:s29+$0x40];
	_ =	sdelay $0x1  }
0x1ed: {  	[tilespmem:s29+$0x17130] =	vst v3  }
0x1ee: {  	v3 =	vld.idx.msk [tilespmem:v4+s0+$0x0], $0xffff;
	_ =	sdelay $0x1  }
0x1ef: {  	v4 =	vadd.s32 $0x8000, v5;
	_ =	sdelay $0x3  }
0x1f0: {  	[tilespmem:s29+$0x18130] =	vst v3  }
0x1f1: {  	v3 =	vld.idx.msk [tilespmem:v4+s0+$0x0], $0xffff;
	_ =	sdelay $0x1  }
0x1f2: {  	v4 =	vadd.s32 $0xA000, v5;
	_ =	sdelay $0x3  }
0x1f3: {  	[tilespmem:s29+$0x15140] =	vst v3  }
0x1f4: {  	v3 =	vld.idx.msk [tilespmem:v4+s0+$0x0], $0xffff;
	_ =	sdelay $0x1  }
0x1f5: {  	v4 =	vadd.s32 $0xC000, v5;
	_ =	sdelay $0x3  }
0x1f6: {  	[tilespmem:s29+$0x16140] =	vst v3  }
0x1f7: {  	v3 =	vld.idx.msk [tilespmem:v4+s0+$0x0], $0xffff;
	_ =	sdelay $0x1  }
0x1f8: {  	v4 =	vadd.s32 $0xE000, v5;
	_ =	sdelay $0x1  }
0x1f9: {  	v5 =	vld [tilespmem:s29+$0x50];
	_ =	sdelay $0x1  }
0x1fa: {  	[tilespmem:s29+$0x17140] =	vst v3  }
0x1fb: {  	v3 =	vld.idx.msk [tilespmem:v4+s0+$0x0], $0xffff;
	_ =	sdelay $0x1  }
0x1fc: {  	v4 =	vadd.s32 $0x8000, v5;
	_ =	sdelay $0x3  }
0x1fd: {  	[tilespmem:s29+$0x18140] =	vst v3  }
0x1fe: {  	v3 =	vld.idx.msk [tilespmem:v4+s0+$0x0], $0xffff;
	_ =	sdelay $0x1  }
0x1ff: {  	v4 =	vadd.s32 $0xA000, v5;
	_ =	sdelay $0x3  }
0x200: {  	[tilespmem:s29+$0x15150] =	vst v3  }
0x201: {  	v3 =	vld.idx.msk [tilespmem:v4+s0+$0x0], $0xffff;
	_ =	sdelay $0x1  }
0x202: {  	v4 =	vadd.s32 $0xC000, v5;
	_ =	sdelay $0x3  }
0x203: {  	[tilespmem:s29+$0x16150] =	vst v3  }
0x204: {  	v3 =	vld.idx.msk [tilespmem:v4+s0+$0x0], $0xffff;
	_ =	sdelay $0x1  }
0x205: {  	v4 =	vadd.s32 $0xE000, v5;
	_ =	sdelay $0x1  }
0x206: {  	v5 =	vld [tilespmem:s29+$0x60];
	_ =	sdelay $0x1  }
0x207: {  	[tilespmem:s29+$0x17150] =	vst v3  }
0x208: {  	v3 =	vld.idx.msk [tilespmem:v4+s0+$0x0], $0xffff;
	_ =	sdelay $0x1  }
0x209: {  	v4 =	vadd.s32 $0x8000, v5;
	_ =	sdelay $0x3  }
0x20a: {  	[tilespmem:s29+$0x18150] =	vst v3  }
0x20b: {  	v3 =	vld.idx.msk [tilespmem:v4+s0+$0x0], $0xffff;
	_ =	sdelay $0x1  }
0x20c: {  	v4 =	vadd.s32 $0xA000, v5;
	_ =	sdelay $0x3  }
0x20d: {  	[tilespmem:s29+$0x15160] =	vst v3  }
0x20e: {  	v3 =	vld.idx.msk [tilespmem:v4+s0+$0x0], $0xffff;
	_ =	sdelay $0x1  }
0x20f: {  	v4 =	vadd.s32 $0xC000, v5;
	_ =	sdelay $0x3  }
0x210: {  	[tilespmem:s29+$0x16160] =	vst v3  }
0x211: {  	v3 =	vld.idx.msk [tilespmem:v4+s0+$0x0], $0xffff;
	_ =	sdelay $0x1  }
0x212: {  	v4 =	vadd.s32 $0xE000, v5;
	_ =	sdelay $0x1  }
0x213: {  	v5 =	vld [tilespmem:s29+$0x70];
	_ =	sdelay $0x1  }
0x214: {  	[tilespmem:s29+$0x17160] =	vst v3  }
0x215: {  	v3 =	vld.idx.msk [tilespmem:v4+s0+$0x0], $0xffff;
	_ =	sdelay $0x1  }
0x216: {  	v4 =	vadd.s32 $0x8000, v5;
	_ =	sdelay $0x3  }
0x217: {  	[tilespmem:s29+$0x18160] =	vst v3  }
0x218: {  	v3 =	vld.idx.msk [tilespmem:v4+s0+$0x0], $0xffff;
	_ =	sdelay $0x1  }
0x219: {  	v4 =	vadd.s32 $0xA000, v5;
	_ =	sdelay $0x3  }
0x21a: {  	[tilespmem:s29+$0x15170] =	vst v3  }
0x21b: {  	v3 =	vld.idx.msk [tilespmem:v4+s0+$0x0], $0xffff;
	_ =	sdelay $0x1  }
0x21c: {  	v4 =	vadd.s32 $0xC000, v5;
	_ =	sdelay $0x2  }
.Ltmp1:
0x21d: {  	(pc) =	sbr.rel @p1 .LBB2_5-.Ltmp1, $3  }
0x21e: {  	[tilespmem:s29+$0x16170] =	vst v3  }
0x21f: {  	v3 =	vld.idx.msk [tilespmem:v4+s0+$0x0], $0xffff;
	_ =	sdelay $0x1  }
0x220: {  	s14 =	sadd.s32 $0x200, s14;
	v4 =	vadd.s32 $0xE000, v5  }
0x221: {  	_ =	sdelay $0x2  }
0x222: {  	[tilespmem:s29+$0x17170] =	vst v3  }
0x223: {  	v3 =	vld.idx.msk [tilespmem:v4+s0+$0x0], $0xffff;
	_ =	sdelay $0x4  }
0x224: {  	[tilespmem:s29+$0x18170] =	vst v3  }
0x225: {  	v3 =	vld @!p0 [tilespmem:s18+$0x100C];
	_ =	sdelay $0x4  }
0x226: {  	(v2sf) =	vpush @!p0 v3, $0x0;
	_ =	sdelay $0xe  }
0x227: {  	s2 =	spop @!p0 (v2sf)  }
0x228: {  	s14 =	sshll.u32 @!p0 s2, $0xD;
	s2 =	sshll.u32 @!p0 s2, $0x7  }
0x229: {  	s14 =	sand.u32 @!p0 $0xFFFF0000, s14;
	s2 =	sand.u32 @!p0 $0x380, s2  }
0x22a: {  	s2 =	sor.u32 @!p0 s2, s14  }
0x22b: {  	s17 =	simm.s32 @!p0 $0x400;
	s2 =	sshrl.u32 @!p0 s2, $0x3  }
0x22c: {  	s29 =	simm.s32 @!p0 $0x9100;
	s14 =	simm.s32 @!p0 $0x80;
	s2 =	sadd.s32 @!p0 s3, s2  }
0x22d: {  	[tilespmem:s29], [sflag:$0x2] =	stream.strided.gather @!p0 [hbm4b:s2+s14], $0x2000, s17, s14, $0x38;
	[tilespmem:$0x1D100] =	vst v63  }
0x22e: {  	v3 =	vld @!p0 [tilespmem:s18+$0x100D];
	_ =	sdelay $0x4  }
0x22f: {  	(v2sf) =	vpush @!p0 v3, $0x0;
	_ =	sdelay $0xe  }
0x230: {  	s2 =	spop @!p0 (v2sf)  }
0x231: {  	s29 =	sshll.u32 @!p0 s2, $0xD;
	s2 =	sshll.u32 @!p0 s2, $0x7  }
0x232: {  	s29 =	sand.u32 @!p0 $0xFFFF0000, s29;
	s2 =	sand.u32 @!p0 $0x380, s2  }
0x233: {  	s2 =	sor.u32 @!p0 s2, s29  }
0x234: {  	s2 =	sshrl.u32 @!p0 s2, $0x3  }
0x235: {  	s29 =	simm.s32 @!p0 $0xB100;
	s2 =	sadd.s32 @!p0 s3, s2  }
0x236: {  	[tilespmem:s29], [sflag:$0x2] =	stream.strided.gather @!p0 [hbm4b:s2+s14], $0x2000, s17, s14, $0x38;
	[tilespmem:$0x1D100] =	vst v63  }
0x237: {  	v3 =	vld @!p0 [tilespmem:s18+$0x100E];
	_ =	sdelay $0x4  }
0x238: {  	(v2sf) =	vpush @!p0 v3, $0x0;
	_ =	sdelay $0xe  }
0x239: {  	s2 =	spop @!p0 (v2sf)  }
0x23a: {  	s29 =	sshll.u32 @!p0 s2, $0xD;
	s2 =	sshll.u32 @!p0 s2, $0x7  }
0x23b: {  	s29 =	sand.u32 @!p0 $0xFFFF0000, s29;
	s2 =	sand.u32 @!p0 $0x380, s2  }
0x23c: {  	s2 =	sor.u32 @!p0 s2, s29  }
0x23d: {  	s2 =	sshrl.u32 @!p0 s2, $0x3  }
0x23e: {  	s29 =	simm.s32 @!p0 $0xD100;
	s2 =	sadd.s32 @!p0 s3, s2  }
0x23f: {  	[tilespmem:s29], [sflag:$0x2] =	stream.strided.gather @!p0 [hbm4b:s2+s14], $0x2000, s17, s14, $0x38;
	[tilespmem:$0x1D100] =	vst v63  }
0x240: {  	v3 =	vld @!p0 [tilespmem:s18+$0x100F];
	_ =	sdelay $0x4  }
0x241: {  	(v2sf) =	vpush @!p0 v3, $0x0;
	_ =	sdelay $0xe  }
0x242: {  	s2 =	spop @!p0 (v2sf)  }
0x243: {  	s18 =	sshll.u32 @!p0 s2, $0xD;
	s2 =	sshll.u32 @!p0 s2, $0x7  }
0x244: {  	s18 =	sand.u32 @!p0 $0xFFFF0000, s18;
	s2 =	sand.u32 @!p0 $0x380, s2  }
0x245: {  	s2 =	sor.u32 @!p0 s2, s18  }
0x246: {  	s2 =	sshrl.u32 @!p0 s2, $0x3  }
0x247: {  	s18 =	simm.s32 @!p0 $0xF100;
	s2 =	sadd.s32 @!p0 s3, s2  }
0x248: {  	[tilespmem:s18], [sflag:$0x2] =	stream.strided.gather @!p0 [hbm4b:s2+s14], $0x2000, s17, s14, $0x38;
	[tilespmem:$0x1D100] =	vst v63  }
0x249: {  	s21 =	sadd.s32 $0x1, s21;
	s14 =	sadd.s32 s19, s12  }
0x24a: {  	[hbm4b:s14+s30] =	stream.strided.scatter [tilespmem:s24], [sflag:$0x4], $0x1000, s31, s30, $0x38;
	[tilespmem:$0x1D100] =	vst v63  }
0x24b: {  	s17 =	sadd.s32 s19, s13;
	p0 =	sne.s32 s21, $0x10  }
0x24c: {  	[hbm4b:s17+s30] =	stream.strided.scatter [tilespmem:s25], [sflag:$0x4], $0x1000, s31, s30, $0x38;
	[tilespmem:$0x1D100] =	vst v63  }
.Ltmp2:
0x24d: {  	_ = 	snop;
	(pc) =	sbr.rel @p0 .LBB2_2-.Ltmp2, $4  }
0x24e: {  	s18 =	sadd.s32 s19, s15  }
0x24f: {  	[hbm4b:s18+s30] =	stream.strided.scatter [tilespmem:s26], [sflag:$0x4], $0x1000, s31, s30, $0x38;
	[tilespmem:$0x1D100] =	vst v63  }
0x250: {  	s29 =	sadd.s32 s19, s16  }
0x251: {  	[hbm4b:s29+s30] =	stream.strided.scatter [tilespmem:s28], [sflag:$0x4], $0x1000, s31, s30, $0x38;
	[tilespmem:$0x1D100] =	vst v63  }
0x252: {  	s2 =	simm.s32 $0x3  }
0x253: {  	_ =	swait.ge [sflag:s2], $0x1000  }
0x254: {  	[sflag:s2] =	ssyncset.done $0x0  }
0x255: {  	[sflag:s2] =	ssyncadd.s32 $0xFFFFF000  }
0x256: {  	_ =	swait.ge [sflag:s2], $0x1000  }
0x257: {  	[sflag:s2] =	ssyncset.done $0x0  }
0x258: {  	[sflag:s2] =	ssyncadd.s32 $0xFFFFF000  }
0x259: {  	_ =	swait.ge [sflag:s2], $0x1000  }
0x25a: {  	[sflag:s2] =	ssyncset.done $0x0  }
0x25b: {  	[sflag:s2] =	ssyncadd.s32 $0xFFFFF000  }
0x25c: {  	_ =	swait.ge [sflag:s2], $0x1000  }
0x25d: {  	[sflag:s2] =	ssyncset.done $0x0  }
0x25e: {  	s19 =	simm.s32 $0x4;
	[sflag:s2] =	ssyncadd.s32 $0xFFFFF000  }
0x25f: {  	_ =	swait.ge [sflag:s19], $0x1000  }
0x260: {  	[sflag:s19] =	ssyncset.done $0x0  }
0x261: {  	[sflag:s19] =	ssyncadd.s32 $0xFFFFF000  }
0x262: {  	_ =	swait.ge [sflag:s19], $0x1000  }
0x263: {  	[sflag:s19] =	ssyncset.done $0x0  }
0x264: {  	[sflag:s19] =	ssyncadd.s32 $0xFFFFF000  }
0x265: {  	_ =	swait.ge [sflag:s19], $0x1000  }
0x266: {  	[sflag:s19] =	ssyncset.done $0x0  }
0x267: {  	[sflag:s19] =	ssyncadd.s32 $0xFFFFF000  }
0x268: {  	_ =	swait.ge [sflag:s19], $0x1000  }
0x269: {  	[sflag:s19] =	ssyncset.done $0x0  }
0x26a: {  	s17 =	simm.s32 $0x5;
	[sflag:s19] =	ssyncadd.s32 $0xFFFFF000  }
0x26b: {  	_ =	swait.ge [sflag:s17], $0x4000  }
0x26c: {  	s14 =	simm.s32 $0x6;
	[sflag:s17] =	ssyncset.done $0x0  }
0x26d: {  	s19 =	simm.s32 $0x19100;
	s21 =	rddreg [dreg:$0x7];
	[sflag:s17] =	ssyncadd.s32 $0xFFFFC000  }
0x26e: {  	[hbm4b:s21+s6] =	stream.linear.scatter [tilespmem:s19], [sflag:$0x6], $0x4000, $0x38;
	[tilespmem:$0x1D100] =	vst v63  }
0x26f: {  	_ =	swait.ge [sflag:s14], $0x4000  }
0x270: {  	[sflag:s14] =	ssyncset.done $0x0  }
0x271: {  	[sflag:s14] =	ssyncadd.s32 $0xFFFFC000  }
0x272: {  	v3 =	vld [tilespmem:$0x1040];
	_ =	sdelay $0x4  }
0x273: {  	v4 =	vshll.u32 v3, $0x1  }
0x274: {  	v3 =	vand.u32 $0x7, v3;
	v4 =	vand.u32 $0xFFFFFFF0, v4  }
0x275: {  	v3 =	vor.u32 v3, v4  }
0x276: {  	v4 =	vperm.xlane v3, v0;
	_ =	sdelay $0x1  }
0x277: {  	v3 =	vperm.xlane v3, v2;
	v4 =	vadd.s32 v1, v4;
	_ =	sdelay $0x1  }
0x278: {  	v3 =	vadd.s32 v1, v3;
	_ =	sdelay $0x1  }
0x279: {  	s14 =	rddreg [dreg:$0x1]  }
0x27a: {  	[tilespmem:s19], [sflag:$0x5] =	stream.indirect_vreg.gather [hbm4b:s14+s6], $0x80, v4, vm0, $0xb8;
	[tilespmem:$0x1D100] =	vst v63  }
0x27b: {  	s21 =	simm.s32 $0x19900  }
0x27c: {  	[tilespmem:s21], [sflag:$0x5] =	stream.indirect_vreg.gather [hbm4b:s14+s6], $0x80, v3, vm0, $0xb8;
	[tilespmem:$0x1D100] =	vst v63  }
0x27d: {  	v3 =	vld [tilespmem:$0x1050];
	_ =	sdelay $0x4  }
0x27e: {  	v61 =	vshll.u32 v3, $0x1  }
0x27f: {  	v3 =	vand.u32 $0x7, v3;
	v4 =	vand.u32 $0xFFFFFFF0, v61  }
0x280: {  	v3 =	vor.u32 v3, v4  }
0x281: {  	v4 =	vperm.xlane v3, v0;
	_ =	sdelay $0x1  }
0x282: {  	v3 =	vperm.xlane v3, v2;
	v4 =	vadd.s32 v1, v4;
	_ =	sdelay $0x1  }
0x283: {  	v3 =	vadd.s32 v1, v3;
	_ =	sdelay $0x1  }
0x284: {  	s29 =	simm.s32 $0x1A100  }
0x285: {  	[tilespmem:s29], [sflag:$0x5] =	stream.indirect_vreg.gather [hbm4b:s14+s6], $0x80, v4, vm0, $0xb8;
	[tilespmem:$0x1D100] =	vst v63  }
0x286: {  	s18 =	simm.s32 $0x1A900  }
0x287: {  	[tilespmem:s18], [sflag:$0x5] =	stream.indirect_vreg.gather [hbm4b:s14+s6], $0x80, v3, vm0, $0xb8;
	[tilespmem:$0x1D100] =	vst v63  }
0x288: {  	v3 =	vld [tilespmem:$0x1060];
	_ =	sdelay $0x4  }
0x289: {  	v62 =	vshll.u32 v3, $0x1  }
0x28a: {  	v3 =	vand.u32 $0x7, v3;
	v4 =	vand.u32 $0xFFFFFFF0, v62  }
0x28b: {  	v3 =	vor.u32 v3, v4  }
0x28c: {  	v4 =	vperm.xlane v3, v0;
	_ =	sdelay $0x1  }
0x28d: {  	v3 =	vperm.xlane v3, v2;
	v4 =	vadd.s32 v1, v4;
	_ =	sdelay $0x1  }
0x28e: {  	v3 =	vadd.s32 v1, v3;
	_ =	sdelay $0x2  }
0x28f: {  	[tilespmem:s20], [sflag:$0x5] =	stream.indirect_vreg.gather [hbm4b:s14+s6], $0x80, v4, vm0, $0xb8;
	[tilespmem:$0x1D100] =	vst v63  }
0x290: {  	s20 =	simm.s32 $0x1B900  }
0x291: {  	[tilespmem:s20], [sflag:$0x5] =	stream.indirect_vreg.gather [hbm4b:s14+s6], $0x80, v3, vm0, $0xb8;
	[tilespmem:$0x1D100] =	vst v63  }
0x292: {  	v3 =	vld [tilespmem:$0x1070];
	_ =	sdelay $0x4  }
0x293: {  	v63 =	vshll.u32 v3, $0x1  }
0x294: {  	v3 =	vand.u32 $0x7, v3;
	v4 =	vand.u32 $0xFFFFFFF0, v63  }
0x295: {  	v3 =	vor.u32 v3, v4  }
0x296: {  	v4 =	vperm.xlane v3, v0;
	_ =	sdelay $0x1  }
0x297: {  	v3 =	vperm.xlane v3, v2;
	v4 =	vadd.s32 v1, v4;
	_ =	sdelay $0x1  }
0x298: {  	v3 =	vadd.s32 v1, v3;
	_ =	sdelay $0x2  }
0x299: {  	[tilespmem:s4], [sflag:$0x5] =	stream.indirect_vreg.gather [hbm4b:s14+s6], $0x80, v4, vm0, $0xb8;
	[tilespmem:$0x1D100] =	vst v63  }
0x29a: {  	s4 =	simm.s32 $0x1C900  }
0x29b: {  	[tilespmem:s4], [sflag:$0x5] =	stream.indirect_vreg.gather [hbm4b:s14+s6], $0x80, v3, vm0, $0xb8;
	[tilespmem:$0x1D100] =	vst v63  }
0x29c: {  	_ =	swait.ge [sflag:s17], $0x4000  }
0x29d: {  	[sflag:s17] =	ssyncset.done $0x0  }
0x29e: {  	[sflag:s17] =	ssyncadd.s32 $0xFFFFC000;
	s17 =	rddreg [dreg:$0x8]  }
0x29f: {  	[hbm4b:s17+s6] =	stream.linear.scatter [tilespmem:s19], [sflag:$0x7], $0x4000, $0x38;
	[tilespmem:$0x1D100] =	vst v63  }
0x2a0: {  	s17 =	simm.s32 $0x7  }
0x2a1: {  	_ =	swait.ge [sflag:s17], $0x4000  }
0x2a2: {  	s18 =	rddreg [dreg:$0xa]  }
0x2a3: {  	s20 =	rddreg [dreg:$0x9];
	s4 =	sadd.s32 $0x1, s18  }
0x2a4: {  	p0 =	sne.s32 s4, s20  }
.Ltmp3:
0x2a5: {  	_ = 	snop;
	(pc) =	sbr.rel @p0 .LBB2_1-.Ltmp3, $3  }
0x2a6: {  	_ =	sdelay $0x1  }
0x2a7: {  	[sflag:s17] =	ssyncset.done $0x0  }
0x2a8: {  	[sflag:s17] =	ssyncadd.s32 $0xFFFFC000  }
0x2a9: {  	_ =	sfence.sel $0x180000  }
0x2aa: {  	[bflag:$0x0] =	sbarrier.arrive $0xFFFF  }
0x2ab: {  	_ =	strace $0x90000047  }
0x2ac: {  	s0 =	stileid.u32;
	[bflag:$0x2] =	sbarrier.arrive $0xFFFF  }
0x2ad: {  	p0 =	sne.s32 s0, $0x0;
	s0 =	rddreg [dreg:$0x5]  }
0x2ae: {  	s0 =	sadd.s32 @!p0 $0x100000, s0  }
0x2af: {  	[sflag:s0] =	ssyncadd.tile.s32 @!p0 $0x1;
	_ =	shalt  }
.Lfunc_end2:
_tile_overlayer_lowered:
.L_overlay_start_2:
0x2b0: {  	(tag) =	ssettag $0x2  }
0x2b1: {  	s0 =	rddreg [dreg:$0x0];
	s2 =	stileid.u32  }
0x2b2: {  	s1 =	rddreg [dreg:$0x1];
	p0 =	sne.s32 s2, $0x0  }
0x2b3: {  	s3 =	rddreg [dreg:$0x2];
	[bflag:$0x3] =	sbarrier.arrive $0xFFFF;
	s2 =	simm.s32 @!p0 $0x1C07  }
0x2b4: {  	[timem:s3], [sflag:s2] =	dma.local @!p0 [hbm:s0], s1  }
0x2b5: {  	s0 =	simm.s32 @!p0 $0x7  }
0x2b6: {  	_ =	swait.ge @!p0 [sflag:s0], s1  }
0x2b7: {  	s1 =	ssub.s32 @!p0 $0x0, s1;
	[sflag:s0] =	ssyncset.done @!p0 $0x0  }
0x2b8: {  	[sflag:s0] =	ssyncadd.s32 @!p0 s1  }
0x2b9: {  	[bflag:$0x3] =	sbarrier.arrive $0xFFFF  }
0x2ba: {  	_ =	shalt  }

</sc_bundles>
